<compile_context>
chip_gen: v7x
topology: tpu7x:2x2x1
jax: 0.10.2.dev20260603
libtpu: 0.0.44.dev20260713+nightly
codegen_flags: <defaults>
</compile_context>

<pallas_src>
import functools

import jax
import jax.numpy as jnp
import numpy as np
from jax import lax
from jax.experimental import pallas as pl
from jax.experimental.pallas import tpu as pltpu
from jax.experimental.pallas import tpu_sc as plsc

B, N_SUM, P = 4, 2048, 64
NUM_BASES = 16
DIST_LO, DIST_HI = 0.0, 10.0
ANG_LO, ANG_HI = -1.0, 1.0


def _split3(x):
    h = x.astype(jnp.bfloat16).astype(jnp.float32)
    r = x - h
    m = r.astype(jnp.bfloat16).astype(jnp.float32)
    return h, m, r - m


def _exact_dot(x, sel, dims):
    parts = [
        jax.lax.dot_general(p, sel, (dims, ((), ())),
                            preferred_element_type=jnp.float32)
        for p in _split3(x)
    ]
    return (parts[0] + parts[1]) + parts[2]


def _pair_kernel(pcs_ref, n_ref, w_ref, b_ref, c_out, idx_out):
    counts = n_ref[0].astype(jnp.float32)
    iota_q = lax.broadcasted_iota(jnp.int32, (P, P), 0).astype(jnp.float32)
    iota_p = lax.broadcasted_iota(jnp.int32, (P, P), 1).astype(jnp.float32)
    lt = (iota_q <= iota_p).astype(jnp.float32)
    cum = jnp.dot(counts, lt, preferred_element_type=jnp.float32,
                  precision=lax.Precision.HIGHEST)
    total = cum[:, P - 1 :]

    iota_n = lax.broadcasted_iota(jnp.int32, (N_SUM, P), 0).astype(jnp.float32)
    cum_b = jnp.broadcast_to(cum, (N_SUM, P))
    pp = jnp.sum((iota_n >= cum_b).astype(jnp.float32), axis=1, keepdims=True)
    valid = (iota_n[:, :1] < total).astype(jnp.float32)
    pidx = jnp.where(valid > 0.0, jnp.minimum(pp, float(P - 1)), 0.0)
    part_iota = lax.broadcasted_iota(jnp.int32, (N_SUM, P), 1).astype(jnp.float32)
    oh = (pidx == part_iota).astype(jnp.float32)

    ohv = oh * valid
    pcs = pcs_ref[0].astype(jnp.bfloat16).astype(jnp.float32)
    sums = jnp.concatenate(
        [jnp.sum(ohv * pcs[:, d : d + 1], axis=0, keepdims=True)
         for d in range(3)],
        axis=0,
    )
    cent = sums / jnp.maximum(counts, 1.0)

    offdiag = (iota_q != iota_p).astype(jnp.float32)
    diff = (cent[:, :, None] - cent[:, None, :]) * offdiag[None, :, :]
    d2 = jnp.sum(diff * diff, axis=0)
    distances = jnp.sqrt(jnp.maximum(d2, 1e-24))
    vnorm = jnp.maximum(jnp.sqrt(jnp.maximum(d2, 1e-16)), 1e-8)
    vhat = diff / vnorm[None, :, :]

    def _r(x):
        return x.astype(jnp.bfloat16).astype(jnp.float32)

    wd = (DIST_HI - DIST_LO) / (NUM_BASES - 1)
    cd = np.float32(-0.5 / (wd * wd))
    offs_d = np.linspace(DIST_LO, DIST_HI, NUM_BASES, dtype=np.float32)
    dist_c = jnp.zeros((P, P), jnp.float32)
    for base in range(NUM_BASES):
        dd = distances - offs_d[base]
        dist_c = dist_c + _r(w_ref[0, base]) * _r(jnp.exp(cd * dd * dd))

    vr = _r(vhat)
    cos3 = vr[0][:, :, None] * vr[0][:, None, :]
    cos3 += vr[1][:, :, None] * vr[1][:, None, :]
    cos3 += vr[2][:, :, None] * vr[2][:, None, :]
    cos3 = jnp.clip(cos3, -1.0, 1.0)

    wa_ = (ANG_HI - ANG_LO) / (NUM_BASES - 1)
    ca = np.float32(-0.5 / (wa_ * wa_))
    offs_a = np.linspace(ANG_LO, ANG_HI, NUM_BASES, dtype=np.float32)
    kmask = (counts > 0.0).astype(jnp.float32)
    s = jnp.zeros((P, P), jnp.float32)
    for base in range(NUM_BASES):
        da = cos3 - offs_a[base]
        a_b = jnp.sum(jnp.exp(ca * da * da) * kmask[None, :, :], axis=2)
        s = s + _r(w_ref[0, NUM_BASES + base]) * _r(a_b)

    ident = (iota_q == iota_p).astype(jnp.float32)
    s_t = _exact_dot(s, ident, ((0,), (0,)))
    pair_bias = dist_c + s_t + b_ref[0, 0]

    c_out[0] = _exact_dot(pair_bias, oh, ((1,), (1,)))

    ones_row = jnp.ones((1, P), jnp.float32)
    pp_row = jax.lax.dot_general(
        ones_row, (iota_n >= cum_b).astype(jnp.float32), (((1,), (1,)), ((), ())),
        preferred_element_type=jnp.float32, precision=lax.Precision.HIGHEST,
    )
    iota_row = lax.broadcasted_iota(jnp.int32, (1, N_SUM), 1).astype(jnp.float32)
    valid_row = iota_row < total
    pidx_row = jnp.where(valid_row, jnp.minimum(pp_row, float(P - 1)), 0.0)
    idx_out[0] = pidx_row.astype(jnp.int32) + lax.rem(pl.program_id(0), 2) * P


def _pair_stage(part_pcs, n_pcs, W, b):
    n3 = n_pcs.reshape(B, 1, P)
    b2 = b.reshape(1, 1)
    return pl.pallas_call(
        _pair_kernel,
        grid=(B,),
        in_specs=[
            pl.BlockSpec((1, N_SUM, 3), lambda bb: (bb, 0, 0)),
            pl.BlockSpec((1, 1, P), lambda bb: (bb, 0, 0)),
            pl.BlockSpec(memory_space=pltpu.SMEM),
            pl.BlockSpec(memory_space=pltpu.SMEM),
        ],
        out_specs=[
            pl.BlockSpec((1, P, N_SUM), lambda bb: (bb, 0, 0)),
            pl.BlockSpec((1, 1, N_SUM), lambda bb: (bb, 0, 0)),
        ],
        out_shape=[
            jax.ShapeDtypeStruct((B, P, N_SUM), jnp.float32),
            jax.ShapeDtypeStruct((B, 1, N_SUM), jnp.int32),
        ],
    )(part_pcs, n3, W, b2)


ROWS_TOTAL = B * N_SUM
CHUNK = 16
NBUF = 3


def _make_sc_expand():
    info = plsc.get_sparse_core_info()
    nc, ns = info.num_cores, info.num_subcores
    nw = nc * ns
    rpw = ROWS_TOTAL // nw
    nchunk = rpw // CHUNK
    mesh = plsc.VectorSubcoreMesh(core_axis_name="c", subcore_axis_name="s")

    @functools.partial(
        pl.kernel,
        mesh=mesh,
        out_type=jax.ShapeDtypeStruct((ROWS_TOTAL, N_SUM), jnp.float32),
        scratch_types=[
            pltpu.VMEM((rpw,), jnp.int32),
        ]
        + [pltpu.VMEM((CHUNK, N_SUM), jnp.float32) for _ in range(NBUF)]
        + [pltpu.SemaphoreType.DMA for _ in range(2 * NBUF)],
    )
    def sc_expand(table_hbm, idx_hbm, out_hbm, idx_v, *bufs_sems):
        bufs = bufs_sems[:NBUF]
        gsems = bufs_sems[NBUF : 2 * NBUF]
        ssems = bufs_sems[2 * NBUF :]
        sid = lax.axis_index("s")
        cid = lax.axis_index("c")
        base = cid * (2 * N_SUM) + sid * rpw
        tbl = table_hbm.at[pl.ds(cid * 2 * P, 2 * P)]
        pltpu.sync_copy(idx_hbm.at[pl.ds(base, rpw)], idx_v)
        gcp = [None] * nchunk
        scp = [None] * nchunk
        for c in range(NBUF):
            gcp[c] = pltpu.async_copy(
                tbl.at[idx_v.at[pl.ds(c * CHUNK, CHUNK)]],
                bufs[c], gsems[c],
            )
        for c in range(nchunk):
            n = c + NBUF - 1
            if c >= 1 and n < nchunk:
                scp[c - 1].wait()
                gcp[n] = pltpu.async_copy(
                    tbl.at[idx_v.at[pl.ds(n * CHUNK, CHUNK)]],
                    bufs[n % NBUF], gsems[n % NBUF],
                )
            gcp[c].wait()
            scp[c] = pltpu.async_copy(
                bufs[c % NBUF], out_hbm.at[pl.ds(base + c * CHUNK, CHUNK)],
                ssems[c % NBUF],
            )
        for c in range(max(nchunk - NBUF, 0), nchunk):
            scp[c].wait()

    return sc_expand


@jax.jit
def kernel(part_pcs, n_pcs, W, b):
    c_tab, idx = _pair_stage(part_pcs, n_pcs, W, b)
    table = c_tab.reshape(B * P, N_SUM)
    idx_flat = idx.reshape(ROWS_TOTAL)
    out = _make_sc_expand()(table, idx_flat)
    return out.reshape(B, 1, N_SUM, N_SUM)

# --- scband reference (transcript-rebuilt; emitter-appended) ---
"""Pipeline reference for scband-pair-geometric-encoder-7387343749846 (READ-ONLY COPY).

The authoritative reference and input builder live on the scoring server;
editing this copy changes nothing except your own understanding.
"""

import jax, jax.numpy as jnp
import numpy as np

B, N_SUM, P = 4, 2048, 64
NUM_BASES = 16
DIST_LO, DIST_HI = 0.0, 10.0
ANG_LO, ANG_HI = -1.0, 1.0


def gaussian_rbf(x, low, high, num_bases):
    offsets = jnp.linspace(low, high, num_bases, dtype=jnp.float32)
    width = (high - low) / (num_bases - 1)
    coeff = -0.5 / (width * width)
    return jnp.exp(coeff * (x[..., None] - offsets) ** 2)


def setup_inputs(seed: int = 0) -> dict:
    key = jax.random.key(seed)
    k1, k2, k3 = jax.random.split(key, 3)
    part_pcs = jax.random.normal(k1, (B, N_SUM, 3), dtype=jnp.float32)
    n_pcs = jax.random.randint(k2, (B, P), 0, 32, dtype=jnp.int32)
    W = jax.random.normal(k3, (1, NUM_BASES * 2), dtype=jnp.float32) * 0.1
    b = jnp.zeros((1,), dtype=jnp.float32)
    return {"part_pcs": part_pcs, "n_pcs": n_pcs, "W": W, "b": b}


def _forward(part_pcs, W, b, n_pcs):
    dt = part_pcs.dtype
    cum = jnp.cumsum(n_pcs, axis=1)                       # [B, P]
    idx = jnp.arange(N_SUM)
    # part id of each point slot (searchsorted over cumulative part sizes)
    point_part = jax.vmap(lambda c: jnp.searchsorted(c, idx, side="right"))(cum)  # [B, N_SUM]
    valid = idx[None, :] < cum[:, -1:]                    # [B, N_SUM]
    pidx = jnp.where(valid, jnp.minimum(point_part, P - 1), 0)
    # centroids: p_i = (1/N_i) sum x_j  (zeros for empty parts, like torch)
    onehot = jax.nn.one_hot(pidx, P, dtype=dt) * valid[..., None].astype(dt)
    sums = jnp.einsum("bnp,bnd->bpd", onehot, part_pcs)   # [B, P, 3]
    counts = n_pcs.astype(dt)
    centroids = sums / jnp.maximum(counts, 1.0)[..., None]
    # pairwise distances ||p_i - p_j||
    diff = centroids[:, :, None, :] - centroids[:, None, :, :]   # [B, P, P, 3]
    distances = jnp.sqrt(jnp.maximum(jnp.sum(diff * diff, axis=-1), 1e-24))
    dist_feat = gaussian_rbf(distances, DIST_LO, DIST_HI, NUM_BASES)  # [B,P,P,nb]
    # triplet angles
    v = diff
    v_norm = jnp.sqrt(jnp.maximum(jnp.sum(v * v, axis=-1, keepdims=True), 1e-16))
    v_norm = jnp.maximum(v_norm, 1e-8)
    v_hat = v / v_norm
    cos = jnp.einsum("bijd,bikd->bijk", v_hat, v_hat)     # [B,P,P,P]
    cos = jnp.clip(cos, -1.0, 1.0)
    cos = jnp.transpose(cos, (0, 2, 1, 3))
    rbf = gaussian_rbf(cos, ANG_LO, ANG_HI, NUM_BASES)    # [B,P,P,P,nb]
    kmask = (n_pcs > 0).astype(dt)[:, None, None, :, None]
    angle_feat = jnp.sum(rbf * kmask, axis=3)             # [B,P,P,nb]
    pair_features = jnp.concatenate([dist_feat, angle_feat], axis=-1)  # [B,P,P,2nb]
    pair_bias = (pair_features @ W.T + b)[..., 0]         # [B,P,P]
    # expand part-level bias to point-level via double gather
    def expand(pb_b, pidx_b):
        return pb_b[pidx_b][:, pidx_b]
    point_bias = jax.vmap(expand)(pair_bias, pidx)        # [B,N_SUM,N_SUM]
    return point_bias[:, None, :, :]


def reference(part_pcs, n_pcs, W, b):
    return _forward(part_pcs, W, b, n_pcs)

if __name__ == "__main__":
    import jax
    _d = setup_inputs()
    print(jax.jit(kernel)(*tuple(_d.values())))

</pallas_src>

<mosaic_0001>
#map = affine_map<(d0, d1) -> (0, 0)>
#map1 = affine_map<(d0, d1) -> (0)>
module attributes {stable_mosaic.version = 14 : i64} {
  func.func @sc_expand(%arg0: i32, %arg1: i32, %arg2: memref<256x2048xf32, #tpu.memory_space<hbm>>, %arg3: memref<8192xi32, #tpu.memory_space<hbm>>, %arg4: memref<8192x2048xf32, #tpu.memory_space<hbm>>, %arg5: memref<256xi32, #tpu.memory_space<vmem>>, %arg6: memref<16x2048xf32, #tpu.memory_space<vmem>>, %arg7: memref<16x2048xf32, #tpu.memory_space<vmem>>, %arg8: memref<16x2048xf32, #tpu.memory_space<vmem>>, %arg9: memref<!tpu.dma_semaphore, #tpu.memory_space<semaphore_mem>>, %arg10: memref<!tpu.dma_semaphore, #tpu.memory_space<semaphore_mem>>, %arg11: memref<!tpu.dma_semaphore, #tpu.memory_space<semaphore_mem>>, %arg12: memref<!tpu.dma_semaphore, #tpu.memory_space<semaphore_mem>>, %arg13: memref<!tpu.dma_semaphore, #tpu.memory_space<semaphore_mem>>, %arg14: memref<!tpu.dma_semaphore, #tpu.memory_space<semaphore_mem>>) attributes {dimension_semantics = [#tpu.dimension_semantics<core_parallel>, #tpu.dimension_semantics<subcore_parallel>], iteration_bounds = array<i64: 2, 16>, scalar_prefetch = 0 : i64, scratch_operands = 10 : i64, tpu.core_type = #tpu.core_type<sc_vector_subcore>, window_params = [{transform_indices = #map}, {transform_indices = #map1}, {transform_indices = #map}]} {
    %mul3A = arith.constant 4096 : i32
    %mul3A_0 = arith.muli %arg0, %mul3A : i32
    %mul3A_1 = arith.constant 256 : i32
    %mul3A_2 = arith.muli %arg1, %mul3A_1 : i32
    %add3A = arith.addi %mul3A_0, %mul3A_2 : i32
    %mul3A_3 = arith.constant 2 : i32
    %mul3A_4 = arith.muli %arg0, %mul3A_3 : i32
    %mul3A_5 = arith.constant 64 : i32
    %mul3A_6 = arith.muli %mul3A_4, %mul3A_5 : i32
    "tpu.region"() ({
      %run_scoped3A = tpu.sem_alloc : memref<!tpu.dma_semaphore, #tpu.memory_space<semaphore_mem>>
      %dma_start3A_389 = tpu.memref_slice %arg3[%add3A] : memref<8192xi32, #tpu.memory_space<hbm>> -> memref<256xi32, #tpu.memory_space<hbm>>
      %dma_start3A_390 = tpu.memref_slice %arg3[%add3A] : memref<8192xi32, #tpu.memory_space<hbm>> -> memref<256xi32, #tpu.memory_space<hbm>>
      tpu.enqueue_dma source(%dma_start3A_390 : memref<256xi32, #tpu.memory_space<hbm>>) target(%arg5 : memref<256xi32, #tpu.memory_space<vmem>>) target_semaphore(%run_scoped3A : memref<!tpu.dma_semaphore, #tpu.memory_space<semaphore_mem>>)
      %dma_wait3A_391 = tpu.memref_slice %arg3[%add3A] : memref<8192xi32, #tpu.memory_space<hbm>> -> memref<256xi32, #tpu.memory_space<hbm>>
      %dma_wait3A_392 = tpu.memref_slice %arg3[%add3A] : memref<8192xi32, #tpu.memory_space<hbm>> -> memref<256xi32, #tpu.memory_space<hbm>>
      tpu.wait_dma2 semaphore(%run_scoped3A : memref<!tpu.dma_semaphore, #tpu.memory_space<semaphore_mem>>) src(%dma_wait3A_392 : memref<256xi32, #tpu.memory_space<hbm>>) dst(%arg5 : memref<256xi32, #tpu.memory_space<vmem>>)
      tpu.yield
    }) : () -> ()
    %dma_start3A = arith.constant 0 : i32
    %dma_start3A_7 = tpu.memref_slice %arg5[%dma_start3A] : memref<256xi32, #tpu.memory_space<vmem>> -> memref<16xi32, #tpu.memory_space<vmem>>
    %dma_start3A_8 = arith.constant 0 : i32
    %dma_start3A_9 = tpu.memref_slice %arg2[%mul3A_6, %dma_start3A_8] : memref<256x2048xf32, #tpu.memory_space<hbm>> -> memref<128x2048xf32, #tpu.memory_space<hbm>>
    %dma_start3A_10 = arith.constant 0 : i32
    %dma_start3A_11 = arith.constant 0 : i32
    %dma_start3A_12 = tpu.memref_slice %dma_start3A_9[%dma_start3A_10, %dma_start3A_11] : memref<128x2048xf32, #tpu.memory_space<hbm>> -> memref<128x2048xf32, #tpu.memory_space<hbm>>
    tpu.enqueue_indirect_dma source(%dma_start3A_12 : memref<128x2048xf32, #tpu.memory_space<hbm>>) target(%arg6 : memref<16x2048xf32, #tpu.memory_space<vmem>>) offsets(%dma_start3A_7 : memref<16xi32, #tpu.memory_space<vmem>>) semaphore(%arg9 : memref<!tpu.dma_semaphore, #tpu.memory_space<semaphore_mem>>)
    %dma_start3A_13 = arith.constant 16 : i32
    %dma_start3A_14 = tpu.memref_slice %arg5[%dma_start3A_13] : memref<256xi32, #tpu.memory_space<vmem>> -> memref<16xi32, #tpu.memory_space<vmem>>
    %dma_start3A_15 = arith.constant 0 : i32
    %dma_start3A_16 = tpu.memref_slice %arg2[%mul3A_6, %dma_start3A_15] : memref<256x2048xf32, #tpu.memory_space<hbm>> -> memref<128x2048xf32, #tpu.memory_space<hbm>>
    %dma_start3A_17 = arith.constant 0 : i32
    %dma_start3A_18 = arith.constant 0 : i32
    %dma_start3A_19 = tpu.memref_slice %dma_start3A_16[%dma_start3A_17, %dma_start3A_18] : memref<128x2048xf32, #tpu.memory_space<hbm>> -> memref<128x2048xf32, #tpu.memory_space<hbm>>
    tpu.enqueue_indirect_dma source(%dma_start3A_19 : memref<128x2048xf32, #tpu.memory_space<hbm>>) target(%arg7 : memref<16x2048xf32, #tpu.memory_space<vmem>>) offsets(%dma_start3A_14 : memref<16xi32, #tpu.memory_space<vmem>>) semaphore(%arg10 : memref<!tpu.dma_semaphore, #tpu.memory_space<semaphore_mem>>)
    %dma_start3A_20 = arith.constant 32 : i32
    %dma_start3A_21 = tpu.memref_slice %arg5[%dma_start3A_20] : memref<256xi32, #tpu.memory_space<vmem>> -> memref<16xi32, #tpu.memory_space<vmem>>
    %dma_start3A_22 = arith.constant 0 : i32
    %dma_start3A_23 = tpu.memref_slice %arg2[%mul3A_6, %dma_start3A_22] : memref<256x2048xf32, #tpu.memory_space<hbm>> -> memref<128x2048xf32, #tpu.memory_space<hbm>>
    %dma_start3A_24 = arith.constant 0 : i32
    %dma_start3A_25 = arith.constant 0 : i32
    %dma_start3A_26 = tpu.memref_slice %dma_start3A_23[%dma_start3A_24, %dma_start3A_25] : memref<128x2048xf32, #tpu.memory_space<hbm>> -> memref<128x2048xf32, #tpu.memory_space<hbm>>
    tpu.enqueue_indirect_dma source(%dma_start3A_26 : memref<128x2048xf32, #tpu.memory_space<hbm>>) target(%arg8 : memref<16x2048xf32, #tpu.memory_space<vmem>>) offsets(%dma_start3A_21 : memref<16xi32, #tpu.memory_space<vmem>>) semaphore(%arg11 : memref<!tpu.dma_semaphore, #tpu.memory_space<semaphore_mem>>)
    %dma_wait3A = arith.constant 0 : i32
    %dma_wait3A_27 = tpu.memref_slice %arg5[%dma_wait3A] : memref<256xi32, #tpu.memory_space<vmem>> -> memref<16xi32, #tpu.memory_space<vmem>>
    %dma_wait3A_28 = arith.constant 0 : i32
    %dma_wait3A_29 = tpu.memref_slice %arg2[%mul3A_6, %dma_wait3A_28] : memref<256x2048xf32, #tpu.memory_space<hbm>> -> memref<128x2048xf32, #tpu.memory_space<hbm>>
    %dma_wait3A_30 = arith.constant 0 : i32
    %dma_wait3A_31 = arith.constant 0 : i32
    %dma_wait3A_32 = tpu.memref_slice %dma_wait3A_29[%dma_wait3A_30, %dma_wait3A_31] : memref<128x2048xf32, #tpu.memory_space<hbm>> -> memref<128x2048xf32, #tpu.memory_space<hbm>>
    tpu.wait_indirect_dma semaphore(%arg9 : memref<!tpu.dma_semaphore, #tpu.memory_space<semaphore_mem>>) src(%dma_wait3A_32 : memref<128x2048xf32, #tpu.memory_space<hbm>>) dst(%arg6 : memref<16x2048xf32, #tpu.memory_space<vmem>>)
    %add3A_33 = arith.constant 0 : i32
    %add3A_34 = arith.addi %add3A, %add3A_33 : i32
    %dma_start3A_35 = arith.constant 0 : i32
    %dma_start3A_36 = tpu.memref_slice %arg4[%add3A_34, %dma_start3A_35] : memref<8192x2048xf32, #tpu.memory_space<hbm>> -> memref<16x2048xf32, #tpu.memory_space<hbm>>
    %dma_start3A_37 = arith.constant 0 : i32
    %dma_start3A_38 = tpu.memref_slice %arg4[%add3A_34, %dma_start3A_37] : memref<8192x2048xf32, #tpu.memory_space<hbm>> -> memref<16x2048xf32, #tpu.memory_space<hbm>>
    tpu.enqueue_dma source(%arg6 : memref<16x2048xf32, #tpu.memory_space<vmem>>) target(%dma_start3A_38 : memref<16x2048xf32, #tpu.memory_space<hbm>>) target_semaphore(%arg12 : memref<!tpu.dma_semaphore, #tpu.memory_space<semaphore_mem>>)
    %dma_wait3A_39 = arith.constant 0 : i32
    %dma_wait3A_40 = tpu.memref_slice %arg4[%add3A_34, %dma_wait3A_39] : memref<8192x2048xf32, #tpu.memory_space<hbm>> -> memref<16x2048xf32, #tpu.memory_space<hbm>>
    %dma_wait3A_41 = arith.constant 0 : i32
    %dma_wait3A_42 = tpu.memref_slice %arg4[%add3A_34, %dma_wait3A_41] : memref<8192x2048xf32, #tpu.memory_space<hbm>> -> memref<16x2048xf32, #tpu.memory_space<hbm>>
    tpu.wait_dma2 semaphore(%arg12 : memref<!tpu.dma_semaphore, #tpu.memory_space<semaphore_mem>>) src(%arg6 : memref<16x2048xf32, #tpu.memory_space<vmem>>) dst(%dma_wait3A_42 : memref<16x2048xf32, #tpu.memory_space<hbm>>)
    %dma_start3A_43 = arith.constant 48 : i32
    %dma_start3A_44 = tpu.memref_slice %arg5[%dma_start3A_43] : memref<256xi32, #tpu.memory_space<vmem>> -> memref<16xi32, #tpu.memory_space<vmem>>
    %dma_start3A_45 = arith.constant 0 : i32
    %dma_start3A_46 = tpu.memref_slice %arg2[%mul3A_6, %dma_start3A_45] : memref<256x2048xf32, #tpu.memory_space<hbm>> -> memref<128x2048xf32, #tpu.memory_space<hbm>>
    %dma_start3A_47 = arith.constant 0 : i32
    %dma_start3A_48 = arith.constant 0 : i32
    %dma_start3A_49 = tpu.memref_slice %dma_start3A_46[%dma_start3A_47, %dma_start3A_48] : memref<128x2048xf32, #tpu.memory_space<hbm>> -> memref<128x2048xf32, #tpu.memory_space<hbm>>
    tpu.enqueue_indirect_dma source(%dma_start3A_49 : memref<128x2048xf32, #tpu.memory_space<hbm>>) target(%arg6 : memref<16x2048xf32, #tpu.memory_space<vmem>>) offsets(%dma_start3A_44 : memref<16xi32, #tpu.memory_space<vmem>>) semaphore(%arg9 : memref<!tpu.dma_semaphore, #tpu.memory_space<semaphore_mem>>)
    %dma_wait3A_50 = arith.constant 16 : i32
    %dma_wait3A_51 = tpu.memref_slice %arg5[%dma_wait3A_50] : memref<256xi32, #tpu.memory_space<vmem>> -> memref<16xi32, #tpu.memory_space<vmem>>
    %dma_wait3A_52 = arith.constant 0 : i32
    %dma_wait3A_53 = tpu.memref_slice %arg2[%mul3A_6, %dma_wait3A_52] : memref<256x2048xf32, #tpu.memory_space<hbm>> -> memref<128x2048xf32, #tpu.memory_space<hbm>>
    %dma_wait3A_54 = arith.constant 0 : i32
    %dma_wait3A_55 = arith.constant 0 : i32
    %dma_wait3A_56 = tpu.memref_slice %dma_wait3A_53[%dma_wait3A_54, %dma_wait3A_55] : memref<128x2048xf32, #tpu.memory_space<hbm>> -> memref<128x2048xf32, #tpu.memory_space<hbm>>
    tpu.wait_indirect_dma semaphore(%arg10 : memref<!tpu.dma_semaphore, #tpu.memory_space<semaphore_mem>>) src(%dma_wait3A_56 : memref<128x2048xf32, #tpu.memory_space<hbm>>) dst(%arg7 : memref<16x2048xf32, #tpu.memory_space<vmem>>)
    %add3A_57 = arith.constant 16 : i32
    %add3A_58 = arith.addi %add3A, %add3A_57 : i32
    %dma_start3A_59 = arith.constant 0 : i32
    %dma_start3A_60 = tpu.memref_slice %arg4[%add3A_58, %dma_start3A_59] : memref<8192x2048xf32, #tpu.memory_space<hbm>> -> memref<16x2048xf32, #tpu.memory_space<hbm>>
    %dma_start3A_61 = arith.constant 0 : i32
    %dma_start3A_62 = tpu.memref_slice %arg4[%add3A_58, %dma_start3A_61] : memref<8192x2048xf32, #tpu.memory_space<hbm>> -> memref<16x2048xf32, #tpu.memory_space<hbm>>
    tpu.enqueue_dma source(%arg7 : memref<16x2048xf32, #tpu.memory_space<vmem>>) target(%dma_start3A_62 : memref<16x2048xf32, #tpu.memory_space<hbm>>) target_semaphore(%arg13 : memref<!tpu.dma_semaphore, #tpu.memory_space<semaphore_mem>>)
    %dma_wait3A_63 = arith.constant 0 : i32
    %dma_wait3A_64 = tpu.memref_slice %arg4[%add3A_58, %dma_wait3A_63] : memref<8192x2048xf32, #tpu.memory_space<hbm>> -> memref<16x2048xf32, #tpu.memory_space<hbm>>
    %dma_wait3A_65 = arith.constant 0 : i32
    %dma_wait3A_66 = tpu.memref_slice %arg4[%add3A_58, %dma_wait3A_65] : memref<8192x2048xf32, #tpu.memory_space<hbm>> -> memref<16x2048xf32, #tpu.memory_space<hbm>>
    tpu.wait_dma2 semaphore(%arg13 : memref<!tpu.dma_semaphore, #tpu.memory_space<semaphore_mem>>) src(%arg7 : memref<16x2048xf32, #tpu.memory_space<vmem>>) dst(%dma_wait3A_66 : memref<16x2048xf32, #tpu.memory_space<hbm>>)
    %dma_start3A_67 = arith.constant 64 : i32
    %dma_start3A_68 = tpu.memref_slice %arg5[%dma_start3A_67] : memref<256xi32, #tpu.memory_space<vmem>> -> memref<16xi32, #tpu.memory_space<vmem>>
    %dma_start3A_69 = arith.constant 0 : i32
    %dma_start3A_70 = tpu.memref_slice %arg2[%mul3A_6, %dma_start3A_69] : memref<256x2048xf32, #tpu.memory_space<hbm>> -> memref<128x2048xf32, #tpu.memory_space<hbm>>
    %dma_start3A_71 = arith.constant 0 : i32
    %dma_start3A_72 = arith.constant 0 : i32
    %dma_start3A_73 = tpu.memref_slice %dma_start3A_70[%dma_start3A_71, %dma_start3A_72] : memref<128x2048xf32, #tpu.memory_space<hbm>> -> memref<128x2048xf32, #tpu.memory_space<hbm>>
    tpu.enqueue_indirect_dma source(%dma_start3A_73 : memref<128x2048xf32, #tpu.memory_space<hbm>>) target(%arg7 : memref<16x2048xf32, #tpu.memory_space<vmem>>) offsets(%dma_start3A_68 : memref<16xi32, #tpu.memory_space<vmem>>) semaphore(%arg10 : memref<!tpu.dma_semaphore, #tpu.memory_space<semaphore_mem>>)
    %dma_wait3A_74 = arith.constant 32 : i32
    %dma_wait3A_75 = tpu.memref_slice %arg5[%dma_wait3A_74] : memref<256xi32, #tpu.memory_space<vmem>> -> memref<16xi32, #tpu.memory_space<vmem>>
    %dma_wait3A_76 = arith.constant 0 : i32
    %dma_wait3A_77 = tpu.memref_slice %arg2[%mul3A_6, %dma_wait3A_76] : memref<256x2048xf32, #tpu.memory_space<hbm>> -> memref<128x2048xf32, #tpu.memory_space<hbm>>
    %dma_wait3A_78 = arith.constant 0 : i32
    %dma_wait3A_79 = arith.constant 0 : i32
    %dma_wait3A_80 = tpu.memref_slice %dma_wait3A_77[%dma_wait3A_78, %dma_wait3A_79] : memref<128x2048xf32, #tpu.memory_space<hbm>> -> memref<128x2048xf32, #tpu.memory_space<hbm>>
    tpu.wait_indirect_dma semaphore(%arg11 : memref<!tpu.dma_semaphore, #tpu.memory_space<semaphore_mem>>) src(%dma_wait3A_80 : memref<128x2048xf32, #tpu.memory_space<hbm>>) dst(%arg8 : memref<16x2048xf32, #tpu.memory_space<vmem>>)
    %add3A_81 = arith.constant 32 : i32
    %add3A_82 = arith.addi %add3A, %add3A_81 : i32
    %dma_start3A_83 = arith.constant 0 : i32
    %dma_start3A_84 = tpu.memref_slice %arg4[%add3A_82, %dma_start3A_83] : memref<8192x2048xf32, #tpu.memory_space<hbm>> -> memref<16x2048xf32, #tpu.memory_space<hbm>>
    %dma_start3A_85 = arith.constant 0 : i32
    %dma_start3A_86 = tpu.memref_slice %arg4[%add3A_82, %dma_start3A_85] : memref<8192x2048xf32, #tpu.memory_space<hbm>> -> memref<16x2048xf32, #tpu.memory_space<hbm>>
    tpu.enqueue_dma source(%arg8 : memref<16x2048xf32, #tpu.memory_space<vmem>>) target(%dma_start3A_86 : memref<16x2048xf32, #tpu.memory_space<hbm>>) target_semaphore(%arg14 : memref<!tpu.dma_semaphore, #tpu.memory_space<semaphore_mem>>)
    %dma_wait3A_87 = arith.constant 0 : i32
    %dma_wait3A_88 = tpu.memref_slice %arg4[%add3A_82, %dma_wait3A_87] : memref<8192x2048xf32, #tpu.memory_space<hbm>> -> memref<16x2048xf32, #tpu.memory_space<hbm>>
    %dma_wait3A_89 = arith.constant 0 : i32
    %dma_wait3A_90 = tpu.memref_slice %arg4[%add3A_82, %dma_wait3A_89] : memref<8192x2048xf32, #tpu.memory_space<hbm>> -> memref<16x2048xf32, #tpu.memory_space<hbm>>
    tpu.wait_dma2 semaphore(%arg14 : memref<!tpu.dma_semaphore, #tpu.memory_space<semaphore_mem>>) src(%arg8 : memref<16x2048xf32, #tpu.memory_space<vmem>>) dst(%dma_wait3A_90 : memref<16x2048xf32, #tpu.memory_space<hbm>>)
    %dma_start3A_91 = arith.constant 80 : i32
    %dma_start3A_92 = tpu.memref_slice %arg5[%dma_start3A_91] : memref<256xi32, #tpu.memory_space<vmem>> -> memref<16xi32, #tpu.memory_space<vmem>>
    %dma_start3A_93 = arith.constant 0 : i32
    %dma_start3A_94 = tpu.memref_slice %arg2[%mul3A_6, %dma_start3A_93] : memref<256x2048xf32, #tpu.memory_space<hbm>> -> memref<128x2048xf32, #tpu.memory_space<hbm>>
    %dma_start3A_95 = arith.constant 0 : i32
    %dma_start3A_96 = arith.constant 0 : i32
    %dma_start3A_97 = tpu.memref_slice %dma_start3A_94[%dma_start3A_95, %dma_start3A_96] : memref<128x2048xf32, #tpu.memory_space<hbm>> -> memref<128x2048xf32, #tpu.memory_space<hbm>>
    tpu.enqueue_indirect_dma source(%dma_start3A_97 : memref<128x2048xf32, #tpu.memory_space<hbm>>) target(%arg8 : memref<16x2048xf32, #tpu.memory_space<vmem>>) offsets(%dma_start3A_92 : memref<16xi32, #tpu.memory_space<vmem>>) semaphore(%arg11 : memref<!tpu.dma_semaphore, #tpu.memory_space<semaphore_mem>>)
    %dma_wait3A_98 = arith.constant 48 : i32
    %dma_wait3A_99 = tpu.memref_slice %arg5[%dma_wait3A_98] : memref<256xi32, #tpu.memory_space<vmem>> -> memref<16xi32, #tpu.memory_space<vmem>>
    %dma_wait3A_100 = arith.constant 0 : i32
    %dma_wait3A_101 = tpu.memref_slice %arg2[%mul3A_6, %dma_wait3A_100] : memref<256x2048xf32, #tpu.memory_space<hbm>> -> memref<128x2048xf32, #tpu.memory_space<hbm>>
    %dma_wait3A_102 = arith.constant 0 : i32
    %dma_wait3A_103 = arith.constant 0 : i32
    %dma_wait3A_104 = tpu.memref_slice %dma_wait3A_101[%dma_wait3A_102, %dma_wait3A_103] : memref<128x2048xf32, #tpu.memory_space<hbm>> -> memref<128x2048xf32, #tpu.memory_space<hbm>>
    tpu.wait_indirect_dma semaphore(%arg9 : memref<!tpu.dma_semaphore, #tpu.memory_space<semaphore_mem>>) src(%dma_wait3A_104 : memref<128x2048xf32, #tpu.memory_space<hbm>>) dst(%arg6 : memref<16x2048xf32, #tpu.memory_space<vmem>>)
    %add3A_105 = arith.constant 48 : i32
    %add3A_106 = arith.addi %add3A, %add3A_105 : i32
    %dma_start3A_107 = arith.constant 0 : i32
    %dma_start3A_108 = tpu.memref_slice %arg4[%add3A_106, %dma_start3A_107] : memref<8192x2048xf32, #tpu.memory_space<hbm>> -> memref<16x2048xf32, #tpu.memory_space<hbm>>
    %dma_start3A_109 = arith.constant 0 : i32
    %dma_start3A_110 = tpu.memref_slice %arg4[%add3A_106, %dma_start3A_109] : memref<8192x2048xf32, #tpu.memory_space<hbm>> -> memref<16x2048xf32, #tpu.memory_space<hbm>>
    tpu.enqueue_dma source(%arg6 : memref<16x2048xf32, #tpu.memory_space<vmem>>) target(%dma_start3A_110 : memref<16x2048xf32, #tpu.memory_space<hbm>>) target_semaphore(%arg12 : memref<!tpu.dma_semaphore, #tpu.memory_space<semaphore_mem>>)
    %dma_wait3A_111 = arith.constant 0 : i32
    %dma_wait3A_112 = tpu.memref_slice %arg4[%add3A_106, %dma_wait3A_111] : memref<8192x2048xf32, #tpu.memory_space<hbm>> -> memref<16x2048xf32, #tpu.memory_space<hbm>>
    %dma_wait3A_113 = arith.constant 0 : i32
    %dma_wait3A_114 = tpu.memref_slice %arg4[%add3A_106, %dma_wait3A_113] : memref<8192x2048xf32, #tpu.memory_space<hbm>> -> memref<16x2048xf32, #tpu.memory_space<hbm>>
    tpu.wait_dma2 semaphore(%arg12 : memref<!tpu.dma_semaphore, #tpu.memory_space<semaphore_mem>>) src(%arg6 : memref<16x2048xf32, #tpu.memory_space<vmem>>) dst(%dma_wait3A_114 : memref<16x2048xf32, #tpu.memory_space<hbm>>)
    %dma_start3A_115 = arith.constant 96 : i32
    %dma_start3A_116 = tpu.memref_slice %arg5[%dma_start3A_115] : memref<256xi32, #tpu.memory_space<vmem>> -> memref<16xi32, #tpu.memory_space<vmem>>
    %dma_start3A_117 = arith.constant 0 : i32
    %dma_start3A_118 = tpu.memref_slice %arg2[%mul3A_6, %dma_start3A_117] : memref<256x2048xf32, #tpu.memory_space<hbm>> -> memref<128x2048xf32, #tpu.memory_space<hbm>>
    %dma_start3A_119 = arith.constant 0 : i32
    %dma_start3A_120 = arith.constant 0 : i32
    %dma_start3A_121 = tpu.memref_slice %dma_start3A_118[%dma_start3A_119, %dma_start3A_120] : memref<128x2048xf32, #tpu.memory_space<hbm>> -> memref<128x2048xf32, #tpu.memory_space<hbm>>
    tpu.enqueue_indirect_dma source(%dma_start3A_121 : memref<128x2048xf32, #tpu.memory_space<hbm>>) target(%arg6 : memref<16x2048xf32, #tpu.memory_space<vmem>>) offsets(%dma_start3A_116 : memref<16xi32, #tpu.memory_space<vmem>>) semaphore(%arg9 : memref<!tpu.dma_semaphore, #tpu.memory_space<semaphore_mem>>)
    %dma_wait3A_122 = arith.constant 64 : i32
    %dma_wait3A_123 = tpu.memref_slice %arg5[%dma_wait3A_122] : memref<256xi32, #tpu.memory_space<vmem>> -> memref<16xi32, #tpu.memory_space<vmem>>
    %dma_wait3A_124 = arith.constant 0 : i32
    %dma_wait3A_125 = tpu.memref_slice %arg2[%mul3A_6, %dma_wait3A_124] : memref<256x2048xf32, #tpu.memory_space<hbm>> -> memref<128x2048xf32, #tpu.memory_space<hbm>>
    %dma_wait3A_126 = arith.constant 0 : i32
    %dma_wait3A_127 = arith.constant 0 : i32
    %dma_wait3A_128 = tpu.memref_slice %dma_wait3A_125[%dma_wait3A_126, %dma_wait3A_127] : memref<128x2048xf32, #tpu.memory_space<hbm>> -> memref<128x2048xf32, #tpu.memory_space<hbm>>
    tpu.wait_indirect_dma semaphore(%arg10 : memref<!tpu.dma_semaphore, #tpu.memory_space<semaphore_mem>>) src(%dma_wait3A_128 : memref<128x2048xf32, #tpu.memory_space<hbm>>) dst(%arg7 : memref<16x2048xf32, #tpu.memory_space<vmem>>)
    %add3A_129 = arith.constant 64 : i32
    %add3A_130 = arith.addi %add3A, %add3A_129 : i32
    %dma_start3A_131 = arith.constant 0 : i32
    %dma_start3A_132 = tpu.memref_slice %arg4[%add3A_130, %dma_start3A_131] : memref<8192x2048xf32, #tpu.memory_space<hbm>> -> memref<16x2048xf32, #tpu.memory_space<hbm>>
    %dma_start3A_133 = arith.constant 0 : i32
    %dma_start3A_134 = tpu.memref_slice %arg4[%add3A_130, %dma_start3A_133] : memref<8192x2048xf32, #tpu.memory_space<hbm>> -> memref<16x2048xf32, #tpu.memory_space<hbm>>
    tpu.enqueue_dma source(%arg7 : memref<16x2048xf32, #tpu.memory_space<vmem>>) target(%dma_start3A_134 : memref<16x2048xf32, #tpu.memory_space<hbm>>) target_semaphore(%arg13 : memref<!tpu.dma_semaphore, #tpu.memory_space<semaphore_mem>>)
    %dma_wait3A_135 = arith.constant 0 : i32
    %dma_wait3A_136 = tpu.memref_slice %arg4[%add3A_130, %dma_wait3A_135] : memref<8192x2048xf32, #tpu.memory_space<hbm>> -> memref<16x2048xf32, #tpu.memory_space<hbm>>
    %dma_wait3A_137 = arith.constant 0 : i32
    %dma_wait3A_138 = tpu.memref_slice %arg4[%add3A_130, %dma_wait3A_137] : memref<8192x2048xf32, #tpu.memory_space<hbm>> -> memref<16x2048xf32, #tpu.memory_space<hbm>>
    tpu.wait_dma2 semaphore(%arg13 : memref<!tpu.dma_semaphore, #tpu.memory_space<semaphore_mem>>) src(%arg7 : memref<16x2048xf32, #tpu.memory_space<vmem>>) dst(%dma_wait3A_138 : memref<16x2048xf32, #tpu.memory_space<hbm>>)
    %dma_start3A_139 = arith.constant 112 : i32
    %dma_start3A_140 = tpu.memref_slice %arg5[%dma_start3A_139] : memref<256xi32, #tpu.memory_space<vmem>> -> memref<16xi32, #tpu.memory_space<vmem>>
    %dma_start3A_141 = arith.constant 0 : i32
    %dma_start3A_142 = tpu.memref_slice %arg2[%mul3A_6, %dma_start3A_141] : memref<256x2048xf32, #tpu.memory_space<hbm>> -> memref<128x2048xf32, #tpu.memory_space<hbm>>
    %dma_start3A_143 = arith.constant 0 : i32
    %dma_start3A_144 = arith.constant 0 : i32
    %dma_start3A_145 = tpu.memref_slice %dma_start3A_142[%dma_start3A_143, %dma_start3A_144] : memref<128x2048xf32, #tpu.memory_space<hbm>> -> memref<128x2048xf32, #tpu.memory_space<hbm>>
    tpu.enqueue_indirect_dma source(%dma_start3A_145 : memref<128x2048xf32, #tpu.memory_space<hbm>>) target(%arg7 : memref<16x2048xf32, #tpu.memory_space<vmem>>) offsets(%dma_start3A_140 : memref<16xi32, #tpu.memory_space<vmem>>) semaphore(%arg10 : memref<!tpu.dma_semaphore, #tpu.memory_space<semaphore_mem>>)
    %dma_wait3A_146 = arith.constant 80 : i32
    %dma_wait3A_147 = tpu.memref_slice %arg5[%dma_wait3A_146] : memref<256xi32, #tpu.memory_space<vmem>> -> memref<16xi32, #tpu.memory_space<vmem>>
    %dma_wait3A_148 = arith.constant 0 : i32
    %dma_wait3A_149 = tpu.memref_slice %arg2[%mul3A_6, %dma_wait3A_148] : memref<256x2048xf32, #tpu.memory_space<hbm>> -> memref<128x2048xf32, #tpu.memory_space<hbm>>
    %dma_wait3A_150 = arith.constant 0 : i32
    %dma_wait3A_151 = arith.constant 0 : i32
    %dma_wait3A_152 = tpu.memref_slice %dma_wait3A_149[%dma_wait3A_150, %dma_wait3A_151] : memref<128x2048xf32, #tpu.memory_space<hbm>> -> memref<128x2048xf32, #tpu.memory_space<hbm>>
    tpu.wait_indirect_dma semaphore(%arg11 : memref<!tpu.dma_semaphore, #tpu.memory_space<semaphore_mem>>) src(%dma_wait3A_152 : memref<128x2048xf32, #tpu.memory_space<hbm>>) dst(%arg8 : memref<16x2048xf32, #tpu.memory_space<vmem>>)
    %add3A_153 = arith.constant 80 : i32
    %add3A_154 = arith.addi %add3A, %add3A_153 : i32
    %dma_start3A_155 = arith.constant 0 : i32
    %dma_start3A_156 = tpu.memref_slice %arg4[%add3A_154, %dma_start3A_155] : memref<8192x2048xf32, #tpu.memory_space<hbm>> -> memref<16x2048xf32, #tpu.memory_space<hbm>>
    %dma_start3A_157 = arith.constant 0 : i32
    %dma_start3A_158 = tpu.memref_slice %arg4[%add3A_154, %dma_start3A_157] : memref<8192x2048xf32, #tpu.memory_space<hbm>> -> memref<16x2048xf32, #tpu.memory_space<hbm>>
    tpu.enqueue_dma source(%arg8 : memref<16x2048xf32, #tpu.memory_space<vmem>>) target(%dma_start3A_158 : memref<16x2048xf32, #tpu.memory_space<hbm>>) target_semaphore(%arg14 : memref<!tpu.dma_semaphore, #tpu.memory_space<semaphore_mem>>)
    %dma_wait3A_159 = arith.constant 0 : i32
    %dma_wait3A_160 = tpu.memref_slice %arg4[%add3A_154, %dma_wait3A_159] : memref<8192x2048xf32, #tpu.memory_space<hbm>> -> memref<16x2048xf32, #tpu.memory_space<hbm>>
    %dma_wait3A_161 = arith.constant 0 : i32
    %dma_wait3A_162 = tpu.memref_slice %arg4[%add3A_154, %dma_wait3A_161] : memref<8192x2048xf32, #tpu.memory_space<hbm>> -> memref<16x2048xf32, #tpu.memory_space<hbm>>
    tpu.wait_dma2 semaphore(%arg14 : memref<!tpu.dma_semaphore, #tpu.memory_space<semaphore_mem>>) src(%arg8 : memref<16x2048xf32, #tpu.memory_space<vmem>>) dst(%dma_wait3A_162 : memref<16x2048xf32, #tpu.memory_space<hbm>>)
    %dma_start3A_163 = arith.constant 128 : i32
    %dma_start3A_164 = tpu.memref_slice %arg5[%dma_start3A_163] : memref<256xi32, #tpu.memory_space<vmem>> -> memref<16xi32, #tpu.memory_space<vmem>>
    %dma_start3A_165 = arith.constant 0 : i32
    %dma_start3A_166 = tpu.memref_slice %arg2[%mul3A_6, %dma_start3A_165] : memref<256x2048xf32, #tpu.memory_space<hbm>> -> memref<128x2048xf32, #tpu.memory_space<hbm>>
    %dma_start3A_167 = arith.constant 0 : i32
    %dma_start3A_168 = arith.constant 0 : i32
    %dma_start3A_169 = tpu.memref_slice %dma_start3A_166[%dma_start3A_167, %dma_start3A_168] : memref<128x2048xf32, #tpu.memory_space<hbm>> -> memref<128x2048xf32, #tpu.memory_space<hbm>>
    tpu.enqueue_indirect_dma source(%dma_start3A_169 : memref<128x2048xf32, #tpu.memory_space<hbm>>) target(%arg8 : memref<16x2048xf32, #tpu.memory_space<vmem>>) offsets(%dma_start3A_164 : memref<16xi32, #tpu.memory_space<vmem>>) semaphore(%arg11 : memref<!tpu.dma_semaphore, #tpu.memory_space<semaphore_mem>>)
    %dma_wait3A_170 = arith.constant 96 : i32
    %dma_wait3A_171 = tpu.memref_slice %arg5[%dma_wait3A_170] : memref<256xi32, #tpu.memory_space<vmem>> -> memref<16xi32, #tpu.memory_space<vmem>>
    %dma_wait3A_172 = arith.constant 0 : i32
    %dma_wait3A_173 = tpu.memref_slice %arg2[%mul3A_6, %dma_wait3A_172] : memref<256x2048xf32, #tpu.memory_space<hbm>> -> memref<128x2048xf32, #tpu.memory_space<hbm>>
    %dma_wait3A_174 = arith.constant 0 : i32
    %dma_wait3A_175 = arith.constant 0 : i32
    %dma_wait3A_176 = tpu.memref_slice %dma_wait3A_173[%dma_wait3A_174, %dma_wait3A_175] : memref<128x2048xf32, #tpu.memory_space<hbm>> -> memref<128x2048xf32, #tpu.memory_space<hbm>>
    tpu.wait_indirect_dma semaphore(%arg9 : memref<!tpu.dma_semaphore, #tpu.memory_space<semaphore_mem>>) src(%dma_wait3A_176 : memref<128x2048xf32, #tpu.memory_space<hbm>>) dst(%arg6 : memref<16x2048xf32, #tpu.memory_space<vmem>>)
    %add3A_177 = arith.constant 96 : i32
    %add3A_178 = arith.addi %add3A, %add3A_177 : i32
    %dma_start3A_179 = arith.constant 0 : i32
    %dma_start3A_180 = tpu.memref_slice %arg4[%add3A_178, %dma_start3A_179] : memref<8192x2048xf32, #tpu.memory_space<hbm>> -> memref<16x2048xf32, #tpu.memory_space<hbm>>
    %dma_start3A_181 = arith.constant 0 : i32
    %dma_start3A_182 = tpu.memref_slice %arg4[%add3A_178, %dma_start3A_181] : memref<8192x2048xf32, #tpu.memory_space<hbm>> -> memref<16x2048xf32, #tpu.memory_space<hbm>>
    tpu.enqueue_dma source(%arg6 : memref<16x2048xf32, #tpu.memory_space<vmem>>) target(%dma_start3A_182 : memref<16x2048xf32, #tpu.memory_space<hbm>>) target_semaphore(%arg12 : memref<!tpu.dma_semaphore, #tpu.memory_space<semaphore_mem>>)
    %dma_wait3A_183 = arith.constant 0 : i32
    %dma_wait3A_184 = tpu.memref_slice %arg4[%add3A_178, %dma_wait3A_183] : memref<8192x2048xf32, #tpu.memory_space<hbm>> -> memref<16x2048xf32, #tpu.memory_space<hbm>>
    %dma_wait3A_185 = arith.constant 0 : i32
    %dma_wait3A_186 = tpu.memref_slice %arg4[%add3A_178, %dma_wait3A_185] : memref<8192x2048xf32, #tpu.memory_space<hbm>> -> memref<16x2048xf32, #tpu.memory_space<hbm>>
    tpu.wait_dma2 semaphore(%arg12 : memref<!tpu.dma_semaphore, #tpu.memory_space<semaphore_mem>>) src(%arg6 : memref<16x2048xf32, #tpu.memory_space<vmem>>) dst(%dma_wait3A_186 : memref<16x2048xf32, #tpu.memory_space<hbm>>)
    %dma_start3A_187 = arith.constant 144 : i32
    %dma_start3A_188 = tpu.memref_slice %arg5[%dma_start3A_187] : memref<256xi32, #tpu.memory_space<vmem>> -> memref<16xi32, #tpu.memory_space<vmem>>
    %dma_start3A_189 = arith.constant 0 : i32
    %dma_start3A_190 = tpu.memref_slice %arg2[%mul3A_6, %dma_start3A_189] : memref<256x2048xf32, #tpu.memory_space<hbm>> -> memref<128x2048xf32, #tpu.memory_space<hbm>>
    %dma_start3A_191 = arith.constant 0 : i32
    %dma_start3A_192 = arith.constant 0 : i32
    %dma_start3A_193 = tpu.memref_slice %dma_start3A_190[%dma_start3A_191, %dma_start3A_192] : memref<128x2048xf32, #tpu.memory_space<hbm>> -> memref<128x2048xf32, #tpu.memory_space<hbm>>
    tpu.enqueue_indirect_dma source(%dma_start3A_193 : memref<128x2048xf32, #tpu.memory_space<hbm>>) target(%arg6 : memref<16x2048xf32, #tpu.memory_space<vmem>>) offsets(%dma_start3A_188 : memref<16xi32, #tpu.memory_space<vmem>>) semaphore(%arg9 : memref<!tpu.dma_semaphore, #tpu.memory_space<semaphore_mem>>)
    %dma_wait3A_194 = arith.constant 112 : i32
    %dma_wait3A_195 = tpu.memref_slice %arg5[%dma_wait3A_194] : memref<256xi32, #tpu.memory_space<vmem>> -> memref<16xi32, #tpu.memory_space<vmem>>
    %dma_wait3A_196 = arith.constant 0 : i32
    %dma_wait3A_197 = tpu.memref_slice %arg2[%mul3A_6, %dma_wait3A_196] : memref<256x2048xf32, #tpu.memory_space<hbm>> -> memref<128x2048xf32, #tpu.memory_space<hbm>>
    %dma_wait3A_198 = arith.constant 0 : i32
    %dma_wait3A_199 = arith.constant 0 : i32
    %dma_wait3A_200 = tpu.memref_slice %dma_wait3A_197[%dma_wait3A_198, %dma_wait3A_199] : memref<128x2048xf32, #tpu.memory_space<hbm>> -> memref<128x2048xf32, #tpu.memory_space<hbm>>
    tpu.wait_indirect_dma semaphore(%arg10 : memref<!tpu.dma_semaphore, #tpu.memory_space<semaphore_mem>>) src(%dma_wait3A_200 : memref<128x2048xf32, #tpu.memory_space<hbm>>) dst(%arg7 : memref<16x2048xf32, #tpu.memory_space<vmem>>)
    %add3A_201 = arith.constant 112 : i32
    %add3A_202 = arith.addi %add3A, %add3A_201 : i32
    %dma_start3A_203 = arith.constant 0 : i32
    %dma_start3A_204 = tpu.memref_slice %arg4[%add3A_202, %dma_start3A_203] : memref<8192x2048xf32, #tpu.memory_space<hbm>> -> memref<16x2048xf32, #tpu.memory_space<hbm>>
    %dma_start3A_205 = arith.constant 0 : i32
    %dma_start3A_206 = tpu.memref_slice %arg4[%add3A_202, %dma_start3A_205] : memref<8192x2048xf32, #tpu.memory_space<hbm>> -> memref<16x2048xf32, #tpu.memory_space<hbm>>
    tpu.enqueue_dma source(%arg7 : memref<16x2048xf32, #tpu.memory_space<vmem>>) target(%dma_start3A_206 : memref<16x2048xf32, #tpu.memory_space<hbm>>) target_semaphore(%arg13 : memref<!tpu.dma_semaphore, #tpu.memory_space<semaphore_mem>>)
    %dma_wait3A_207 = arith.constant 0 : i32
    %dma_wait3A_208 = tpu.memref_slice %arg4[%add3A_202, %dma_wait3A_207] : memref<8192x2048xf32, #tpu.memory_space<hbm>> -> memref<16x2048xf32, #tpu.memory_space<hbm>>
    %dma_wait3A_209 = arith.constant 0 : i32
    %dma_wait3A_210 = tpu.memref_slice %arg4[%add3A_202, %dma_wait3A_209] : memref<8192x2048xf32, #tpu.memory_space<hbm>> -> memref<16x2048xf32, #tpu.memory_space<hbm>>
    tpu.wait_dma2 semaphore(%arg13 : memref<!tpu.dma_semaphore, #tpu.memory_space<semaphore_mem>>) src(%arg7 : memref<16x2048xf32, #tpu.memory_space<vmem>>) dst(%dma_wait3A_210 : memref<16x2048xf32, #tpu.memory_space<hbm>>)
    %dma_start3A_211 = arith.constant 160 : i32
    %dma_start3A_212 = tpu.memref_slice %arg5[%dma_start3A_211] : memref<256xi32, #tpu.memory_space<vmem>> -> memref<16xi32, #tpu.memory_space<vmem>>
    %dma_start3A_213 = arith.constant 0 : i32
    %dma_start3A_214 = tpu.memref_slice %arg2[%mul3A_6, %dma_start3A_213] : memref<256x2048xf32, #tpu.memory_space<hbm>> -> memref<128x2048xf32, #tpu.memory_space<hbm>>
    %dma_start3A_215 = arith.constant 0 : i32
    %dma_start3A_216 = arith.constant 0 : i32
    %dma_start3A_217 = tpu.memref_slice %dma_start3A_214[%dma_start3A_215, %dma_start3A_216] : memref<128x2048xf32, #tpu.memory_space<hbm>> -> memref<128x2048xf32, #tpu.memory_space<hbm>>
    tpu.enqueue_indirect_dma source(%dma_start3A_217 : memref<128x2048xf32, #tpu.memory_space<hbm>>) target(%arg7 : memref<16x2048xf32, #tpu.memory_space<vmem>>) offsets(%dma_start3A_212 : memref<16xi32, #tpu.memory_space<vmem>>) semaphore(%arg10 : memref<!tpu.dma_semaphore, #tpu.memory_space<semaphore_mem>>)
    %dma_wait3A_218 = arith.constant 128 : i32
    %dma_wait3A_219 = tpu.memref_slice %arg5[%dma_wait3A_218] : memref<256xi32, #tpu.memory_space<vmem>> -> memref<16xi32, #tpu.memory_space<vmem>>
    %dma_wait3A_220 = arith.constant 0 : i32
    %dma_wait3A_221 = tpu.memref_slice %arg2[%mul3A_6, %dma_wait3A_220] : memref<256x2048xf32, #tpu.memory_space<hbm>> -> memref<128x2048xf32, #tpu.memory_space<hbm>>
    %dma_wait3A_222 = arith.constant 0 : i32
    %dma_wait3A_223 = arith.constant 0 : i32
    %dma_wait3A_224 = tpu.memref_slice %dma_wait3A_221[%dma_wait3A_222, %dma_wait3A_223] : memref<128x2048xf32, #tpu.memory_space<hbm>> -> memref<128x2048xf32, #tpu.memory_space<hbm>>
    tpu.wait_indirect_dma semaphore(%arg11 : memref<!tpu.dma_semaphore, #tpu.memory_space<semaphore_mem>>) src(%dma_wait3A_224 : memref<128x2048xf32, #tpu.memory_space<hbm>>) dst(%arg8 : memref<16x2048xf32, #tpu.memory_space<vmem>>)
    %add3A_225 = arith.constant 128 : i32
    %add3A_226 = arith.addi %add3A, %add3A_225 : i32
    %dma_start3A_227 = arith.constant 0 : i32
    %dma_start3A_228 = tpu.memref_slice %arg4[%add3A_226, %dma_start3A_227] : memref<8192x2048xf32, #tpu.memory_space<hbm>> -> memref<16x2048xf32, #tpu.memory_space<hbm>>
    %dma_start3A_229 = arith.constant 0 : i32
    %dma_start3A_230 = tpu.memref_slice %arg4[%add3A_226, %dma_start3A_229] : memref<8192x2048xf32, #tpu.memory_space<hbm>> -> memref<16x2048xf32, #tpu.memory_space<hbm>>
    tpu.enqueue_dma source(%arg8 : memref<16x2048xf32, #tpu.memory_space<vmem>>) target(%dma_start3A_230 : memref<16x2048xf32, #tpu.memory_space<hbm>>) target_semaphore(%arg14 : memref<!tpu.dma_semaphore, #tpu.memory_space<semaphore_mem>>)
    %dma_wait3A_231 = arith.constant 0 : i32
    %dma_wait3A_232 = tpu.memref_slice %arg4[%add3A_226, %dma_wait3A_231] : memref<8192x2048xf32, #tpu.memory_space<hbm>> -> memref<16x2048xf32, #tpu.memory_space<hbm>>
    %dma_wait3A_233 = arith.constant 0 : i32
    %dma_wait3A_234 = tpu.memref_slice %arg4[%add3A_226, %dma_wait3A_233] : memref<8192x2048xf32, #tpu.memory_space<hbm>> -> memref<16x2048xf32, #tpu.memory_space<hbm>>
    tpu.wait_dma2 semaphore(%arg14 : memref<!tpu.dma_semaphore, #tpu.memory_space<semaphore_mem>>) src(%arg8 : memref<16x2048xf32, #tpu.memory_space<vmem>>) dst(%dma_wait3A_234 : memref<16x2048xf32, #tpu.memory_space<hbm>>)
    %dma_start3A_235 = arith.constant 176 : i32
    %dma_start3A_236 = tpu.memref_slice %arg5[%dma_start3A_235] : memref<256xi32, #tpu.memory_space<vmem>> -> memref<16xi32, #tpu.memory_space<vmem>>
    %dma_start3A_237 = arith.constant 0 : i32
    %dma_start3A_238 = tpu.memref_slice %arg2[%mul3A_6, %dma_start3A_237] : memref<256x2048xf32, #tpu.memory_space<hbm>> -> memref<128x2048xf32, #tpu.memory_space<hbm>>
    %dma_start3A_239 = arith.constant 0 : i32
    %dma_start3A_240 = arith.constant 0 : i32
    %dma_start3A_241 = tpu.memref_slice %dma_start3A_238[%dma_start3A_239, %dma_start3A_240] : memref<128x2048xf32, #tpu.memory_space<hbm>> -> memref<128x2048xf32, #tpu.memory_space<hbm>>
    tpu.enqueue_indirect_dma source(%dma_start3A_241 : memref<128x2048xf32, #tpu.memory_space<hbm>>) target(%arg8 : memref<16x2048xf32, #tpu.memory_space<vmem>>) offsets(%dma_start3A_236 : memref<16xi32, #tpu.memory_space<vmem>>) semaphore(%arg11 : memref<!tpu.dma_semaphore, #tpu.memory_space<semaphore_mem>>)
    %dma_wait3A_242 = arith.constant 144 : i32
    %dma_wait3A_243 = tpu.memref_slice %arg5[%dma_wait3A_242] : memref<256xi32, #tpu.memory_space<vmem>> -> memref<16xi32, #tpu.memory_space<vmem>>
    %dma_wait3A_244 = arith.constant 0 : i32
    %dma_wait3A_245 = tpu.memref_slice %arg2[%mul3A_6, %dma_wait3A_244] : memref<256x2048xf32, #tpu.memory_space<hbm>> -> memref<128x2048xf32, #tpu.memory_space<hbm>>
    %dma_wait3A_246 = arith.constant 0 : i32
    %dma_wait3A_247 = arith.constant 0 : i32
    %dma_wait3A_248 = tpu.memref_slice %dma_wait3A_245[%dma_wait3A_246, %dma_wait3A_247] : memref<128x2048xf32, #tpu.memory_space<hbm>> -> memref<128x2048xf32, #tpu.memory_space<hbm>>
    tpu.wait_indirect_dma semaphore(%arg9 : memref<!tpu.dma_semaphore, #tpu.memory_space<semaphore_mem>>) src(%dma_wait3A_248 : memref<128x2048xf32, #tpu.memory_space<hbm>>) dst(%arg6 : memref<16x2048xf32, #tpu.memory_space<vmem>>)
    %add3A_249 = arith.constant 144 : i32
    %add3A_250 = arith.addi %add3A, %add3A_249 : i32
    %dma_start3A_251 = arith.constant 0 : i32
    %dma_start3A_252 = tpu.memref_slice %arg4[%add3A_250, %dma_start3A_251] : memref<8192x2048xf32, #tpu.memory_space<hbm>> -> memref<16x2048xf32, #tpu.memory_space<hbm>>
    %dma_start3A_253 = arith.constant 0 : i32
    %dma_start3A_254 = tpu.memref_slice %arg4[%add3A_250, %dma_start3A_253] : memref<8192x2048xf32, #tpu.memory_space<hbm>> -> memref<16x2048xf32, #tpu.memory_space<hbm>>
    tpu.enqueue_dma source(%arg6 : memref<16x2048xf32, #tpu.memory_space<vmem>>) target(%dma_start3A_254 : memref<16x2048xf32, #tpu.memory_space<hbm>>) target_semaphore(%arg12 : memref<!tpu.dma_semaphore, #tpu.memory_space<semaphore_mem>>)
    %dma_wait3A_255 = arith.constant 0 : i32
    %dma_wait3A_256 = tpu.memref_slice %arg4[%add3A_250, %dma_wait3A_255] : memref<8192x2048xf32, #tpu.memory_space<hbm>> -> memref<16x2048xf32, #tpu.memory_space<hbm>>
    %dma_wait3A_257 = arith.constant 0 : i32
    %dma_wait3A_258 = tpu.memref_slice %arg4[%add3A_250, %dma_wait3A_257] : memref<8192x2048xf32, #tpu.memory_space<hbm>> -> memref<16x2048xf32, #tpu.memory_space<hbm>>
    tpu.wait_dma2 semaphore(%arg12 : memref<!tpu.dma_semaphore, #tpu.memory_space<semaphore_mem>>) src(%arg6 : memref<16x2048xf32, #tpu.memory_space<vmem>>) dst(%dma_wait3A_258 : memref<16x2048xf32, #tpu.memory_space<hbm>>)
    %dma_start3A_259 = arith.constant 192 : i32
    %dma_start3A_260 = tpu.memref_slice %arg5[%dma_start3A_259] : memref<256xi32, #tpu.memory_space<vmem>> -> memref<16xi32, #tpu.memory_space<vmem>>
    %dma_start3A_261 = arith.constant 0 : i32
    %dma_start3A_262 = tpu.memref_slice %arg2[%mul3A_6, %dma_start3A_261] : memref<256x2048xf32, #tpu.memory_space<hbm>> -> memref<128x2048xf32, #tpu.memory_space<hbm>>
    %dma_start3A_263 = arith.constant 0 : i32
    %dma_start3A_264 = arith.constant 0 : i32
    %dma_start3A_265 = tpu.memref_slice %dma_start3A_262[%dma_start3A_263, %dma_start3A_264] : memref<128x2048xf32, #tpu.memory_space<hbm>> -> memref<128x2048xf32, #tpu.memory_space<hbm>>
    tpu.enqueue_indirect_dma source(%dma_start3A_265 : memref<128x2048xf32, #tpu.memory_space<hbm>>) target(%arg6 : memref<16x2048xf32, #tpu.memory_space<vmem>>) offsets(%dma_start3A_260 : memref<16xi32, #tpu.memory_space<vmem>>) semaphore(%arg9 : memref<!tpu.dma_semaphore, #tpu.memory_space<semaphore_mem>>)
    %dma_wait3A_266 = arith.constant 160 : i32
    %dma_wait3A_267 = tpu.memref_slice %arg5[%dma_wait3A_266] : memref<256xi32, #tpu.memory_space<vmem>> -> memref<16xi32, #tpu.memory_space<vmem>>
    %dma_wait3A_268 = arith.constant 0 : i32
    %dma_wait3A_269 = tpu.memref_slice %arg2[%mul3A_6, %dma_wait3A_268] : memref<256x2048xf32, #tpu.memory_space<hbm>> -> memref<128x2048xf32, #tpu.memory_space<hbm>>
    %dma_wait3A_270 = arith.constant 0 : i32
    %dma_wait3A_271 = arith.constant 0 : i32
    %dma_wait3A_272 = tpu.memref_slice %dma_wait3A_269[%dma_wait3A_270, %dma_wait3A_271] : memref<128x2048xf32, #tpu.memory_space<hbm>> -> memref<128x2048xf32, #tpu.memory_space<hbm>>
    tpu.wait_indirect_dma semaphore(%arg10 : memref<!tpu.dma_semaphore, #tpu.memory_space<semaphore_mem>>) src(%dma_wait3A_272 : memref<128x2048xf32, #tpu.memory_space<hbm>>) dst(%arg7 : memref<16x2048xf32, #tpu.memory_space<vmem>>)
    %add3A_273 = arith.constant 160 : i32
    %add3A_274 = arith.addi %add3A, %add3A_273 : i32
    %dma_start3A_275 = arith.constant 0 : i32
    %dma_start3A_276 = tpu.memref_slice %arg4[%add3A_274, %dma_start3A_275] : memref<8192x2048xf32, #tpu.memory_space<hbm>> -> memref<16x2048xf32, #tpu.memory_space<hbm>>
    %dma_start3A_277 = arith.constant 0 : i32
    %dma_start3A_278 = tpu.memref_slice %arg4[%add3A_274, %dma_start3A_277] : memref<8192x2048xf32, #tpu.memory_space<hbm>> -> memref<16x2048xf32, #tpu.memory_space<hbm>>
    tpu.enqueue_dma source(%arg7 : memref<16x2048xf32, #tpu.memory_space<vmem>>) target(%dma_start3A_278 : memref<16x2048xf32, #tpu.memory_space<hbm>>) target_semaphore(%arg13 : memref<!tpu.dma_semaphore, #tpu.memory_space<semaphore_mem>>)
    %dma_wait3A_279 = arith.constant 0 : i32
    %dma_wait3A_280 = tpu.memref_slice %arg4[%add3A_274, %dma_wait3A_279] : memref<8192x2048xf32, #tpu.memory_space<hbm>> -> memref<16x2048xf32, #tpu.memory_space<hbm>>
    %dma_wait3A_281 = arith.constant 0 : i32
    %dma_wait3A_282 = tpu.memref_slice %arg4[%add3A_274, %dma_wait3A_281] : memref<8192x2048xf32, #tpu.memory_space<hbm>> -> memref<16x2048xf32, #tpu.memory_space<hbm>>
    tpu.wait_dma2 semaphore(%arg13 : memref<!tpu.dma_semaphore, #tpu.memory_space<semaphore_mem>>) src(%arg7 : memref<16x2048xf32, #tpu.memory_space<vmem>>) dst(%dma_wait3A_282 : memref<16x2048xf32, #tpu.memory_space<hbm>>)
    %dma_start3A_283 = arith.constant 208 : i32
    %dma_start3A_284 = tpu.memref_slice %arg5[%dma_start3A_283] : memref<256xi32, #tpu.memory_space<vmem>> -> memref<16xi32, #tpu.memory_space<vmem>>
    %dma_start3A_285 = arith.constant 0 : i32
    %dma_start3A_286 = tpu.memref_slice %arg2[%mul3A_6, %dma_start3A_285] : memref<256x2048xf32, #tpu.memory_space<hbm>> -> memref<128x2048xf32, #tpu.memory_space<hbm>>
    %dma_start3A_287 = arith.constant 0 : i32
    %dma_start3A_288 = arith.constant 0 : i32
    %dma_start3A_289 = tpu.memref_slice %dma_start3A_286[%dma_start3A_287, %dma_start3A_288] : memref<128x2048xf32, #tpu.memory_space<hbm>> -> memref<128x2048xf32, #tpu.memory_space<hbm>>
    tpu.enqueue_indirect_dma source(%dma_start3A_289 : memref<128x2048xf32, #tpu.memory_space<hbm>>) target(%arg7 : memref<16x2048xf32, #tpu.memory_space<vmem>>) offsets(%dma_start3A_284 : memref<16xi32, #tpu.memory_space<vmem>>) semaphore(%arg10 : memref<!tpu.dma_semaphore, #tpu.memory_space<semaphore_mem>>)
    %dma_wait3A_290 = arith.constant 176 : i32
    %dma_wait3A_291 = tpu.memref_slice %arg5[%dma_wait3A_290] : memref<256xi32, #tpu.memory_space<vmem>> -> memref<16xi32, #tpu.memory_space<vmem>>
    %dma_wait3A_292 = arith.constant 0 : i32
    %dma_wait3A_293 = tpu.memref_slice %arg2[%mul3A_6, %dma_wait3A_292] : memref<256x2048xf32, #tpu.memory_space<hbm>> -> memref<128x2048xf32, #tpu.memory_space<hbm>>
    %dma_wait3A_294 = arith.constant 0 : i32
    %dma_wait3A_295 = arith.constant 0 : i32
    %dma_wait3A_296 = tpu.memref_slice %dma_wait3A_293[%dma_wait3A_294, %dma_wait3A_295] : memref<128x2048xf32, #tpu.memory_space<hbm>> -> memref<128x2048xf32, #tpu.memory_space<hbm>>
    tpu.wait_indirect_dma semaphore(%arg11 : memref<!tpu.dma_semaphore, #tpu.memory_space<semaphore_mem>>) src(%dma_wait3A_296 : memref<128x2048xf32, #tpu.memory_space<hbm>>) dst(%arg8 : memref<16x2048xf32, #tpu.memory_space<vmem>>)
    %add3A_297 = arith.constant 176 : i32
    %add3A_298 = arith.addi %add3A, %add3A_297 : i32
    %dma_start3A_299 = arith.constant 0 : i32
    %dma_start3A_300 = tpu.memref_slice %arg4[%add3A_298, %dma_start3A_299] : memref<8192x2048xf32, #tpu.memory_space<hbm>> -> memref<16x2048xf32, #tpu.memory_space<hbm>>
    %dma_start3A_301 = arith.constant 0 : i32
    %dma_start3A_302 = tpu.memref_slice %arg4[%add3A_298, %dma_start3A_301] : memref<8192x2048xf32, #tpu.memory_space<hbm>> -> memref<16x2048xf32, #tpu.memory_space<hbm>>
    tpu.enqueue_dma source(%arg8 : memref<16x2048xf32, #tpu.memory_space<vmem>>) target(%dma_start3A_302 : memref<16x2048xf32, #tpu.memory_space<hbm>>) target_semaphore(%arg14 : memref<!tpu.dma_semaphore, #tpu.memory_space<semaphore_mem>>)
    %dma_wait3A_303 = arith.constant 0 : i32
    %dma_wait3A_304 = tpu.memref_slice %arg4[%add3A_298, %dma_wait3A_303] : memref<8192x2048xf32, #tpu.memory_space<hbm>> -> memref<16x2048xf32, #tpu.memory_space<hbm>>
    %dma_wait3A_305 = arith.constant 0 : i32
    %dma_wait3A_306 = tpu.memref_slice %arg4[%add3A_298, %dma_wait3A_305] : memref<8192x2048xf32, #tpu.memory_space<hbm>> -> memref<16x2048xf32, #tpu.memory_space<hbm>>
    tpu.wait_dma2 semaphore(%arg14 : memref<!tpu.dma_semaphore, #tpu.memory_space<semaphore_mem>>) src(%arg8 : memref<16x2048xf32, #tpu.memory_space<vmem>>) dst(%dma_wait3A_306 : memref<16x2048xf32, #tpu.memory_space<hbm>>)
    %dma_start3A_307 = arith.constant 224 : i32
    %dma_start3A_308 = tpu.memref_slice %arg5[%dma_start3A_307] : memref<256xi32, #tpu.memory_space<vmem>> -> memref<16xi32, #tpu.memory_space<vmem>>
    %dma_start3A_309 = arith.constant 0 : i32
    %dma_start3A_310 = tpu.memref_slice %arg2[%mul3A_6, %dma_start3A_309] : memref<256x2048xf32, #tpu.memory_space<hbm>> -> memref<128x2048xf32, #tpu.memory_space<hbm>>
    %dma_start3A_311 = arith.constant 0 : i32
    %dma_start3A_312 = arith.constant 0 : i32
    %dma_start3A_313 = tpu.memref_slice %dma_start3A_310[%dma_start3A_311, %dma_start3A_312] : memref<128x2048xf32, #tpu.memory_space<hbm>> -> memref<128x2048xf32, #tpu.memory_space<hbm>>
    tpu.enqueue_indirect_dma source(%dma_start3A_313 : memref<128x2048xf32, #tpu.memory_space<hbm>>) target(%arg8 : memref<16x2048xf32, #tpu.memory_space<vmem>>) offsets(%dma_start3A_308 : memref<16xi32, #tpu.memory_space<vmem>>) semaphore(%arg11 : memref<!tpu.dma_semaphore, #tpu.memory_space<semaphore_mem>>)
    %dma_wait3A_314 = arith.constant 192 : i32
    %dma_wait3A_315 = tpu.memref_slice %arg5[%dma_wait3A_314] : memref<256xi32, #tpu.memory_space<vmem>> -> memref<16xi32, #tpu.memory_space<vmem>>
    %dma_wait3A_316 = arith.constant 0 : i32
    %dma_wait3A_317 = tpu.memref_slice %arg2[%mul3A_6, %dma_wait3A_316] : memref<256x2048xf32, #tpu.memory_space<hbm>> -> memref<128x2048xf32, #tpu.memory_space<hbm>>
    %dma_wait3A_318 = arith.constant 0 : i32
    %dma_wait3A_319 = arith.constant 0 : i32
    %dma_wait3A_320 = tpu.memref_slice %dma_wait3A_317[%dma_wait3A_318, %dma_wait3A_319] : memref<128x2048xf32, #tpu.memory_space<hbm>> -> memref<128x2048xf32, #tpu.memory_space<hbm>>
    tpu.wait_indirect_dma semaphore(%arg9 : memref<!tpu.dma_semaphore, #tpu.memory_space<semaphore_mem>>) src(%dma_wait3A_320 : memref<128x2048xf32, #tpu.memory_space<hbm>>) dst(%arg6 : memref<16x2048xf32, #tpu.memory_space<vmem>>)
    %add3A_321 = arith.constant 192 : i32
    %add3A_322 = arith.addi %add3A, %add3A_321 : i32
    %dma_start3A_323 = arith.constant 0 : i32
    %dma_start3A_324 = tpu.memref_slice %arg4[%add3A_322, %dma_start3A_323] : memref<8192x2048xf32, #tpu.memory_space<hbm>> -> memref<16x2048xf32, #tpu.memory_space<hbm>>
    %dma_start3A_325 = arith.constant 0 : i32
    %dma_start3A_326 = tpu.memref_slice %arg4[%add3A_322, %dma_start3A_325] : memref<8192x2048xf32, #tpu.memory_space<hbm>> -> memref<16x2048xf32, #tpu.memory_space<hbm>>
    tpu.enqueue_dma source(%arg6 : memref<16x2048xf32, #tpu.memory_space<vmem>>) target(%dma_start3A_326 : memref<16x2048xf32, #tpu.memory_space<hbm>>) target_semaphore(%arg12 : memref<!tpu.dma_semaphore, #tpu.memory_space<semaphore_mem>>)
    %dma_wait3A_327 = arith.constant 0 : i32
    %dma_wait3A_328 = tpu.memref_slice %arg4[%add3A_322, %dma_wait3A_327] : memref<8192x2048xf32, #tpu.memory_space<hbm>> -> memref<16x2048xf32, #tpu.memory_space<hbm>>
    %dma_wait3A_329 = arith.constant 0 : i32
    %dma_wait3A_330 = tpu.memref_slice %arg4[%add3A_322, %dma_wait3A_329] : memref<8192x2048xf32, #tpu.memory_space<hbm>> -> memref<16x2048xf32, #tpu.memory_space<hbm>>
    tpu.wait_dma2 semaphore(%arg12 : memref<!tpu.dma_semaphore, #tpu.memory_space<semaphore_mem>>) src(%arg6 : memref<16x2048xf32, #tpu.memory_space<vmem>>) dst(%dma_wait3A_330 : memref<16x2048xf32, #tpu.memory_space<hbm>>)
    %dma_start3A_331 = arith.constant 240 : i32
    %dma_start3A_332 = tpu.memref_slice %arg5[%dma_start3A_331] : memref<256xi32, #tpu.memory_space<vmem>> -> memref<16xi32, #tpu.memory_space<vmem>>
    %dma_start3A_333 = arith.constant 0 : i32
    %dma_start3A_334 = tpu.memref_slice %arg2[%mul3A_6, %dma_start3A_333] : memref<256x2048xf32, #tpu.memory_space<hbm>> -> memref<128x2048xf32, #tpu.memory_space<hbm>>
    %dma_start3A_335 = arith.constant 0 : i32
    %dma_start3A_336 = arith.constant 0 : i32
    %dma_start3A_337 = tpu.memref_slice %dma_start3A_334[%dma_start3A_335, %dma_start3A_336] : memref<128x2048xf32, #tpu.memory_space<hbm>> -> memref<128x2048xf32, #tpu.memory_space<hbm>>
    tpu.enqueue_indirect_dma source(%dma_start3A_337 : memref<128x2048xf32, #tpu.memory_space<hbm>>) target(%arg6 : memref<16x2048xf32, #tpu.memory_space<vmem>>) offsets(%dma_start3A_332 : memref<16xi32, #tpu.memory_space<vmem>>) semaphore(%arg9 : memref<!tpu.dma_semaphore, #tpu.memory_space<semaphore_mem>>)
    %dma_wait3A_338 = arith.constant 208 : i32
    %dma_wait3A_339 = tpu.memref_slice %arg5[%dma_wait3A_338] : memref<256xi32, #tpu.memory_space<vmem>> -> memref<16xi32, #tpu.memory_space<vmem>>
    %dma_wait3A_340 = arith.constant 0 : i32
    %dma_wait3A_341 = tpu.memref_slice %arg2[%mul3A_6, %dma_wait3A_340] : memref<256x2048xf32, #tpu.memory_space<hbm>> -> memref<128x2048xf32, #tpu.memory_space<hbm>>
    %dma_wait3A_342 = arith.constant 0 : i32
    %dma_wait3A_343 = arith.constant 0 : i32
    %dma_wait3A_344 = tpu.memref_slice %dma_wait3A_341[%dma_wait3A_342, %dma_wait3A_343] : memref<128x2048xf32, #tpu.memory_space<hbm>> -> memref<128x2048xf32, #tpu.memory_space<hbm>>
    tpu.wait_indirect_dma semaphore(%arg10 : memref<!tpu.dma_semaphore, #tpu.memory_space<semaphore_mem>>) src(%dma_wait3A_344 : memref<128x2048xf32, #tpu.memory_space<hbm>>) dst(%arg7 : memref<16x2048xf32, #tpu.memory_space<vmem>>)
    %add3A_345 = arith.constant 208 : i32
    %add3A_346 = arith.addi %add3A, %add3A_345 : i32
    %dma_start3A_347 = arith.constant 0 : i32
    %dma_start3A_348 = tpu.memref_slice %arg4[%add3A_346, %dma_start3A_347] : memref<8192x2048xf32, #tpu.memory_space<hbm>> -> memref<16x2048xf32, #tpu.memory_space<hbm>>
    %dma_start3A_349 = arith.constant 0 : i32
    %dma_start3A_350 = tpu.memref_slice %arg4[%add3A_346, %dma_start3A_349] : memref<8192x2048xf32, #tpu.memory_space<hbm>> -> memref<16x2048xf32, #tpu.memory_space<hbm>>
    tpu.enqueue_dma source(%arg7 : memref<16x2048xf32, #tpu.memory_space<vmem>>) target(%dma_start3A_350 : memref<16x2048xf32, #tpu.memory_space<hbm>>) target_semaphore(%arg13 : memref<!tpu.dma_semaphore, #tpu.memory_space<semaphore_mem>>)
    %dma_wait3A_351 = arith.constant 224 : i32
    %dma_wait3A_352 = tpu.memref_slice %arg5[%dma_wait3A_351] : memref<256xi32, #tpu.memory_space<vmem>> -> memref<16xi32, #tpu.memory_space<vmem>>
    %dma_wait3A_353 = arith.constant 0 : i32
    %dma_wait3A_354 = tpu.memref_slice %arg2[%mul3A_6, %dma_wait3A_353] : memref<256x2048xf32, #tpu.memory_space<hbm>> -> memref<128x2048xf32, #tpu.memory_space<hbm>>
    %dma_wait3A_355 = arith.constant 0 : i32
    %dma_wait3A_356 = arith.constant 0 : i32
    %dma_wait3A_357 = tpu.memref_slice %dma_wait3A_354[%dma_wait3A_355, %dma_wait3A_356] : memref<128x2048xf32, #tpu.memory_space<hbm>> -> memref<128x2048xf32, #tpu.memory_space<hbm>>
    tpu.wait_indirect_dma semaphore(%arg11 : memref<!tpu.dma_semaphore, #tpu.memory_space<semaphore_mem>>) src(%dma_wait3A_357 : memref<128x2048xf32, #tpu.memory_space<hbm>>) dst(%arg8 : memref<16x2048xf32, #tpu.memory_space<vmem>>)
    %add3A_358 = arith.constant 224 : i32
    %add3A_359 = arith.addi %add3A, %add3A_358 : i32
    %dma_start3A_360 = arith.constant 0 : i32
    %dma_start3A_361 = tpu.memref_slice %arg4[%add3A_359, %dma_start3A_360] : memref<8192x2048xf32, #tpu.memory_space<hbm>> -> memref<16x2048xf32, #tpu.memory_space<hbm>>
    %dma_start3A_362 = arith.constant 0 : i32
    %dma_start3A_363 = tpu.memref_slice %arg4[%add3A_359, %dma_start3A_362] : memref<8192x2048xf32, #tpu.memory_space<hbm>> -> memref<16x2048xf32, #tpu.memory_space<hbm>>
    tpu.enqueue_dma source(%arg8 : memref<16x2048xf32, #tpu.memory_space<vmem>>) target(%dma_start3A_363 : memref<16x2048xf32, #tpu.memory_space<hbm>>) target_semaphore(%arg14 : memref<!tpu.dma_semaphore, #tpu.memory_space<semaphore_mem>>)
    %dma_wait3A_364 = arith.constant 240 : i32
    %dma_wait3A_365 = tpu.memref_slice %arg5[%dma_wait3A_364] : memref<256xi32, #tpu.memory_space<vmem>> -> memref<16xi32, #tpu.memory_space<vmem>>
    %dma_wait3A_366 = arith.constant 0 : i32
    %dma_wait3A_367 = tpu.memref_slice %arg2[%mul3A_6, %dma_wait3A_366] : memref<256x2048xf32, #tpu.memory_space<hbm>> -> memref<128x2048xf32, #tpu.memory_space<hbm>>
    %dma_wait3A_368 = arith.constant 0 : i32
    %dma_wait3A_369 = arith.constant 0 : i32
    %dma_wait3A_370 = tpu.memref_slice %dma_wait3A_367[%dma_wait3A_368, %dma_wait3A_369] : memref<128x2048xf32, #tpu.memory_space<hbm>> -> memref<128x2048xf32, #tpu.memory_space<hbm>>
    tpu.wait_indirect_dma semaphore(%arg9 : memref<!tpu.dma_semaphore, #tpu.memory_space<semaphore_mem>>) src(%dma_wait3A_370 : memref<128x2048xf32, #tpu.memory_space<hbm>>) dst(%arg6 : memref<16x2048xf32, #tpu.memory_space<vmem>>)
    %add3A_371 = arith.constant 240 : i32
    %add3A_372 = arith.addi %add3A, %add3A_371 : i32
    %dma_start3A_373 = arith.constant 0 : i32
    %dma_start3A_374 = tpu.memref_slice %arg4[%add3A_372, %dma_start3A_373] : memref<8192x2048xf32, #tpu.memory_space<hbm>> -> memref<16x2048xf32, #tpu.memory_space<hbm>>
    %dma_start3A_375 = arith.constant 0 : i32
    %dma_start3A_376 = tpu.memref_slice %arg4[%add3A_372, %dma_start3A_375] : memref<8192x2048xf32, #tpu.memory_space<hbm>> -> memref<16x2048xf32, #tpu.memory_space<hbm>>
    tpu.enqueue_dma source(%arg6 : memref<16x2048xf32, #tpu.memory_space<vmem>>) target(%dma_start3A_376 : memref<16x2048xf32, #tpu.memory_space<hbm>>) target_semaphore(%arg12 : memref<!tpu.dma_semaphore, #tpu.memory_space<semaphore_mem>>)
    %dma_wait3A_377 = arith.constant 0 : i32
    %dma_wait3A_378 = tpu.memref_slice %arg4[%add3A_346, %dma_wait3A_377] : memref<8192x2048xf32, #tpu.memory_space<hbm>> -> memref<16x2048xf32, #tpu.memory_space<hbm>>
    %dma_wait3A_379 = arith.constant 0 : i32
    %dma_wait3A_380 = tpu.memref_slice %arg4[%add3A_346, %dma_wait3A_379] : memref<8192x2048xf32, #tpu.memory_space<hbm>> -> memref<16x2048xf32, #tpu.memory_space<hbm>>
    tpu.wait_dma2 semaphore(%arg13 : memref<!tpu.dma_semaphore, #tpu.memory_space<semaphore_mem>>) src(%arg7 : memref<16x2048xf32, #tpu.memory_space<vmem>>) dst(%dma_wait3A_380 : memref<16x2048xf32, #tpu.memory_space<hbm>>)
    %dma_wait3A_381 = arith.constant 0 : i32
    %dma_wait3A_382 = tpu.memref_slice %arg4[%add3A_359, %dma_wait3A_381] : memref<8192x2048xf32, #tpu.memory_space<hbm>> -> memref<16x2048xf32, #tpu.memory_space<hbm>>
    %dma_wait3A_383 = arith.constant 0 : i32
    %dma_wait3A_384 = tpu.memref_slice %arg4[%add3A_359, %dma_wait3A_383] : memref<8192x2048xf32, #tpu.memory_space<hbm>> -> memref<16x2048xf32, #tpu.memory_space<hbm>>
    tpu.wait_dma2 semaphore(%arg14 : memref<!tpu.dma_semaphore, #tpu.memory_space<semaphore_mem>>) src(%arg8 : memref<16x2048xf32, #tpu.memory_space<vmem>>) dst(%dma_wait3A_384 : memref<16x2048xf32, #tpu.memory_space<hbm>>)
    %dma_wait3A_385 = arith.constant 0 : i32
    %dma_wait3A_386 = tpu.memref_slice %arg4[%add3A_372, %dma_wait3A_385] : memref<8192x2048xf32, #tpu.memory_space<hbm>> -> memref<16x2048xf32, #tpu.memory_space<hbm>>
    %dma_wait3A_387 = arith.constant 0 : i32
    %dma_wait3A_388 = tpu.memref_slice %arg4[%add3A_372, %dma_wait3A_387] : memref<8192x2048xf32, #tpu.memory_space<hbm>> -> memref<16x2048xf32, #tpu.memory_space<hbm>>
    tpu.wait_dma2 semaphore(%arg12 : memref<!tpu.dma_semaphore, #tpu.memory_space<semaphore_mem>>) src(%arg6 : memref<16x2048xf32, #tpu.memory_space<vmem>>) dst(%dma_wait3A_388 : memref<16x2048xf32, #tpu.memory_space<hbm>>)
    return
  }
}

module attributes {stable_mosaic.version = 14 : i64} {
  func.func @_pair_kernel(%arg0: i32, %arg1: memref<1x2048x3xf32, #tpu.memory_space<vmem>>, %arg2: memref<1x1x64xi32, #tpu.memory_space<vmem>>, %arg3: memref<1x32xf32, #tpu.memory_space<smem>>, %arg4: memref<1x1xf32, #tpu.memory_space<smem>>, %arg5: memref<1x64x2048xf32, #tpu.memory_space<vmem>>, %arg6: memref<1x1x2048xi32, #tpu.memory_space<vmem>>) attributes {dimension_semantics = [#tpu.dimension_semantics<arbitrary>], iteration_bounds = array<i64: 4>, scalar_prefetch = 0 : i64, scratch_operands = 0 : i64, tpu.core_type = #tpu.core_type<tc>, window_params = [{transform_indices = @transform_0, window_bounds = array<i64: 1, 2048, 3>}, {transform_indices = @transform_1, window_bounds = array<i64: 1, 1, 64>}, {transform_indices = @transform_2, window_bounds = array<i64: 1, 32>}, {transform_indices = @transform_3, window_bounds = array<i64: 1, 1>}, {transform_indices = @transform_4, window_bounds = array<i64: 1, 64, 2048>}, {transform_indices = @transform_5, window_bounds = array<i64: 1, 1, 2048>}]} {
    %get3A = arith.constant 0 : index
    %get3A_0 = arith.constant 0 : index
    %get3A_1 = arith.constant 0 : index
    %get3A_2 = vector.load %arg2[%get3A, %get3A_0, %get3A_1] : memref<1x1x64xi32, #tpu.memory_space<vmem>>, vector<1x1x64xi32>
    %get3A_3 = vector.shape_cast %get3A_2 : vector<1x1x64xi32> to vector<1x64xi32>
    %convert_element_type3A = arith.sitofp %get3A_3 : vector<1x64xi32> to vector<1x64xf32>
    %iota3A = tpu.iota {dimensions = array<i32: 0>} : vector<64x64xi32>
    %convert_element_type3A_4 = arith.sitofp %iota3A : vector<64x64xi32> to vector<64x64xf32>
    %iota3A_5 = tpu.iota {dimensions = array<i32: 1>} : vector<64x64xi32>
    %convert_element_type3A_6 = arith.sitofp %iota3A_5 : vector<64x64xi32> to vector<64x64xf32>
    %le3A = arith.cmpf ole, %convert_element_type3A_4, %convert_element_type3A_6 : vector<64x64xf32>
    %convert_element_type3A_7 = arith.extui %le3A : vector<64x64xi1> to vector<64x64xi32>
    %convert_element_type3A_8 = arith.sitofp %convert_element_type3A_7 : vector<64x64xi32> to vector<64x64xf32>
    %dot_general3A = arith.constant dense<0.000000e+00> : vector<1x64xf32>
    %dot_general3A_9 = tpu.matmul %convert_element_type3A, %convert_element_type3A_8, %dot_general3A {dimension_numbers = #tpu.dot_dimension_numbers<[1], [0], [0], [1], [0, 0, 1, 1], [], []>, precision = #tpu.contract_precision<fp32>, transpose_lhs_hint = false} : vector<1x64xf32>, vector<64x64xf32>, vector<1x64xf32> -> vector<1x64xf32>
    %slice3A = vector.extract_strided_slice %dot_general3A_9 {offsets = [0, 63], sizes = [1, 1], strides = [1, 1]} : vector<1x64xf32> to vector<1x1xf32>
    %iota3A_10 = tpu.iota {dimensions = array<i32: 0>} : vector<2048x64xi32>
    %convert_element_type3A_11 = arith.sitofp %iota3A_10 : vector<2048x64xi32> to vector<2048x64xf32>
    %broadcast_in_dim3A = vector.shape_cast %dot_general3A_9 : vector<1x64xf32> to vector<1x64xf32>
    %broadcast_in_dim3A_12 = vector.broadcast %broadcast_in_dim3A : vector<1x64xf32> to vector<2048x64xf32>
    %ge3A = arith.cmpf oge, %convert_element_type3A_11, %broadcast_in_dim3A_12 : vector<2048x64xf32>
    %convert_element_type3A_13 = arith.extui %ge3A : vector<2048x64xi1> to vector<2048x64xi32>
    %convert_element_type3A_14 = arith.sitofp %convert_element_type3A_13 : vector<2048x64xi32> to vector<2048x64xf32>
    %reduce_sum3A = arith.constant dense<0.000000e+00> : vector<2048xf32>
    %reduce_sum3A_15 = vector.multi_reduction <add>, %convert_element_type3A_14, %reduce_sum3A [1] : vector<2048x64xf32> to vector<2048xf32>
    %broadcast_in_dim3A_16 = vector.shape_cast %reduce_sum3A_15 : vector<2048xf32> to vector<2048x1xf32>
    %slice3A_17 = vector.extract_strided_slice %convert_element_type3A_11 {offsets = [0, 0], sizes = [2048, 1], strides = [1, 1]} : vector<2048x64xf32> to vector<2048x1xf32>
    %lt3A = vector.broadcast %slice3A : vector<1x1xf32> to vector<2048x1xf32>
    %lt3A_18 = arith.cmpf olt, %slice3A_17, %lt3A : vector<2048x1xf32>
    %convert_element_type3A_19 = arith.extui %lt3A_18 : vector<2048x1xi1> to vector<2048x1xi32>
    %convert_element_type3A_20 = arith.sitofp %convert_element_type3A_19 : vector<2048x1xi32> to vector<2048x1xf32>
    %gt3A = arith.constant 0.000000e+00 : f32
    %gt3A_21 = vector.broadcast %gt3A : f32 to vector<2048x1xf32>
    %gt3A_22 = arith.cmpf ogt, %convert_element_type3A_20, %gt3A_21 : vector<2048x1xf32>
    %min3A = arith.constant 6.300000e+01 : f32
    %min3A_23 = vector.broadcast %min3A : f32 to vector<2048x1xf32>
    %min3A_24 = arith.minimumf %broadcast_in_dim3A_16, %min3A_23 : vector<2048x1xf32>
    %jit3A = arith.constant 0.000000e+00 : f32
    %broadcast_in_dim3A_25 = vector.broadcast %jit3A : f32 to vector<2048x1xf32>
    %select_n3A = arith.select %gt3A_22, %min3A_24, %broadcast_in_dim3A_25 : vector<2048x1xi1>, vector<2048x1xf32>
    %iota3A_26 = tpu.iota {dimensions = array<i32: 1>} : vector<2048x64xi32>
    %convert_element_type3A_27 = arith.sitofp %iota3A_26 : vector<2048x64xi32> to vector<2048x64xf32>
    %eq3A = vector.broadcast %select_n3A : vector<2048x1xf32> to vector<2048x64xf32>
    %eq3A_28 = arith.cmpf oeq, %eq3A, %convert_element_type3A_27 : vector<2048x64xf32>
    %convert_element_type3A_29 = arith.extui %eq3A_28 : vector<2048x64xi1> to vector<2048x64xi32>
    %convert_element_type3A_30 = arith.sitofp %convert_element_type3A_29 : vector<2048x64xi32> to vector<2048x64xf32>
    %mul3A = vector.broadcast %convert_element_type3A_20 : vector<2048x1xf32> to vector<2048x64xf32>
    %mul3A_31 = arith.mulf %convert_element_type3A_30, %mul3A : vector<2048x64xf32>
    %get3A_32 = arith.constant 0 : index
    %get3A_33 = arith.constant 0 : index
    %get3A_34 = arith.constant 0 : index
    %get3A_35 = vector.load %arg1[%get3A_32, %get3A_33, %get3A_34] : memref<1x2048x3xf32, #tpu.memory_space<vmem>>, vector<1x2048x3xf32>
    %get3A_36 = vector.shape_cast %get3A_35 : vector<1x2048x3xf32> to vector<2048x3xf32>
    %convert_element_type3A_37 = arith.truncf %get3A_36 : vector<2048x3xf32> to vector<2048x3xbf16>
    %convert_element_type3A_38 = arith.extf %convert_element_type3A_37 : vector<2048x3xbf16> to vector<2048x3xf32>
    %slice3A_39 = vector.extract_strided_slice %convert_element_type3A_38 {offsets = [0, 0], sizes = [2048, 1], strides = [1, 1]} : vector<2048x3xf32> to vector<2048x1xf32>
    %mul3A_40 = vector.broadcast %slice3A_39 : vector<2048x1xf32> to vector<2048x64xf32>
    %mul3A_41 = arith.mulf %mul3A_31, %mul3A_40 : vector<2048x64xf32>
    %reduce_sum3A_42 = arith.constant dense<0.000000e+00> : vector<64xf32>
    %reduce_sum3A_43 = vector.multi_reduction <add>, %mul3A_41, %reduce_sum3A_42 [0] : vector<2048x64xf32> to vector<64xf32>
    %broadcast_in_dim3A_44 = vector.shape_cast %reduce_sum3A_43 : vector<64xf32> to vector<1x64xf32>
    %slice3A_45 = vector.extract_strided_slice %convert_element_type3A_38 {offsets = [0, 1], sizes = [2048, 1], strides = [1, 1]} : vector<2048x3xf32> to vector<2048x1xf32>
    %mul3A_46 = vector.broadcast %slice3A_45 : vector<2048x1xf32> to vector<2048x64xf32>
    %mul3A_47 = arith.mulf %mul3A_31, %mul3A_46 : vector<2048x64xf32>
    %reduce_sum3A_48 = arith.constant dense<0.000000e+00> : vector<64xf32>
    %reduce_sum3A_49 = vector.multi_reduction <add>, %mul3A_47, %reduce_sum3A_48 [0] : vector<2048x64xf32> to vector<64xf32>
    %broadcast_in_dim3A_50 = vector.shape_cast %reduce_sum3A_49 : vector<64xf32> to vector<1x64xf32>
    %slice3A_51 = vector.extract_strided_slice %convert_element_type3A_38 {offsets = [0, 2], sizes = [2048, 1], strides = [1, 1]} : vector<2048x3xf32> to vector<2048x1xf32>
    %mul3A_52 = vector.broadcast %slice3A_51 : vector<2048x1xf32> to vector<2048x64xf32>
    %mul3A_53 = arith.mulf %mul3A_31, %mul3A_52 : vector<2048x64xf32>
    %reduce_sum3A_54 = arith.constant dense<0.000000e+00> : vector<64xf32>
    %reduce_sum3A_55 = vector.multi_reduction <add>, %mul3A_53, %reduce_sum3A_54 [0] : vector<2048x64xf32> to vector<64xf32>
    %broadcast_in_dim3A_56 = vector.shape_cast %reduce_sum3A_55 : vector<64xf32> to vector<1x64xf32>
    %concatenate3A = tpu.concatenate %broadcast_in_dim3A_44, %broadcast_in_dim3A_50, %broadcast_in_dim3A_56 in 0 : vector<1x64xf32>, vector<1x64xf32>, vector<1x64xf32> -> vector<3x64xf32>
    %max3A = arith.constant 1.000000e+00 : f32
    %max3A_57 = vector.broadcast %max3A : f32 to vector<1x64xf32>
    %max3A_58 = arith.maximumf %convert_element_type3A, %max3A_57 : vector<1x64xf32>
    %div3A = vector.broadcast %max3A_58 : vector<1x64xf32> to vector<3x64xf32>
    %div3A_59 = arith.divf %concatenate3A, %div3A : vector<3x64xf32>
    %ne3A = arith.cmpf one, %convert_element_type3A_4, %convert_element_type3A_6 : vector<64x64xf32>
    %convert_element_type3A_60 = arith.extui %ne3A : vector<64x64xi1> to vector<64x64xi32>
    %convert_element_type3A_61 = arith.sitofp %convert_element_type3A_60 : vector<64x64xi32> to vector<64x64xf32>
    %broadcast_in_dim3A_62 = vector.shape_cast %div3A_59 : vector<3x64xf32> to vector<3x64x1xf32>
    %broadcast_in_dim3A_63 = vector.shape_cast %div3A_59 : vector<3x64xf32> to vector<3x1x64xf32>
    %sub3A = vector.broadcast %broadcast_in_dim3A_62 : vector<3x64x1xf32> to vector<3x64x64xf32>
    %sub3A_64 = vector.broadcast %broadcast_in_dim3A_63 : vector<3x1x64xf32> to vector<3x64x64xf32>
    %sub3A_65 = arith.subf %sub3A, %sub3A_64 : vector<3x64x64xf32>
    %broadcast_in_dim3A_66 = vector.shape_cast %convert_element_type3A_61 : vector<64x64xf32> to vector<1x64x64xf32>
    %mul3A_67 = vector.broadcast %broadcast_in_dim3A_66 : vector<1x64x64xf32> to vector<3x64x64xf32>
    %mul3A_68 = arith.mulf %sub3A_65, %mul3A_67 : vector<3x64x64xf32>
    %mul3A_69 = arith.mulf %mul3A_68, %mul3A_68 : vector<3x64x64xf32>
    %reduce_sum3A_70 = arith.constant dense<0.000000e+00> : vector<64x64xf32>
    %reduce_sum3A_71 = vector.multi_reduction <add>, %mul3A_69, %reduce_sum3A_70 [0] : vector<3x64x64xf32> to vector<64x64xf32>
    %max3A_72 = arith.constant 1.000000e-24 : f32
    %max3A_73 = vector.broadcast %max3A_72 : f32 to vector<64x64xf32>
    %max3A_74 = arith.maximumf %reduce_sum3A_71, %max3A_73 : vector<64x64xf32>
    %sqrt3A = math.sqrt %max3A_74 : vector<64x64xf32>
    %max3A_75 = arith.constant 1.000000e-16 : f32
    %max3A_76 = vector.broadcast %max3A_75 : f32 to vector<64x64xf32>
    %max3A_77 = arith.maximumf %reduce_sum3A_71, %max3A_76 : vector<64x64xf32>
    %sqrt3A_78 = math.sqrt %max3A_77 : vector<64x64xf32>
    %max3A_79 = arith.constant 9.99999993E-9 : f32
    %max3A_80 = vector.broadcast %max3A_79 : f32 to vector<64x64xf32>
    %max3A_81 = arith.maximumf %sqrt3A_78, %max3A_80 : vector<64x64xf32>
    %broadcast_in_dim3A_82 = vector.shape_cast %max3A_81 : vector<64x64xf32> to vector<1x64x64xf32>
    %div3A_83 = vector.broadcast %broadcast_in_dim3A_82 : vector<1x64x64xf32> to vector<3x64x64xf32>
    %div3A_84 = arith.divf %mul3A_68, %div3A_83 : vector<3x64x64xf32>
    %broadcast_in_dim3A_85 = arith.constant 0.000000e+00 : f32
    %broadcast_in_dim3A_86 = vector.broadcast %broadcast_in_dim3A_85 : f32 to vector<64x64xf32>
    %sub3A_87 = arith.constant 0.000000e+00 : f32
    %sub3A_88 = vector.broadcast %sub3A_87 : f32 to vector<64x64xf32>
    %sub3A_89 = arith.subf %sqrt3A, %sub3A_88 : vector<64x64xf32>
    %get3A_90 = arith.constant 0 : index
    %get3A_91 = arith.constant 0 : index
    %get3A_92 = memref.load %arg3[%get3A_90, %get3A_91] : memref<1x32xf32, #tpu.memory_space<smem>>
    %convert_element_type3A_93 = arith.truncf %get3A_92 : f32 to bf16
    %convert_element_type3A_94 = arith.extf %convert_element_type3A_93 : bf16 to f32
    %mul3A_95 = arith.constant -1.125000e+00 : f32
    %mul3A_96 = vector.broadcast %mul3A_95 : f32 to vector<64x64xf32>
    %mul3A_97 = arith.mulf %mul3A_96, %sub3A_89 : vector<64x64xf32>
    %mul3A_98 = arith.mulf %mul3A_97, %sub3A_89 : vector<64x64xf32>
    %exp3A = math.exp %mul3A_98 : vector<64x64xf32>
    %convert_element_type3A_99 = arith.truncf %exp3A : vector<64x64xf32> to vector<64x64xbf16>
    %convert_element_type3A_100 = arith.extf %convert_element_type3A_99 : vector<64x64xbf16> to vector<64x64xf32>
    %mul3A_101 = vector.broadcast %convert_element_type3A_94 : f32 to vector<64x64xf32>
    %mul3A_102 = arith.mulf %mul3A_101, %convert_element_type3A_100 : vector<64x64xf32>
    %add3A = arith.addf %broadcast_in_dim3A_86, %mul3A_102 : vector<64x64xf32>
    %sub3A_103 = arith.constant 0.666666686 : f32
    %sub3A_104 = vector.broadcast %sub3A_103 : f32 to vector<64x64xf32>
    %sub3A_105 = arith.subf %sqrt3A, %sub3A_104 : vector<64x64xf32>
    %get3A_106 = arith.constant 0 : index
    %get3A_107 = arith.constant 1 : index
    %get3A_108 = memref.load %arg3[%get3A_106, %get3A_107] : memref<1x32xf32, #tpu.memory_space<smem>>
    %convert_element_type3A_109 = arith.truncf %get3A_108 : f32 to bf16
    %convert_element_type3A_110 = arith.extf %convert_element_type3A_109 : bf16 to f32
    %mul3A_111 = arith.constant -1.125000e+00 : f32
    %mul3A_112 = vector.broadcast %mul3A_111 : f32 to vector<64x64xf32>
    %mul3A_113 = arith.mulf %mul3A_112, %sub3A_105 : vector<64x64xf32>
    %mul3A_114 = arith.mulf %mul3A_113, %sub3A_105 : vector<64x64xf32>
    %exp3A_115 = math.exp %mul3A_114 : vector<64x64xf32>
    %convert_element_type3A_116 = arith.truncf %exp3A_115 : vector<64x64xf32> to vector<64x64xbf16>
    %convert_element_type3A_117 = arith.extf %convert_element_type3A_116 : vector<64x64xbf16> to vector<64x64xf32>
    %mul3A_118 = vector.broadcast %convert_element_type3A_110 : f32 to vector<64x64xf32>
    %mul3A_119 = arith.mulf %mul3A_118, %convert_element_type3A_117 : vector<64x64xf32>
    %add3A_120 = arith.addf %add3A, %mul3A_119 : vector<64x64xf32>
    %sub3A_121 = arith.constant 1.33333337 : f32
    %sub3A_122 = vector.broadcast %sub3A_121 : f32 to vector<64x64xf32>
    %sub3A_123 = arith.subf %sqrt3A, %sub3A_122 : vector<64x64xf32>
    %get3A_124 = arith.constant 0 : index
    %get3A_125 = arith.constant 2 : index
    %get3A_126 = memref.load %arg3[%get3A_124, %get3A_125] : memref<1x32xf32, #tpu.memory_space<smem>>
    %convert_element_type3A_127 = arith.truncf %get3A_126 : f32 to bf16
    %convert_element_type3A_128 = arith.extf %convert_element_type3A_127 : bf16 to f32
    %mul3A_129 = arith.constant -1.125000e+00 : f32
    %mul3A_130 = vector.broadcast %mul3A_129 : f32 to vector<64x64xf32>
    %mul3A_131 = arith.mulf %mul3A_130, %sub3A_123 : vector<64x64xf32>
    %mul3A_132 = arith.mulf %mul3A_131, %sub3A_123 : vector<64x64xf32>
    %exp3A_133 = math.exp %mul3A_132 : vector<64x64xf32>
    %convert_element_type3A_134 = arith.truncf %exp3A_133 : vector<64x64xf32> to vector<64x64xbf16>
    %convert_element_type3A_135 = arith.extf %convert_element_type3A_134 : vector<64x64xbf16> to vector<64x64xf32>
    %mul3A_136 = vector.broadcast %convert_element_type3A_128 : f32 to vector<64x64xf32>
    %mul3A_137 = arith.mulf %mul3A_136, %convert_element_type3A_135 : vector<64x64xf32>
    %add3A_138 = arith.addf %add3A_120, %mul3A_137 : vector<64x64xf32>
    %sub3A_139 = arith.constant 2.000000e+00 : f32
    %sub3A_140 = vector.broadcast %sub3A_139 : f32 to vector<64x64xf32>
    %sub3A_141 = arith.subf %sqrt3A, %sub3A_140 : vector<64x64xf32>
    %get3A_142 = arith.constant 0 : index
    %get3A_143 = arith.constant 3 : index
    %get3A_144 = memref.load %arg3[%get3A_142, %get3A_143] : memref<1x32xf32, #tpu.memory_space<smem>>
    %convert_element_type3A_145 = arith.truncf %get3A_144 : f32 to bf16
    %convert_element_type3A_146 = arith.extf %convert_element_type3A_145 : bf16 to f32
    %mul3A_147 = arith.constant -1.125000e+00 : f32
    %mul3A_148 = vector.broadcast %mul3A_147 : f32 to vector<64x64xf32>
    %mul3A_149 = arith.mulf %mul3A_148, %sub3A_141 : vector<64x64xf32>
    %mul3A_150 = arith.mulf %mul3A_149, %sub3A_141 : vector<64x64xf32>
    %exp3A_151 = math.exp %mul3A_150 : vector<64x64xf32>
    %convert_element_type3A_152 = arith.truncf %exp3A_151 : vector<64x64xf32> to vector<64x64xbf16>
    %convert_element_type3A_153 = arith.extf %convert_element_type3A_152 : vector<64x64xbf16> to vector<64x64xf32>
    %mul3A_154 = vector.broadcast %convert_element_type3A_146 : f32 to vector<64x64xf32>
    %mul3A_155 = arith.mulf %mul3A_154, %convert_element_type3A_153 : vector<64x64xf32>
    %add3A_156 = arith.addf %add3A_138, %mul3A_155 : vector<64x64xf32>
    %sub3A_157 = arith.constant 2.66666675 : f32
    %sub3A_158 = vector.broadcast %sub3A_157 : f32 to vector<64x64xf32>
    %sub3A_159 = arith.subf %sqrt3A, %sub3A_158 : vector<64x64xf32>
    %get3A_160 = arith.constant 0 : index
    %get3A_161 = arith.constant 4 : index
    %get3A_162 = memref.load %arg3[%get3A_160, %get3A_161] : memref<1x32xf32, #tpu.memory_space<smem>>
    %convert_element_type3A_163 = arith.truncf %get3A_162 : f32 to bf16
    %convert_element_type3A_164 = arith.extf %convert_element_type3A_163 : bf16 to f32
    %mul3A_165 = arith.constant -1.125000e+00 : f32
    %mul3A_166 = vector.broadcast %mul3A_165 : f32 to vector<64x64xf32>
    %mul3A_167 = arith.mulf %mul3A_166, %sub3A_159 : vector<64x64xf32>
    %mul3A_168 = arith.mulf %mul3A_167, %sub3A_159 : vector<64x64xf32>
    %exp3A_169 = math.exp %mul3A_168 : vector<64x64xf32>
    %convert_element_type3A_170 = arith.truncf %exp3A_169 : vector<64x64xf32> to vector<64x64xbf16>
    %convert_element_type3A_171 = arith.extf %convert_element_type3A_170 : vector<64x64xbf16> to vector<64x64xf32>
    %mul3A_172 = vector.broadcast %convert_element_type3A_164 : f32 to vector<64x64xf32>
    %mul3A_173 = arith.mulf %mul3A_172, %convert_element_type3A_171 : vector<64x64xf32>
    %add3A_174 = arith.addf %add3A_156, %mul3A_173 : vector<64x64xf32>
    %sub3A_175 = arith.constant 3.33333325 : f32
    %sub3A_176 = vector.broadcast %sub3A_175 : f32 to vector<64x64xf32>
    %sub3A_177 = arith.subf %sqrt3A, %sub3A_176 : vector<64x64xf32>
    %get3A_178 = arith.constant 0 : index
    %get3A_179 = arith.constant 5 : index
    %get3A_180 = memref.load %arg3[%get3A_178, %get3A_179] : memref<1x32xf32, #tpu.memory_space<smem>>
    %convert_element_type3A_181 = arith.truncf %get3A_180 : f32 to bf16
    %convert_element_type3A_182 = arith.extf %convert_element_type3A_181 : bf16 to f32
    %mul3A_183 = arith.constant -1.125000e+00 : f32
    %mul3A_184 = vector.broadcast %mul3A_183 : f32 to vector<64x64xf32>
    %mul3A_185 = arith.mulf %mul3A_184, %sub3A_177 : vector<64x64xf32>
    %mul3A_186 = arith.mulf %mul3A_185, %sub3A_177 : vector<64x64xf32>
    %exp3A_187 = math.exp %mul3A_186 : vector<64x64xf32>
    %convert_element_type3A_188 = arith.truncf %exp3A_187 : vector<64x64xf32> to vector<64x64xbf16>
    %convert_element_type3A_189 = arith.extf %convert_element_type3A_188 : vector<64x64xbf16> to vector<64x64xf32>
    %mul3A_190 = vector.broadcast %convert_element_type3A_182 : f32 to vector<64x64xf32>
    %mul3A_191 = arith.mulf %mul3A_190, %convert_element_type3A_189 : vector<64x64xf32>
    %add3A_192 = arith.addf %add3A_174, %mul3A_191 : vector<64x64xf32>
    %sub3A_193 = arith.constant 4.000000e+00 : f32
    %sub3A_194 = vector.broadcast %sub3A_193 : f32 to vector<64x64xf32>
    %sub3A_195 = arith.subf %sqrt3A, %sub3A_194 : vector<64x64xf32>
    %get3A_196 = arith.constant 0 : index
    %get3A_197 = arith.constant 6 : index
    %get3A_198 = memref.load %arg3[%get3A_196, %get3A_197] : memref<1x32xf32, #tpu.memory_space<smem>>
    %convert_element_type3A_199 = arith.truncf %get3A_198 : f32 to bf16
    %convert_element_type3A_200 = arith.extf %convert_element_type3A_199 : bf16 to f32
    %mul3A_201 = arith.constant -1.125000e+00 : f32
    %mul3A_202 = vector.broadcast %mul3A_201 : f32 to vector<64x64xf32>
    %mul3A_203 = arith.mulf %mul3A_202, %sub3A_195 : vector<64x64xf32>
    %mul3A_204 = arith.mulf %mul3A_203, %sub3A_195 : vector<64x64xf32>
    %exp3A_205 = math.exp %mul3A_204 : vector<64x64xf32>
    %convert_element_type3A_206 = arith.truncf %exp3A_205 : vector<64x64xf32> to vector<64x64xbf16>
    %convert_element_type3A_207 = arith.extf %convert_element_type3A_206 : vector<64x64xbf16> to vector<64x64xf32>
    %mul3A_208 = vector.broadcast %convert_element_type3A_200 : f32 to vector<64x64xf32>
    %mul3A_209 = arith.mulf %mul3A_208, %convert_element_type3A_207 : vector<64x64xf32>
    %add3A_210 = arith.addf %add3A_192, %mul3A_209 : vector<64x64xf32>
    %sub3A_211 = arith.constant 4.66666651 : f32
    %sub3A_212 = vector.broadcast %sub3A_211 : f32 to vector<64x64xf32>
    %sub3A_213 = arith.subf %sqrt3A, %sub3A_212 : vector<64x64xf32>
    %get3A_214 = arith.constant 0 : index
    %get3A_215 = arith.constant 7 : index
    %get3A_216 = memref.load %arg3[%get3A_214, %get3A_215] : memref<1x32xf32, #tpu.memory_space<smem>>
    %convert_element_type3A_217 = arith.truncf %get3A_216 : f32 to bf16
    %convert_element_type3A_218 = arith.extf %convert_element_type3A_217 : bf16 to f32
    %mul3A_219 = arith.constant -1.125000e+00 : f32
    %mul3A_220 = vector.broadcast %mul3A_219 : f32 to vector<64x64xf32>
    %mul3A_221 = arith.mulf %mul3A_220, %sub3A_213 : vector<64x64xf32>
    %mul3A_222 = arith.mulf %mul3A_221, %sub3A_213 : vector<64x64xf32>
    %exp3A_223 = math.exp %mul3A_222 : vector<64x64xf32>
    %convert_element_type3A_224 = arith.truncf %exp3A_223 : vector<64x64xf32> to vector<64x64xbf16>
    %convert_element_type3A_225 = arith.extf %convert_element_type3A_224 : vector<64x64xbf16> to vector<64x64xf32>
    %mul3A_226 = vector.broadcast %convert_element_type3A_218 : f32 to vector<64x64xf32>
    %mul3A_227 = arith.mulf %mul3A_226, %convert_element_type3A_225 : vector<64x64xf32>
    %add3A_228 = arith.addf %add3A_210, %mul3A_227 : vector<64x64xf32>
    %sub3A_229 = arith.constant 5.33333349 : f32
    %sub3A_230 = vector.broadcast %sub3A_229 : f32 to vector<64x64xf32>
    %sub3A_231 = arith.subf %sqrt3A, %sub3A_230 : vector<64x64xf32>
    %get3A_232 = arith.constant 0 : index
    %get3A_233 = arith.constant 8 : index
    %get3A_234 = memref.load %arg3[%get3A_232, %get3A_233] : memref<1x32xf32, #tpu.memory_space<smem>>
    %convert_element_type3A_235 = arith.truncf %get3A_234 : f32 to bf16
    %convert_element_type3A_236 = arith.extf %convert_element_type3A_235 : bf16 to f32
    %mul3A_237 = arith.constant -1.125000e+00 : f32
    %mul3A_238 = vector.broadcast %mul3A_237 : f32 to vector<64x64xf32>
    %mul3A_239 = arith.mulf %mul3A_238, %sub3A_231 : vector<64x64xf32>
    %mul3A_240 = arith.mulf %mul3A_239, %sub3A_231 : vector<64x64xf32>
    %exp3A_241 = math.exp %mul3A_240 : vector<64x64xf32>
    %convert_element_type3A_242 = arith.truncf %exp3A_241 : vector<64x64xf32> to vector<64x64xbf16>
    %convert_element_type3A_243 = arith.extf %convert_element_type3A_242 : vector<64x64xbf16> to vector<64x64xf32>
    %mul3A_244 = vector.broadcast %convert_element_type3A_236 : f32 to vector<64x64xf32>
    %mul3A_245 = arith.mulf %mul3A_244, %convert_element_type3A_243 : vector<64x64xf32>
    %add3A_246 = arith.addf %add3A_228, %mul3A_245 : vector<64x64xf32>
    %sub3A_247 = arith.constant 6.000000e+00 : f32
    %sub3A_248 = vector.broadcast %sub3A_247 : f32 to vector<64x64xf32>
    %sub3A_249 = arith.subf %sqrt3A, %sub3A_248 : vector<64x64xf32>
    %get3A_250 = arith.constant 0 : index
    %get3A_251 = arith.constant 9 : index
    %get3A_252 = memref.load %arg3[%get3A_250, %get3A_251] : memref<1x32xf32, #tpu.memory_space<smem>>
    %convert_element_type3A_253 = arith.truncf %get3A_252 : f32 to bf16
    %convert_element_type3A_254 = arith.extf %convert_element_type3A_253 : bf16 to f32
    %mul3A_255 = arith.constant -1.125000e+00 : f32
    %mul3A_256 = vector.broadcast %mul3A_255 : f32 to vector<64x64xf32>
    %mul3A_257 = arith.mulf %mul3A_256, %sub3A_249 : vector<64x64xf32>
    %mul3A_258 = arith.mulf %mul3A_257, %sub3A_249 : vector<64x64xf32>
    %exp3A_259 = math.exp %mul3A_258 : vector<64x64xf32>
    %convert_element_type3A_260 = arith.truncf %exp3A_259 : vector<64x64xf32> to vector<64x64xbf16>
    %convert_element_type3A_261 = arith.extf %convert_element_type3A_260 : vector<64x64xbf16> to vector<64x64xf32>
    %mul3A_262 = vector.broadcast %convert_element_type3A_254 : f32 to vector<64x64xf32>
    %mul3A_263 = arith.mulf %mul3A_262, %convert_element_type3A_261 : vector<64x64xf32>
    %add3A_264 = arith.addf %add3A_246, %mul3A_263 : vector<64x64xf32>
    %sub3A_265 = arith.constant 6.66666651 : f32
    %sub3A_266 = vector.broadcast %sub3A_265 : f32 to vector<64x64xf32>
    %sub3A_267 = arith.subf %sqrt3A, %sub3A_266 : vector<64x64xf32>
    %get3A_268 = arith.constant 0 : index
    %get3A_269 = arith.constant 10 : index
    %get3A_270 = memref.load %arg3[%get3A_268, %get3A_269] : memref<1x32xf32, #tpu.memory_space<smem>>
    %convert_element_type3A_271 = arith.truncf %get3A_270 : f32 to bf16
    %convert_element_type3A_272 = arith.extf %convert_element_type3A_271 : bf16 to f32
    %mul3A_273 = arith.constant -1.125000e+00 : f32
    %mul3A_274 = vector.broadcast %mul3A_273 : f32 to vector<64x64xf32>
    %mul3A_275 = arith.mulf %mul3A_274, %sub3A_267 : vector<64x64xf32>
    %mul3A_276 = arith.mulf %mul3A_275, %sub3A_267 : vector<64x64xf32>
    %exp3A_277 = math.exp %mul3A_276 : vector<64x64xf32>
    %convert_element_type3A_278 = arith.truncf %exp3A_277 : vector<64x64xf32> to vector<64x64xbf16>
    %convert_element_type3A_279 = arith.extf %convert_element_type3A_278 : vector<64x64xbf16> to vector<64x64xf32>
    %mul3A_280 = vector.broadcast %convert_element_type3A_272 : f32 to vector<64x64xf32>
    %mul3A_281 = arith.mulf %mul3A_280, %convert_element_type3A_279 : vector<64x64xf32>
    %add3A_282 = arith.addf %add3A_264, %mul3A_281 : vector<64x64xf32>
    %sub3A_283 = arith.constant 7.33333349 : f32
    %sub3A_284 = vector.broadcast %sub3A_283 : f32 to vector<64x64xf32>
    %sub3A_285 = arith.subf %sqrt3A, %sub3A_284 : vector<64x64xf32>
    %get3A_286 = arith.constant 0 : index
    %get3A_287 = arith.constant 11 : index
    %get3A_288 = memref.load %arg3[%get3A_286, %get3A_287] : memref<1x32xf32, #tpu.memory_space<smem>>
    %convert_element_type3A_289 = arith.truncf %get3A_288 : f32 to bf16
    %convert_element_type3A_290 = arith.extf %convert_element_type3A_289 : bf16 to f32
    %mul3A_291 = arith.constant -1.125000e+00 : f32
    %mul3A_292 = vector.broadcast %mul3A_291 : f32 to vector<64x64xf32>
    %mul3A_293 = arith.mulf %mul3A_292, %sub3A_285 : vector<64x64xf32>
    %mul3A_294 = arith.mulf %mul3A_293, %sub3A_285 : vector<64x64xf32>
    %exp3A_295 = math.exp %mul3A_294 : vector<64x64xf32>
    %convert_element_type3A_296 = arith.truncf %exp3A_295 : vector<64x64xf32> to vector<64x64xbf16>
    %convert_element_type3A_297 = arith.extf %convert_element_type3A_296 : vector<64x64xbf16> to vector<64x64xf32>
    %mul3A_298 = vector.broadcast %convert_element_type3A_290 : f32 to vector<64x64xf32>
    %mul3A_299 = arith.mulf %mul3A_298, %convert_element_type3A_297 : vector<64x64xf32>
    %add3A_300 = arith.addf %add3A_282, %mul3A_299 : vector<64x64xf32>
    %sub3A_301 = arith.constant 8.000000e+00 : f32
    %sub3A_302 = vector.broadcast %sub3A_301 : f32 to vector<64x64xf32>
    %sub3A_303 = arith.subf %sqrt3A, %sub3A_302 : vector<64x64xf32>
    %get3A_304 = arith.constant 0 : index
    %get3A_305 = arith.constant 12 : index
    %get3A_306 = memref.load %arg3[%get3A_304, %get3A_305] : memref<1x32xf32, #tpu.memory_space<smem>>
    %convert_element_type3A_307 = arith.truncf %get3A_306 : f32 to bf16
    %convert_element_type3A_308 = arith.extf %convert_element_type3A_307 : bf16 to f32
    %mul3A_309 = arith.constant -1.125000e+00 : f32
    %mul3A_310 = vector.broadcast %mul3A_309 : f32 to vector<64x64xf32>
    %mul3A_311 = arith.mulf %mul3A_310, %sub3A_303 : vector<64x64xf32>
    %mul3A_312 = arith.mulf %mul3A_311, %sub3A_303 : vector<64x64xf32>
    %exp3A_313 = math.exp %mul3A_312 : vector<64x64xf32>
    %convert_element_type3A_314 = arith.truncf %exp3A_313 : vector<64x64xf32> to vector<64x64xbf16>
    %convert_element_type3A_315 = arith.extf %convert_element_type3A_314 : vector<64x64xbf16> to vector<64x64xf32>
    %mul3A_316 = vector.broadcast %convert_element_type3A_308 : f32 to vector<64x64xf32>
    %mul3A_317 = arith.mulf %mul3A_316, %convert_element_type3A_315 : vector<64x64xf32>
    %add3A_318 = arith.addf %add3A_300, %mul3A_317 : vector<64x64xf32>
    %sub3A_319 = arith.constant 8.66666698 : f32
    %sub3A_320 = vector.broadcast %sub3A_319 : f32 to vector<64x64xf32>
    %sub3A_321 = arith.subf %sqrt3A, %sub3A_320 : vector<64x64xf32>
    %get3A_322 = arith.constant 0 : index
    %get3A_323 = arith.constant 13 : index
    %get3A_324 = memref.load %arg3[%get3A_322, %get3A_323] : memref<1x32xf32, #tpu.memory_space<smem>>
    %convert_element_type3A_325 = arith.truncf %get3A_324 : f32 to bf16
    %convert_element_type3A_326 = arith.extf %convert_element_type3A_325 : bf16 to f32
    %mul3A_327 = arith.constant -1.125000e+00 : f32
    %mul3A_328 = vector.broadcast %mul3A_327 : f32 to vector<64x64xf32>
    %mul3A_329 = arith.mulf %mul3A_328, %sub3A_321 : vector<64x64xf32>
    %mul3A_330 = arith.mulf %mul3A_329, %sub3A_321 : vector<64x64xf32>
    %exp3A_331 = math.exp %mul3A_330 : vector<64x64xf32>
    %convert_element_type3A_332 = arith.truncf %exp3A_331 : vector<64x64xf32> to vector<64x64xbf16>
    %convert_element_type3A_333 = arith.extf %convert_element_type3A_332 : vector<64x64xbf16> to vector<64x64xf32>
    %mul3A_334 = vector.broadcast %convert_element_type3A_326 : f32 to vector<64x64xf32>
    %mul3A_335 = arith.mulf %mul3A_334, %convert_element_type3A_333 : vector<64x64xf32>
    %add3A_336 = arith.addf %add3A_318, %mul3A_335 : vector<64x64xf32>
    %sub3A_337 = arith.constant 9.33333301 : f32
    %sub3A_338 = vector.broadcast %sub3A_337 : f32 to vector<64x64xf32>
    %sub3A_339 = arith.subf %sqrt3A, %sub3A_338 : vector<64x64xf32>
    %get3A_340 = arith.constant 0 : index
    %get3A_341 = arith.constant 14 : index
    %get3A_342 = memref.load %arg3[%get3A_340, %get3A_341] : memref<1x32xf32, #tpu.memory_space<smem>>
    %convert_element_type3A_343 = arith.truncf %get3A_342 : f32 to bf16
    %convert_element_type3A_344 = arith.extf %convert_element_type3A_343 : bf16 to f32
    %mul3A_345 = arith.constant -1.125000e+00 : f32
    %mul3A_346 = vector.broadcast %mul3A_345 : f32 to vector<64x64xf32>
    %mul3A_347 = arith.mulf %mul3A_346, %sub3A_339 : vector<64x64xf32>
    %mul3A_348 = arith.mulf %mul3A_347, %sub3A_339 : vector<64x64xf32>
    %exp3A_349 = math.exp %mul3A_348 : vector<64x64xf32>
    %convert_element_type3A_350 = arith.truncf %exp3A_349 : vector<64x64xf32> to vector<64x64xbf16>
    %convert_element_type3A_351 = arith.extf %convert_element_type3A_350 : vector<64x64xbf16> to vector<64x64xf32>
    %mul3A_352 = vector.broadcast %convert_element_type3A_344 : f32 to vector<64x64xf32>
    %mul3A_353 = arith.mulf %mul3A_352, %convert_element_type3A_351 : vector<64x64xf32>
    %add3A_354 = arith.addf %add3A_336, %mul3A_353 : vector<64x64xf32>
    %sub3A_355 = arith.constant 1.000000e+01 : f32
    %sub3A_356 = vector.broadcast %sub3A_355 : f32 to vector<64x64xf32>
    %sub3A_357 = arith.subf %sqrt3A, %sub3A_356 : vector<64x64xf32>
    %get3A_358 = arith.constant 0 : index
    %get3A_359 = arith.constant 15 : index
    %get3A_360 = memref.load %arg3[%get3A_358, %get3A_359] : memref<1x32xf32, #tpu.memory_space<smem>>
    %convert_element_type3A_361 = arith.truncf %get3A_360 : f32 to bf16
    %convert_element_type3A_362 = arith.extf %convert_element_type3A_361 : bf16 to f32
    %mul3A_363 = arith.constant -1.125000e+00 : f32
    %mul3A_364 = vector.broadcast %mul3A_363 : f32 to vector<64x64xf32>
    %mul3A_365 = arith.mulf %mul3A_364, %sub3A_357 : vector<64x64xf32>
    %mul3A_366 = arith.mulf %mul3A_365, %sub3A_357 : vector<64x64xf32>
    %exp3A_367 = math.exp %mul3A_366 : vector<64x64xf32>
    %convert_element_type3A_368 = arith.truncf %exp3A_367 : vector<64x64xf32> to vector<64x64xbf16>
    %convert_element_type3A_369 = arith.extf %convert_element_type3A_368 : vector<64x64xbf16> to vector<64x64xf32>
    %mul3A_370 = vector.broadcast %convert_element_type3A_362 : f32 to vector<64x64xf32>
    %mul3A_371 = arith.mulf %mul3A_370, %convert_element_type3A_369 : vector<64x64xf32>
    %add3A_372 = arith.addf %add3A_354, %mul3A_371 : vector<64x64xf32>
    %convert_element_type3A_373 = arith.truncf %div3A_84 : vector<3x64x64xf32> to vector<3x64x64xbf16>
    %convert_element_type3A_374 = arith.extf %convert_element_type3A_373 : vector<3x64x64xbf16> to vector<3x64x64xf32>
    %slice3A_375 = vector.extract_strided_slice %convert_element_type3A_374 {offsets = [0, 0, 0], sizes = [1, 64, 64], strides = [1, 1, 1]} : vector<3x64x64xf32> to vector<1x64x64xf32>
    %squeeze3A = vector.shape_cast %slice3A_375 : vector<1x64x64xf32> to vector<64x64xf32>
    %broadcast_in_dim3A_376 = vector.shape_cast %squeeze3A : vector<64x64xf32> to vector<64x64x1xf32>
    %slice3A_377 = vector.extract_strided_slice %convert_element_type3A_374 {offsets = [0, 0, 0], sizes = [1, 64, 64], strides = [1, 1, 1]} : vector<3x64x64xf32> to vector<1x64x64xf32>
    %squeeze3A_378 = vector.shape_cast %slice3A_377 : vector<1x64x64xf32> to vector<64x64xf32>
    %broadcast_in_dim3A_379 = vector.shape_cast %squeeze3A_378 : vector<64x64xf32> to vector<64x1x64xf32>
    %mul3A_380 = vector.broadcast %broadcast_in_dim3A_376 : vector<64x64x1xf32> to vector<64x64x64xf32>
    %mul3A_381 = vector.broadcast %broadcast_in_dim3A_379 : vector<64x1x64xf32> to vector<64x64x64xf32>
    %mul3A_382 = arith.mulf %mul3A_380, %mul3A_381 : vector<64x64x64xf32>
    %slice3A_383 = vector.extract_strided_slice %convert_element_type3A_374 {offsets = [1, 0, 0], sizes = [1, 64, 64], strides = [1, 1, 1]} : vector<3x64x64xf32> to vector<1x64x64xf32>
    %squeeze3A_384 = vector.shape_cast %slice3A_383 : vector<1x64x64xf32> to vector<64x64xf32>
    %broadcast_in_dim3A_385 = vector.shape_cast %squeeze3A_384 : vector<64x64xf32> to vector<64x64x1xf32>
    %slice3A_386 = vector.extract_strided_slice %convert_element_type3A_374 {offsets = [1, 0, 0], sizes = [1, 64, 64], strides = [1, 1, 1]} : vector<3x64x64xf32> to vector<1x64x64xf32>
    %squeeze3A_387 = vector.shape_cast %slice3A_386 : vector<1x64x64xf32> to vector<64x64xf32>
    %broadcast_in_dim3A_388 = vector.shape_cast %squeeze3A_387 : vector<64x64xf32> to vector<64x1x64xf32>
    %mul3A_389 = vector.broadcast %broadcast_in_dim3A_385 : vector<64x64x1xf32> to vector<64x64x64xf32>
    %mul3A_390 = vector.broadcast %broadcast_in_dim3A_388 : vector<64x1x64xf32> to vector<64x64x64xf32>
    %mul3A_391 = arith.mulf %mul3A_389, %mul3A_390 : vector<64x64x64xf32>
    %add3A_392 = arith.addf %mul3A_382, %mul3A_391 : vector<64x64x64xf32>
    %slice3A_393 = vector.extract_strided_slice %convert_element_type3A_374 {offsets = [2, 0, 0], sizes = [1, 64, 64], strides = [1, 1, 1]} : vector<3x64x64xf32> to vector<1x64x64xf32>
    %squeeze3A_394 = vector.shape_cast %slice3A_393 : vector<1x64x64xf32> to vector<64x64xf32>
    %broadcast_in_dim3A_395 = vector.shape_cast %squeeze3A_394 : vector<64x64xf32> to vector<64x64x1xf32>
    %slice3A_396 = vector.extract_strided_slice %convert_element_type3A_374 {offsets = [2, 0, 0], sizes = [1, 64, 64], strides = [1, 1, 1]} : vector<3x64x64xf32> to vector<1x64x64xf32>
    %squeeze3A_397 = vector.shape_cast %slice3A_396 : vector<1x64x64xf32> to vector<64x64xf32>
    %broadcast_in_dim3A_398 = vector.shape_cast %squeeze3A_397 : vector<64x64xf32> to vector<64x1x64xf32>
    %mul3A_399 = vector.broadcast %broadcast_in_dim3A_395 : vector<64x64x1xf32> to vector<64x64x64xf32>
    %mul3A_400 = vector.broadcast %broadcast_in_dim3A_398 : vector<64x1x64xf32> to vector<64x64x64xf32>
    %mul3A_401 = arith.mulf %mul3A_399, %mul3A_400 : vector<64x64x64xf32>
    %add3A_402 = arith.addf %add3A_392, %mul3A_401 : vector<64x64x64xf32>
    %jit3A_403 = arith.constant -1.000000e+00 : f32
    %jit3A_404 = arith.constant 1.000000e+00 : f32
    %max3A_405 = vector.broadcast %jit3A_403 : f32 to vector<64x64x64xf32>
    %max3A_406 = arith.maximumf %max3A_405, %add3A_402 : vector<64x64x64xf32>
    %min3A_407 = vector.broadcast %jit3A_404 : f32 to vector<64x64x64xf32>
    %min3A_408 = arith.minimumf %min3A_407, %max3A_406 : vector<64x64x64xf32>
    %gt3A_409 = arith.constant 0.000000e+00 : f32
    %gt3A_410 = vector.broadcast %gt3A_409 : f32 to vector<1x64xf32>
    %gt3A_411 = arith.cmpf ogt, %convert_element_type3A, %gt3A_410 : vector<1x64xf32>
    %convert_element_type3A_412 = arith.extui %gt3A_411 : vector<1x64xi1> to vector<1x64xi32>
    %convert_element_type3A_413 = arith.sitofp %convert_element_type3A_412 : vector<1x64xi32> to vector<1x64xf32>
    %broadcast_in_dim3A_414 = arith.constant 0.000000e+00 : f32
    %broadcast_in_dim3A_415 = vector.broadcast %broadcast_in_dim3A_414 : f32 to vector<64x64xf32>
    %sub3A_416 = arith.constant -1.000000e+00 : f32
    %sub3A_417 = vector.broadcast %sub3A_416 : f32 to vector<64x64x64xf32>
    %sub3A_418 = arith.subf %min3A_408, %sub3A_417 : vector<64x64x64xf32>
    %mul3A_419 = arith.constant -2.812500e+01 : f32
    %mul3A_420 = vector.broadcast %mul3A_419 : f32 to vector<64x64x64xf32>
    %mul3A_421 = arith.mulf %mul3A_420, %sub3A_418 : vector<64x64x64xf32>
    %mul3A_422 = arith.mulf %mul3A_421, %sub3A_418 : vector<64x64x64xf32>
    %exp3A_423 = math.exp %mul3A_422 : vector<64x64x64xf32>
    %broadcast_in_dim3A_424 = vector.shape_cast %convert_element_type3A_413 : vector<1x64xf32> to vector<1x1x64xf32>
    %mul3A_425 = vector.broadcast %broadcast_in_dim3A_424 : vector<1x1x64xf32> to vector<64x64x64xf32>
    %mul3A_426 = arith.mulf %exp3A_423, %mul3A_425 : vector<64x64x64xf32>
    %reduce_sum3A_427 = arith.constant dense<0.000000e+00> : vector<64x64xf32>
    %reduce_sum3A_428 = vector.multi_reduction <add>, %mul3A_426, %reduce_sum3A_427 [2] : vector<64x64x64xf32> to vector<64x64xf32>
    %get3A_429 = arith.constant 0 : index
    %get3A_430 = arith.constant 16 : index
    %get3A_431 = memref.load %arg3[%get3A_429, %get3A_430] : memref<1x32xf32, #tpu.memory_space<smem>>
    %convert_element_type3A_432 = arith.truncf %get3A_431 : f32 to bf16
    %convert_element_type3A_433 = arith.extf %convert_element_type3A_432 : bf16 to f32
    %convert_element_type3A_434 = arith.truncf %reduce_sum3A_428 : vector<64x64xf32> to vector<64x64xbf16>
    %convert_element_type3A_435 = arith.extf %convert_element_type3A_434 : vector<64x64xbf16> to vector<64x64xf32>
    %mul3A_436 = vector.broadcast %convert_element_type3A_433 : f32 to vector<64x64xf32>
    %mul3A_437 = arith.mulf %mul3A_436, %convert_element_type3A_435 : vector<64x64xf32>
    %add3A_438 = arith.addf %broadcast_in_dim3A_415, %mul3A_437 : vector<64x64xf32>
    %sub3A_439 = arith.constant -0.866666674 : f32
    %sub3A_440 = vector.broadcast %sub3A_439 : f32 to vector<64x64x64xf32>
    %sub3A_441 = arith.subf %min3A_408, %sub3A_440 : vector<64x64x64xf32>
    %mul3A_442 = arith.constant -2.812500e+01 : f32
    %mul3A_443 = vector.broadcast %mul3A_442 : f32 to vector<64x64x64xf32>
    %mul3A_444 = arith.mulf %mul3A_443, %sub3A_441 : vector<64x64x64xf32>
    %mul3A_445 = arith.mulf %mul3A_444, %sub3A_441 : vector<64x64x64xf32>
    %exp3A_446 = math.exp %mul3A_445 : vector<64x64x64xf32>
    %broadcast_in_dim3A_447 = vector.shape_cast %convert_element_type3A_413 : vector<1x64xf32> to vector<1x1x64xf32>
    %mul3A_448 = vector.broadcast %broadcast_in_dim3A_447 : vector<1x1x64xf32> to vector<64x64x64xf32>
    %mul3A_449 = arith.mulf %exp3A_446, %mul3A_448 : vector<64x64x64xf32>
    %reduce_sum3A_450 = arith.constant dense<0.000000e+00> : vector<64x64xf32>
    %reduce_sum3A_451 = vector.multi_reduction <add>, %mul3A_449, %reduce_sum3A_450 [2] : vector<64x64x64xf32> to vector<64x64xf32>
    %get3A_452 = arith.constant 0 : index
    %get3A_453 = arith.constant 17 : index
    %get3A_454 = memref.load %arg3[%get3A_452, %get3A_453] : memref<1x32xf32, #tpu.memory_space<smem>>
    %convert_element_type3A_455 = arith.truncf %get3A_454 : f32 to bf16
    %convert_element_type3A_456 = arith.extf %convert_element_type3A_455 : bf16 to f32
    %convert_element_type3A_457 = arith.truncf %reduce_sum3A_451 : vector<64x64xf32> to vector<64x64xbf16>
    %convert_element_type3A_458 = arith.extf %convert_element_type3A_457 : vector<64x64xbf16> to vector<64x64xf32>
    %mul3A_459 = vector.broadcast %convert_element_type3A_456 : f32 to vector<64x64xf32>
    %mul3A_460 = arith.mulf %mul3A_459, %convert_element_type3A_458 : vector<64x64xf32>
    %add3A_461 = arith.addf %add3A_438, %mul3A_460 : vector<64x64xf32>
    %sub3A_462 = arith.constant -0.733333349 : f32
    %sub3A_463 = vector.broadcast %sub3A_462 : f32 to vector<64x64x64xf32>
    %sub3A_464 = arith.subf %min3A_408, %sub3A_463 : vector<64x64x64xf32>
    %mul3A_465 = arith.constant -2.812500e+01 : f32
    %mul3A_466 = vector.broadcast %mul3A_465 : f32 to vector<64x64x64xf32>
    %mul3A_467 = arith.mulf %mul3A_466, %sub3A_464 : vector<64x64x64xf32>
    %mul3A_468 = arith.mulf %mul3A_467, %sub3A_464 : vector<64x64x64xf32>
    %exp3A_469 = math.exp %mul3A_468 : vector<64x64x64xf32>
    %broadcast_in_dim3A_470 = vector.shape_cast %convert_element_type3A_413 : vector<1x64xf32> to vector<1x1x64xf32>
    %mul3A_471 = vector.broadcast %broadcast_in_dim3A_470 : vector<1x1x64xf32> to vector<64x64x64xf32>
    %mul3A_472 = arith.mulf %exp3A_469, %mul3A_471 : vector<64x64x64xf32>
    %reduce_sum3A_473 = arith.constant dense<0.000000e+00> : vector<64x64xf32>
    %reduce_sum3A_474 = vector.multi_reduction <add>, %mul3A_472, %reduce_sum3A_473 [2] : vector<64x64x64xf32> to vector<64x64xf32>
    %get3A_475 = arith.constant 0 : index
    %get3A_476 = arith.constant 18 : index
    %get3A_477 = memref.load %arg3[%get3A_475, %get3A_476] : memref<1x32xf32, #tpu.memory_space<smem>>
    %convert_element_type3A_478 = arith.truncf %get3A_477 : f32 to bf16
    %convert_element_type3A_479 = arith.extf %convert_element_type3A_478 : bf16 to f32
    %convert_element_type3A_480 = arith.truncf %reduce_sum3A_474 : vector<64x64xf32> to vector<64x64xbf16>
    %convert_element_type3A_481 = arith.extf %convert_element_type3A_480 : vector<64x64xbf16> to vector<64x64xf32>
    %mul3A_482 = vector.broadcast %convert_element_type3A_479 : f32 to vector<64x64xf32>
    %mul3A_483 = arith.mulf %mul3A_482, %convert_element_type3A_481 : vector<64x64xf32>
    %add3A_484 = arith.addf %add3A_461, %mul3A_483 : vector<64x64xf32>
    %sub3A_485 = arith.constant -6.000000e-01 : f32
    %sub3A_486 = vector.broadcast %sub3A_485 : f32 to vector<64x64x64xf32>
    %sub3A_487 = arith.subf %min3A_408, %sub3A_486 : vector<64x64x64xf32>
    %mul3A_488 = arith.constant -2.812500e+01 : f32
    %mul3A_489 = vector.broadcast %mul3A_488 : f32 to vector<64x64x64xf32>
    %mul3A_490 = arith.mulf %mul3A_489, %sub3A_487 : vector<64x64x64xf32>
    %mul3A_491 = arith.mulf %mul3A_490, %sub3A_487 : vector<64x64x64xf32>
    %exp3A_492 = math.exp %mul3A_491 : vector<64x64x64xf32>
    %broadcast_in_dim3A_493 = vector.shape_cast %convert_element_type3A_413 : vector<1x64xf32> to vector<1x1x64xf32>
    %mul3A_494 = vector.broadcast %broadcast_in_dim3A_493 : vector<1x1x64xf32> to vector<64x64x64xf32>
    %mul3A_495 = arith.mulf %exp3A_492, %mul3A_494 : vector<64x64x64xf32>
    %reduce_sum3A_496 = arith.constant dense<0.000000e+00> : vector<64x64xf32>
    %reduce_sum3A_497 = vector.multi_reduction <add>, %mul3A_495, %reduce_sum3A_496 [2] : vector<64x64x64xf32> to vector<64x64xf32>
    %get3A_498 = arith.constant 0 : index
    %get3A_499 = arith.constant 19 : index
    %get3A_500 = memref.load %arg3[%get3A_498, %get3A_499] : memref<1x32xf32, #tpu.memory_space<smem>>
    %convert_element_type3A_501 = arith.truncf %get3A_500 : f32 to bf16
    %convert_element_type3A_502 = arith.extf %convert_element_type3A_501 : bf16 to f32
    %convert_element_type3A_503 = arith.truncf %reduce_sum3A_497 : vector<64x64xf32> to vector<64x64xbf16>
    %convert_element_type3A_504 = arith.extf %convert_element_type3A_503 : vector<64x64xbf16> to vector<64x64xf32>
    %mul3A_505 = vector.broadcast %convert_element_type3A_502 : f32 to vector<64x64xf32>
    %mul3A_506 = arith.mulf %mul3A_505, %convert_element_type3A_504 : vector<64x64xf32>
    %add3A_507 = arith.addf %add3A_484, %mul3A_506 : vector<64x64xf32>
    %sub3A_508 = arith.constant -0.466666669 : f32
    %sub3A_509 = vector.broadcast %sub3A_508 : f32 to vector<64x64x64xf32>
    %sub3A_510 = arith.subf %min3A_408, %sub3A_509 : vector<64x64x64xf32>
    %mul3A_511 = arith.constant -2.812500e+01 : f32
    %mul3A_512 = vector.broadcast %mul3A_511 : f32 to vector<64x64x64xf32>
    %mul3A_513 = arith.mulf %mul3A_512, %sub3A_510 : vector<64x64x64xf32>
    %mul3A_514 = arith.mulf %mul3A_513, %sub3A_510 : vector<64x64x64xf32>
    %exp3A_515 = math.exp %mul3A_514 : vector<64x64x64xf32>
    %broadcast_in_dim3A_516 = vector.shape_cast %convert_element_type3A_413 : vector<1x64xf32> to vector<1x1x64xf32>
    %mul3A_517 = vector.broadcast %broadcast_in_dim3A_516 : vector<1x1x64xf32> to vector<64x64x64xf32>
    %mul3A_518 = arith.mulf %exp3A_515, %mul3A_517 : vector<64x64x64xf32>
    %reduce_sum3A_519 = arith.constant dense<0.000000e+00> : vector<64x64xf32>
    %reduce_sum3A_520 = vector.multi_reduction <add>, %mul3A_518, %reduce_sum3A_519 [2] : vector<64x64x64xf32> to vector<64x64xf32>
    %get3A_521 = arith.constant 0 : index
    %get3A_522 = arith.constant 20 : index
    %get3A_523 = memref.load %arg3[%get3A_521, %get3A_522] : memref<1x32xf32, #tpu.memory_space<smem>>
    %convert_element_type3A_524 = arith.truncf %get3A_523 : f32 to bf16
    %convert_element_type3A_525 = arith.extf %convert_element_type3A_524 : bf16 to f32
    %convert_element_type3A_526 = arith.truncf %reduce_sum3A_520 : vector<64x64xf32> to vector<64x64xbf16>
    %convert_element_type3A_527 = arith.extf %convert_element_type3A_526 : vector<64x64xbf16> to vector<64x64xf32>
    %mul3A_528 = vector.broadcast %convert_element_type3A_525 : f32 to vector<64x64xf32>
    %mul3A_529 = arith.mulf %mul3A_528, %convert_element_type3A_527 : vector<64x64xf32>
    %add3A_530 = arith.addf %add3A_507, %mul3A_529 : vector<64x64xf32>
    %sub3A_531 = arith.constant -0.333333343 : f32
    %sub3A_532 = vector.broadcast %sub3A_531 : f32 to vector<64x64x64xf32>
    %sub3A_533 = arith.subf %min3A_408, %sub3A_532 : vector<64x64x64xf32>
    %mul3A_534 = arith.constant -2.812500e+01 : f32
    %mul3A_535 = vector.broadcast %mul3A_534 : f32 to vector<64x64x64xf32>
    %mul3A_536 = arith.mulf %mul3A_535, %sub3A_533 : vector<64x64x64xf32>
    %mul3A_537 = arith.mulf %mul3A_536, %sub3A_533 : vector<64x64x64xf32>
    %exp3A_538 = math.exp %mul3A_537 : vector<64x64x64xf32>
    %broadcast_in_dim3A_539 = vector.shape_cast %convert_element_type3A_413 : vector<1x64xf32> to vector<1x1x64xf32>
    %mul3A_540 = vector.broadcast %broadcast_in_dim3A_539 : vector<1x1x64xf32> to vector<64x64x64xf32>
    %mul3A_541 = arith.mulf %exp3A_538, %mul3A_540 : vector<64x64x64xf32>
    %reduce_sum3A_542 = arith.constant dense<0.000000e+00> : vector<64x64xf32>
    %reduce_sum3A_543 = vector.multi_reduction <add>, %mul3A_541, %reduce_sum3A_542 [2] : vector<64x64x64xf32> to vector<64x64xf32>
    %get3A_544 = arith.constant 0 : index
    %get3A_545 = arith.constant 21 : index
    %get3A_546 = memref.load %arg3[%get3A_544, %get3A_545] : memref<1x32xf32, #tpu.memory_space<smem>>
    %convert_element_type3A_547 = arith.truncf %get3A_546 : f32 to bf16
    %convert_element_type3A_548 = arith.extf %convert_element_type3A_547 : bf16 to f32
    %convert_element_type3A_549 = arith.truncf %reduce_sum3A_543 : vector<64x64xf32> to vector<64x64xbf16>
    %convert_element_type3A_550 = arith.extf %convert_element_type3A_549 : vector<64x64xbf16> to vector<64x64xf32>
    %mul3A_551 = vector.broadcast %convert_element_type3A_548 : f32 to vector<64x64xf32>
    %mul3A_552 = arith.mulf %mul3A_551, %convert_element_type3A_550 : vector<64x64xf32>
    %add3A_553 = arith.addf %add3A_530, %mul3A_552 : vector<64x64xf32>
    %sub3A_554 = arith.constant -2.000000e-01 : f32
    %sub3A_555 = vector.broadcast %sub3A_554 : f32 to vector<64x64x64xf32>
    %sub3A_556 = arith.subf %min3A_408, %sub3A_555 : vector<64x64x64xf32>
    %mul3A_557 = arith.constant -2.812500e+01 : f32
    %mul3A_558 = vector.broadcast %mul3A_557 : f32 to vector<64x64x64xf32>
    %mul3A_559 = arith.mulf %mul3A_558, %sub3A_556 : vector<64x64x64xf32>
    %mul3A_560 = arith.mulf %mul3A_559, %sub3A_556 : vector<64x64x64xf32>
    %exp3A_561 = math.exp %mul3A_560 : vector<64x64x64xf32>
    %broadcast_in_dim3A_562 = vector.shape_cast %convert_element_type3A_413 : vector<1x64xf32> to vector<1x1x64xf32>
    %mul3A_563 = vector.broadcast %broadcast_in_dim3A_562 : vector<1x1x64xf32> to vector<64x64x64xf32>
    %mul3A_564 = arith.mulf %exp3A_561, %mul3A_563 : vector<64x64x64xf32>
    %reduce_sum3A_565 = arith.constant dense<0.000000e+00> : vector<64x64xf32>
    %reduce_sum3A_566 = vector.multi_reduction <add>, %mul3A_564, %reduce_sum3A_565 [2] : vector<64x64x64xf32> to vector<64x64xf32>
    %get3A_567 = arith.constant 0 : index
    %get3A_568 = arith.constant 22 : index
    %get3A_569 = memref.load %arg3[%get3A_567, %get3A_568] : memref<1x32xf32, #tpu.memory_space<smem>>
    %convert_element_type3A_570 = arith.truncf %get3A_569 : f32 to bf16
    %convert_element_type3A_571 = arith.extf %convert_element_type3A_570 : bf16 to f32
    %convert_element_type3A_572 = arith.truncf %reduce_sum3A_566 : vector<64x64xf32> to vector<64x64xbf16>
    %convert_element_type3A_573 = arith.extf %convert_element_type3A_572 : vector<64x64xbf16> to vector<64x64xf32>
    %mul3A_574 = vector.broadcast %convert_element_type3A_571 : f32 to vector<64x64xf32>
    %mul3A_575 = arith.mulf %mul3A_574, %convert_element_type3A_573 : vector<64x64xf32>
    %add3A_576 = arith.addf %add3A_553, %mul3A_575 : vector<64x64xf32>
    %sub3A_577 = arith.constant -0.0666666701 : f32
    %sub3A_578 = vector.broadcast %sub3A_577 : f32 to vector<64x64x64xf32>
    %sub3A_579 = arith.subf %min3A_408, %sub3A_578 : vector<64x64x64xf32>
    %mul3A_580 = arith.constant -2.812500e+01 : f32
    %mul3A_581 = vector.broadcast %mul3A_580 : f32 to vector<64x64x64xf32>
    %mul3A_582 = arith.mulf %mul3A_581, %sub3A_579 : vector<64x64x64xf32>
    %mul3A_583 = arith.mulf %mul3A_582, %sub3A_579 : vector<64x64x64xf32>
    %exp3A_584 = math.exp %mul3A_583 : vector<64x64x64xf32>
    %broadcast_in_dim3A_585 = vector.shape_cast %convert_element_type3A_413 : vector<1x64xf32> to vector<1x1x64xf32>
    %mul3A_586 = vector.broadcast %broadcast_in_dim3A_585 : vector<1x1x64xf32> to vector<64x64x64xf32>
    %mul3A_587 = arith.mulf %exp3A_584, %mul3A_586 : vector<64x64x64xf32>
    %reduce_sum3A_588 = arith.constant dense<0.000000e+00> : vector<64x64xf32>
    %reduce_sum3A_589 = vector.multi_reduction <add>, %mul3A_587, %reduce_sum3A_588 [2] : vector<64x64x64xf32> to vector<64x64xf32>
    %get3A_590 = arith.constant 0 : index
    %get3A_591 = arith.constant 23 : index
    %get3A_592 = memref.load %arg3[%get3A_590, %get3A_591] : memref<1x32xf32, #tpu.memory_space<smem>>
    %convert_element_type3A_593 = arith.truncf %get3A_592 : f32 to bf16
    %convert_element_type3A_594 = arith.extf %convert_element_type3A_593 : bf16 to f32
    %convert_element_type3A_595 = arith.truncf %reduce_sum3A_589 : vector<64x64xf32> to vector<64x64xbf16>
    %convert_element_type3A_596 = arith.extf %convert_element_type3A_595 : vector<64x64xbf16> to vector<64x64xf32>
    %mul3A_597 = vector.broadcast %convert_element_type3A_594 : f32 to vector<64x64xf32>
    %mul3A_598 = arith.mulf %mul3A_597, %convert_element_type3A_596 : vector<64x64xf32>
    %add3A_599 = arith.addf %add3A_576, %mul3A_598 : vector<64x64xf32>
    %sub3A_600 = arith.constant 0.0666666701 : f32
    %sub3A_601 = vector.broadcast %sub3A_600 : f32 to vector<64x64x64xf32>
    %sub3A_602 = arith.subf %min3A_408, %sub3A_601 : vector<64x64x64xf32>
    %mul3A_603 = arith.constant -2.812500e+01 : f32
    %mul3A_604 = vector.broadcast %mul3A_603 : f32 to vector<64x64x64xf32>
    %mul3A_605 = arith.mulf %mul3A_604, %sub3A_602 : vector<64x64x64xf32>
    %mul3A_606 = arith.mulf %mul3A_605, %sub3A_602 : vector<64x64x64xf32>
    %exp3A_607 = math.exp %mul3A_606 : vector<64x64x64xf32>
    %broadcast_in_dim3A_608 = vector.shape_cast %convert_element_type3A_413 : vector<1x64xf32> to vector<1x1x64xf32>
    %mul3A_609 = vector.broadcast %broadcast_in_dim3A_608 : vector<1x1x64xf32> to vector<64x64x64xf32>
    %mul3A_610 = arith.mulf %exp3A_607, %mul3A_609 : vector<64x64x64xf32>
    %reduce_sum3A_611 = arith.constant dense<0.000000e+00> : vector<64x64xf32>
    %reduce_sum3A_612 = vector.multi_reduction <add>, %mul3A_610, %reduce_sum3A_611 [2] : vector<64x64x64xf32> to vector<64x64xf32>
    %get3A_613 = arith.constant 0 : index
    %get3A_614 = arith.constant 24 : index
    %get3A_615 = memref.load %arg3[%get3A_613, %get3A_614] : memref<1x32xf32, #tpu.memory_space<smem>>
    %convert_element_type3A_616 = arith.truncf %get3A_615 : f32 to bf16
    %convert_element_type3A_617 = arith.extf %convert_element_type3A_616 : bf16 to f32
    %convert_element_type3A_618 = arith.truncf %reduce_sum3A_612 : vector<64x64xf32> to vector<64x64xbf16>
    %convert_element_type3A_619 = arith.extf %convert_element_type3A_618 : vector<64x64xbf16> to vector<64x64xf32>
    %mul3A_620 = vector.broadcast %convert_element_type3A_617 : f32 to vector<64x64xf32>
    %mul3A_621 = arith.mulf %mul3A_620, %convert_element_type3A_619 : vector<64x64xf32>
    %add3A_622 = arith.addf %add3A_599, %mul3A_621 : vector<64x64xf32>
    %sub3A_623 = arith.constant 2.000000e-01 : f32
    %sub3A_624 = vector.broadcast %sub3A_623 : f32 to vector<64x64x64xf32>
    %sub3A_625 = arith.subf %min3A_408, %sub3A_624 : vector<64x64x64xf32>
    %mul3A_626 = arith.constant -2.812500e+01 : f32
    %mul3A_627 = vector.broadcast %mul3A_626 : f32 to vector<64x64x64xf32>
    %mul3A_628 = arith.mulf %mul3A_627, %sub3A_625 : vector<64x64x64xf32>
    %mul3A_629 = arith.mulf %mul3A_628, %sub3A_625 : vector<64x64x64xf32>
    %exp3A_630 = math.exp %mul3A_629 : vector<64x64x64xf32>
    %broadcast_in_dim3A_631 = vector.shape_cast %convert_element_type3A_413 : vector<1x64xf32> to vector<1x1x64xf32>
    %mul3A_632 = vector.broadcast %broadcast_in_dim3A_631 : vector<1x1x64xf32> to vector<64x64x64xf32>
    %mul3A_633 = arith.mulf %exp3A_630, %mul3A_632 : vector<64x64x64xf32>
    %reduce_sum3A_634 = arith.constant dense<0.000000e+00> : vector<64x64xf32>
    %reduce_sum3A_635 = vector.multi_reduction <add>, %mul3A_633, %reduce_sum3A_634 [2] : vector<64x64x64xf32> to vector<64x64xf32>
    %get3A_636 = arith.constant 0 : index
    %get3A_637 = arith.constant 25 : index
    %get3A_638 = memref.load %arg3[%get3A_636, %get3A_637] : memref<1x32xf32, #tpu.memory_space<smem>>
    %convert_element_type3A_639 = arith.truncf %get3A_638 : f32 to bf16
    %convert_element_type3A_640 = arith.extf %convert_element_type3A_639 : bf16 to f32
    %convert_element_type3A_641 = arith.truncf %reduce_sum3A_635 : vector<64x64xf32> to vector<64x64xbf16>
    %convert_element_type3A_642 = arith.extf %convert_element_type3A_641 : vector<64x64xbf16> to vector<64x64xf32>
    %mul3A_643 = vector.broadcast %convert_element_type3A_640 : f32 to vector<64x64xf32>
    %mul3A_644 = arith.mulf %mul3A_643, %convert_element_type3A_642 : vector<64x64xf32>
    %add3A_645 = arith.addf %add3A_622, %mul3A_644 : vector<64x64xf32>
    %sub3A_646 = arith.constant 0.333333343 : f32
    %sub3A_647 = vector.broadcast %sub3A_646 : f32 to vector<64x64x64xf32>
    %sub3A_648 = arith.subf %min3A_408, %sub3A_647 : vector<64x64x64xf32>
    %mul3A_649 = arith.constant -2.812500e+01 : f32
    %mul3A_650 = vector.broadcast %mul3A_649 : f32 to vector<64x64x64xf32>
    %mul3A_651 = arith.mulf %mul3A_650, %sub3A_648 : vector<64x64x64xf32>
    %mul3A_652 = arith.mulf %mul3A_651, %sub3A_648 : vector<64x64x64xf32>
    %exp3A_653 = math.exp %mul3A_652 : vector<64x64x64xf32>
    %broadcast_in_dim3A_654 = vector.shape_cast %convert_element_type3A_413 : vector<1x64xf32> to vector<1x1x64xf32>
    %mul3A_655 = vector.broadcast %broadcast_in_dim3A_654 : vector<1x1x64xf32> to vector<64x64x64xf32>
    %mul3A_656 = arith.mulf %exp3A_653, %mul3A_655 : vector<64x64x64xf32>
    %reduce_sum3A_657 = arith.constant dense<0.000000e+00> : vector<64x64xf32>
    %reduce_sum3A_658 = vector.multi_reduction <add>, %mul3A_656, %reduce_sum3A_657 [2] : vector<64x64x64xf32> to vector<64x64xf32>
    %get3A_659 = arith.constant 0 : index
    %get3A_660 = arith.constant 26 : index
    %get3A_661 = memref.load %arg3[%get3A_659, %get3A_660] : memref<1x32xf32, #tpu.memory_space<smem>>
    %convert_element_type3A_662 = arith.truncf %get3A_661 : f32 to bf16
    %convert_element_type3A_663 = arith.extf %convert_element_type3A_662 : bf16 to f32
    %convert_element_type3A_664 = arith.truncf %reduce_sum3A_658 : vector<64x64xf32> to vector<64x64xbf16>
    %convert_element_type3A_665 = arith.extf %convert_element_type3A_664 : vector<64x64xbf16> to vector<64x64xf32>
    %mul3A_666 = vector.broadcast %convert_element_type3A_663 : f32 to vector<64x64xf32>
    %mul3A_667 = arith.mulf %mul3A_666, %convert_element_type3A_665 : vector<64x64xf32>
    %add3A_668 = arith.addf %add3A_645, %mul3A_667 : vector<64x64xf32>
    %sub3A_669 = arith.constant 0.466666669 : f32
    %sub3A_670 = vector.broadcast %sub3A_669 : f32 to vector<64x64x64xf32>
    %sub3A_671 = arith.subf %min3A_408, %sub3A_670 : vector<64x64x64xf32>
    %mul3A_672 = arith.constant -2.812500e+01 : f32
    %mul3A_673 = vector.broadcast %mul3A_672 : f32 to vector<64x64x64xf32>
    %mul3A_674 = arith.mulf %mul3A_673, %sub3A_671 : vector<64x64x64xf32>
    %mul3A_675 = arith.mulf %mul3A_674, %sub3A_671 : vector<64x64x64xf32>
    %exp3A_676 = math.exp %mul3A_675 : vector<64x64x64xf32>
    %broadcast_in_dim3A_677 = vector.shape_cast %convert_element_type3A_413 : vector<1x64xf32> to vector<1x1x64xf32>
    %mul3A_678 = vector.broadcast %broadcast_in_dim3A_677 : vector<1x1x64xf32> to vector<64x64x64xf32>
    %mul3A_679 = arith.mulf %exp3A_676, %mul3A_678 : vector<64x64x64xf32>
    %reduce_sum3A_680 = arith.constant dense<0.000000e+00> : vector<64x64xf32>
    %reduce_sum3A_681 = vector.multi_reduction <add>, %mul3A_679, %reduce_sum3A_680 [2] : vector<64x64x64xf32> to vector<64x64xf32>
    %get3A_682 = arith.constant 0 : index
    %get3A_683 = arith.constant 27 : index
    %get3A_684 = memref.load %arg3[%get3A_682, %get3A_683] : memref<1x32xf32, #tpu.memory_space<smem>>
    %convert_element_type3A_685 = arith.truncf %get3A_684 : f32 to bf16
    %convert_element_type3A_686 = arith.extf %convert_element_type3A_685 : bf16 to f32
    %convert_element_type3A_687 = arith.truncf %reduce_sum3A_681 : vector<64x64xf32> to vector<64x64xbf16>
    %convert_element_type3A_688 = arith.extf %convert_element_type3A_687 : vector<64x64xbf16> to vector<64x64xf32>
    %mul3A_689 = vector.broadcast %convert_element_type3A_686 : f32 to vector<64x64xf32>
    %mul3A_690 = arith.mulf %mul3A_689, %convert_element_type3A_688 : vector<64x64xf32>
    %add3A_691 = arith.addf %add3A_668, %mul3A_690 : vector<64x64xf32>
    %sub3A_692 = arith.constant 6.000000e-01 : f32
    %sub3A_693 = vector.broadcast %sub3A_692 : f32 to vector<64x64x64xf32>
    %sub3A_694 = arith.subf %min3A_408, %sub3A_693 : vector<64x64x64xf32>
    %mul3A_695 = arith.constant -2.812500e+01 : f32
    %mul3A_696 = vector.broadcast %mul3A_695 : f32 to vector<64x64x64xf32>
    %mul3A_697 = arith.mulf %mul3A_696, %sub3A_694 : vector<64x64x64xf32>
    %mul3A_698 = arith.mulf %mul3A_697, %sub3A_694 : vector<64x64x64xf32>
    %exp3A_699 = math.exp %mul3A_698 : vector<64x64x64xf32>
    %broadcast_in_dim3A_700 = vector.shape_cast %convert_element_type3A_413 : vector<1x64xf32> to vector<1x1x64xf32>
    %mul3A_701 = vector.broadcast %broadcast_in_dim3A_700 : vector<1x1x64xf32> to vector<64x64x64xf32>
    %mul3A_702 = arith.mulf %exp3A_699, %mul3A_701 : vector<64x64x64xf32>
    %reduce_sum3A_703 = arith.constant dense<0.000000e+00> : vector<64x64xf32>
    %reduce_sum3A_704 = vector.multi_reduction <add>, %mul3A_702, %reduce_sum3A_703 [2] : vector<64x64x64xf32> to vector<64x64xf32>
    %get3A_705 = arith.constant 0 : index
    %get3A_706 = arith.constant 28 : index
    %get3A_707 = memref.load %arg3[%get3A_705, %get3A_706] : memref<1x32xf32, #tpu.memory_space<smem>>
    %convert_element_type3A_708 = arith.truncf %get3A_707 : f32 to bf16
    %convert_element_type3A_709 = arith.extf %convert_element_type3A_708 : bf16 to f32
    %convert_element_type3A_710 = arith.truncf %reduce_sum3A_704 : vector<64x64xf32> to vector<64x64xbf16>
    %convert_element_type3A_711 = arith.extf %convert_element_type3A_710 : vector<64x64xbf16> to vector<64x64xf32>
    %mul3A_712 = vector.broadcast %convert_element_type3A_709 : f32 to vector<64x64xf32>
    %mul3A_713 = arith.mulf %mul3A_712, %convert_element_type3A_711 : vector<64x64xf32>
    %add3A_714 = arith.addf %add3A_691, %mul3A_713 : vector<64x64xf32>
    %sub3A_715 = arith.constant 0.733333349 : f32
    %sub3A_716 = vector.broadcast %sub3A_715 : f32 to vector<64x64x64xf32>
    %sub3A_717 = arith.subf %min3A_408, %sub3A_716 : vector<64x64x64xf32>
    %mul3A_718 = arith.constant -2.812500e+01 : f32
    %mul3A_719 = vector.broadcast %mul3A_718 : f32 to vector<64x64x64xf32>
    %mul3A_720 = arith.mulf %mul3A_719, %sub3A_717 : vector<64x64x64xf32>
    %mul3A_721 = arith.mulf %mul3A_720, %sub3A_717 : vector<64x64x64xf32>
    %exp3A_722 = math.exp %mul3A_721 : vector<64x64x64xf32>
    %broadcast_in_dim3A_723 = vector.shape_cast %convert_element_type3A_413 : vector<1x64xf32> to vector<1x1x64xf32>
    %mul3A_724 = vector.broadcast %broadcast_in_dim3A_723 : vector<1x1x64xf32> to vector<64x64x64xf32>
    %mul3A_725 = arith.mulf %exp3A_722, %mul3A_724 : vector<64x64x64xf32>
    %reduce_sum3A_726 = arith.constant dense<0.000000e+00> : vector<64x64xf32>
    %reduce_sum3A_727 = vector.multi_reduction <add>, %mul3A_725, %reduce_sum3A_726 [2] : vector<64x64x64xf32> to vector<64x64xf32>
    %get3A_728 = arith.constant 0 : index
    %get3A_729 = arith.constant 29 : index
    %get3A_730 = memref.load %arg3[%get3A_728, %get3A_729] : memref<1x32xf32, #tpu.memory_space<smem>>
    %convert_element_type3A_731 = arith.truncf %get3A_730 : f32 to bf16
    %convert_element_type3A_732 = arith.extf %convert_element_type3A_731 : bf16 to f32
    %convert_element_type3A_733 = arith.truncf %reduce_sum3A_727 : vector<64x64xf32> to vector<64x64xbf16>
    %convert_element_type3A_734 = arith.extf %convert_element_type3A_733 : vector<64x64xbf16> to vector<64x64xf32>
    %mul3A_735 = vector.broadcast %convert_element_type3A_732 : f32 to vector<64x64xf32>
    %mul3A_736 = arith.mulf %mul3A_735, %convert_element_type3A_734 : vector<64x64xf32>
    %add3A_737 = arith.addf %add3A_714, %mul3A_736 : vector<64x64xf32>
    %sub3A_738 = arith.constant 0.866666674 : f32
    %sub3A_739 = vector.broadcast %sub3A_738 : f32 to vector<64x64x64xf32>
    %sub3A_740 = arith.subf %min3A_408, %sub3A_739 : vector<64x64x64xf32>
    %mul3A_741 = arith.constant -2.812500e+01 : f32
    %mul3A_742 = vector.broadcast %mul3A_741 : f32 to vector<64x64x64xf32>
    %mul3A_743 = arith.mulf %mul3A_742, %sub3A_740 : vector<64x64x64xf32>
    %mul3A_744 = arith.mulf %mul3A_743, %sub3A_740 : vector<64x64x64xf32>
    %exp3A_745 = math.exp %mul3A_744 : vector<64x64x64xf32>
    %broadcast_in_dim3A_746 = vector.shape_cast %convert_element_type3A_413 : vector<1x64xf32> to vector<1x1x64xf32>
    %mul3A_747 = vector.broadcast %broadcast_in_dim3A_746 : vector<1x1x64xf32> to vector<64x64x64xf32>
    %mul3A_748 = arith.mulf %exp3A_745, %mul3A_747 : vector<64x64x64xf32>
    %reduce_sum3A_749 = arith.constant dense<0.000000e+00> : vector<64x64xf32>
    %reduce_sum3A_750 = vector.multi_reduction <add>, %mul3A_748, %reduce_sum3A_749 [2] : vector<64x64x64xf32> to vector<64x64xf32>
    %get3A_751 = arith.constant 0 : index
    %get3A_752 = arith.constant 30 : index
    %get3A_753 = memref.load %arg3[%get3A_751, %get3A_752] : memref<1x32xf32, #tpu.memory_space<smem>>
    %convert_element_type3A_754 = arith.truncf %get3A_753 : f32 to bf16
    %convert_element_type3A_755 = arith.extf %convert_element_type3A_754 : bf16 to f32
    %convert_element_type3A_756 = arith.truncf %reduce_sum3A_750 : vector<64x64xf32> to vector<64x64xbf16>
    %convert_element_type3A_757 = arith.extf %convert_element_type3A_756 : vector<64x64xbf16> to vector<64x64xf32>
    %mul3A_758 = vector.broadcast %convert_element_type3A_755 : f32 to vector<64x64xf32>
    %mul3A_759 = arith.mulf %mul3A_758, %convert_element_type3A_757 : vector<64x64xf32>
    %add3A_760 = arith.addf %add3A_737, %mul3A_759 : vector<64x64xf32>
    %sub3A_761 = arith.constant 1.000000e+00 : f32
    %sub3A_762 = vector.broadcast %sub3A_761 : f32 to vector<64x64x64xf32>
    %sub3A_763 = arith.subf %min3A_408, %sub3A_762 : vector<64x64x64xf32>
    %mul3A_764 = arith.constant -2.812500e+01 : f32
    %mul3A_765 = vector.broadcast %mul3A_764 : f32 to vector<64x64x64xf32>
    %mul3A_766 = arith.mulf %mul3A_765, %sub3A_763 : vector<64x64x64xf32>
    %mul3A_767 = arith.mulf %mul3A_766, %sub3A_763 : vector<64x64x64xf32>
    %exp3A_768 = math.exp %mul3A_767 : vector<64x64x64xf32>
    %broadcast_in_dim3A_769 = vector.shape_cast %convert_element_type3A_413 : vector<1x64xf32> to vector<1x1x64xf32>
    %mul3A_770 = vector.broadcast %broadcast_in_dim3A_769 : vector<1x1x64xf32> to vector<64x64x64xf32>
    %mul3A_771 = arith.mulf %exp3A_768, %mul3A_770 : vector<64x64x64xf32>
    %reduce_sum3A_772 = arith.constant dense<0.000000e+00> : vector<64x64xf32>
    %reduce_sum3A_773 = vector.multi_reduction <add>, %mul3A_771, %reduce_sum3A_772 [2] : vector<64x64x64xf32> to vector<64x64xf32>
    %get3A_774 = arith.constant 0 : index
    %get3A_775 = arith.constant 31 : index
    %get3A_776 = memref.load %arg3[%get3A_774, %get3A_775] : memref<1x32xf32, #tpu.memory_space<smem>>
    %convert_element_type3A_777 = arith.truncf %get3A_776 : f32 to bf16
    %convert_element_type3A_778 = arith.extf %convert_element_type3A_777 : bf16 to f32
    %convert_element_type3A_779 = arith.truncf %reduce_sum3A_773 : vector<64x64xf32> to vector<64x64xbf16>
    %convert_element_type3A_780 = arith.extf %convert_element_type3A_779 : vector<64x64xbf16> to vector<64x64xf32>
    %mul3A_781 = vector.broadcast %convert_element_type3A_778 : f32 to vector<64x64xf32>
    %mul3A_782 = arith.mulf %mul3A_781, %convert_element_type3A_780 : vector<64x64xf32>
    %add3A_783 = arith.addf %add3A_760, %mul3A_782 : vector<64x64xf32>
    %eq3A_784 = arith.cmpf oeq, %convert_element_type3A_4, %convert_element_type3A_6 : vector<64x64xf32>
    %convert_element_type3A_785 = arith.extui %eq3A_784 : vector<64x64xi1> to vector<64x64xi32>
    %convert_element_type3A_786 = arith.sitofp %convert_element_type3A_785 : vector<64x64xi32> to vector<64x64xf32>
    %convert_element_type3A_787 = arith.truncf %add3A_783 : vector<64x64xf32> to vector<64x64xbf16>
    %convert_element_type3A_788 = arith.extf %convert_element_type3A_787 : vector<64x64xbf16> to vector<64x64xf32>
    %sub3A_789 = arith.subf %add3A_783, %convert_element_type3A_788 : vector<64x64xf32>
    %convert_element_type3A_790 = arith.truncf %sub3A_789 : vector<64x64xf32> to vector<64x64xbf16>
    %convert_element_type3A_791 = arith.extf %convert_element_type3A_790 : vector<64x64xbf16> to vector<64x64xf32>
    %sub3A_792 = arith.subf %sub3A_789, %convert_element_type3A_791 : vector<64x64xf32>
    %dot_general3A_793 = arith.constant dense<0.000000e+00> : vector<64x64xf32>
    %dot_general3A_794 = tpu.matmul %convert_element_type3A_788, %convert_element_type3A_786, %dot_general3A_793 {dimension_numbers = #tpu.dot_dimension_numbers<[0], [0], [1], [1], [0, 1, 1, 1], [], []>, transpose_lhs_hint = false} : vector<64x64xf32>, vector<64x64xf32>, vector<64x64xf32> -> vector<64x64xf32>
    %dot_general3A_795 = arith.constant dense<0.000000e+00> : vector<64x64xf32>
    %dot_general3A_796 = tpu.matmul %convert_element_type3A_791, %convert_element_type3A_786, %dot_general3A_795 {dimension_numbers = #tpu.dot_dimension_numbers<[0], [0], [1], [1], [0, 1, 1, 1], [], []>, transpose_lhs_hint = false} : vector<64x64xf32>, vector<64x64xf32>, vector<64x64xf32> -> vector<64x64xf32>
    %dot_general3A_797 = arith.constant dense<0.000000e+00> : vector<64x64xf32>
    %dot_general3A_798 = tpu.matmul %sub3A_792, %convert_element_type3A_786, %dot_general3A_797 {dimension_numbers = #tpu.dot_dimension_numbers<[0], [0], [1], [1], [0, 1, 1, 1], [], []>, transpose_lhs_hint = false} : vector<64x64xf32>, vector<64x64xf32>, vector<64x64xf32> -> vector<64x64xf32>
    %add3A_799 = arith.addf %dot_general3A_794, %dot_general3A_796 : vector<64x64xf32>
    %add3A_800 = arith.addf %add3A_799, %dot_general3A_798 : vector<64x64xf32>
    %add3A_801 = arith.addf %add3A_372, %add3A_800 : vector<64x64xf32>
    %get3A_802 = arith.constant 0 : index
    %get3A_803 = arith.constant 0 : index
    %get3A_804 = memref.load %arg4[%get3A_802, %get3A_803] : memref<1x1xf32, #tpu.memory_space<smem>>
    %add3A_805 = vector.broadcast %get3A_804 : f32 to vector<64x64xf32>
    %add3A_806 = arith.addf %add3A_801, %add3A_805 : vector<64x64xf32>
    %convert_element_type3A_807 = arith.truncf %add3A_806 : vector<64x64xf32> to vector<64x64xbf16>
    %convert_element_type3A_808 = arith.extf %convert_element_type3A_807 : vector<64x64xbf16> to vector<64x64xf32>
    %sub3A_809 = arith.subf %add3A_806, %convert_element_type3A_808 : vector<64x64xf32>
    %convert_element_type3A_810 = arith.truncf %sub3A_809 : vector<64x64xf32> to vector<64x64xbf16>
    %convert_element_type3A_811 = arith.extf %convert_element_type3A_810 : vector<64x64xbf16> to vector<64x64xf32>
    %sub3A_812 = arith.subf %sub3A_809, %convert_element_type3A_811 : vector<64x64xf32>
    %dot_general3A_813 = arith.constant dense<0.000000e+00> : vector<64x2048xf32>
    %dot_general3A_814 = tpu.matmul %convert_element_type3A_808, %convert_element_type3A_30, %dot_general3A_813 {dimension_numbers = #tpu.dot_dimension_numbers<[1], [1], [0], [0], [0, 0, 1, 0], [], []>, transpose_lhs_hint = false} : vector<64x64xf32>, vector<2048x64xf32>, vector<64x2048xf32> -> vector<64x2048xf32>
    %dot_general3A_815 = arith.constant dense<0.000000e+00> : vector<64x2048xf32>
    %dot_general3A_816 = tpu.matmul %convert_element_type3A_811, %convert_element_type3A_30, %dot_general3A_815 {dimension_numbers = #tpu.dot_dimension_numbers<[1], [1], [0], [0], [0, 0, 1, 0], [], []>, transpose_lhs_hint = false} : vector<64x64xf32>, vector<2048x64xf32>, vector<64x2048xf32> -> vector<64x2048xf32>
    %dot_general3A_817 = arith.constant dense<0.000000e+00> : vector<64x2048xf32>
    %dot_general3A_818 = tpu.matmul %sub3A_812, %convert_element_type3A_30, %dot_general3A_817 {dimension_numbers = #tpu.dot_dimension_numbers<[1], [1], [0], [0], [0, 0, 1, 0], [], []>, transpose_lhs_hint = false} : vector<64x64xf32>, vector<2048x64xf32>, vector<64x2048xf32> -> vector<64x2048xf32>
    %add3A_819 = arith.addf %dot_general3A_814, %dot_general3A_816 : vector<64x2048xf32>
    %add3A_820 = arith.addf %add3A_819, %dot_general3A_818 : vector<64x2048xf32>
    %swap3A = arith.constant 0 : index
    %swap3A_821 = arith.constant 0 : index
    %swap3A_822 = arith.constant 0 : index
    %swap3A_823 = vector.load %arg5[%swap3A, %swap3A_821, %swap3A_822] : memref<1x64x2048xf32, #tpu.memory_space<vmem>>, vector<1x64x2048xf32>
    %swap3A_824 = vector.shape_cast %swap3A_823 : vector<1x64x2048xf32> to vector<64x2048xf32>
    %swap3A_825 = vector.shape_cast %add3A_820 : vector<64x2048xf32> to vector<1x64x2048xf32>
    tpu.vector_store %arg5[%swap3A, %swap3A_821, %swap3A_822], %swap3A_825 {strides = array<i32>} : memref<1x64x2048xf32, #tpu.memory_space<vmem>>, vector<1x64x2048xf32>,
    %broadcast_in_dim3A_826 = arith.constant 1.000000e+00 : f32
    %broadcast_in_dim3A_827 = vector.broadcast %broadcast_in_dim3A_826 : f32 to vector<1x64xf32>
    %ge3A_828 = arith.cmpf oge, %convert_element_type3A_11, %broadcast_in_dim3A_12 : vector<2048x64xf32>
    %convert_element_type3A_829 = arith.extui %ge3A_828 : vector<2048x64xi1> to vector<2048x64xi32>
    %convert_element_type3A_830 = arith.sitofp %convert_element_type3A_829 : vector<2048x64xi32> to vector<2048x64xf32>
    %dot_general3A_831 = arith.constant dense<0.000000e+00> : vector<1x2048xf32>
    %dot_general3A_832 = tpu.matmul %broadcast_in_dim3A_827, %convert_element_type3A_830, %dot_general3A_831 {dimension_numbers = #tpu.dot_dimension_numbers<[1], [1], [0], [0], [0, 0, 1, 0], [], []>, precision = #tpu.contract_precision<fp32>, transpose_lhs_hint = false} : vector<1x64xf32>, vector<2048x64xf32>, vector<1x2048xf32> -> vector<1x2048xf32>
    %iota3A_833 = tpu.iota {dimensions = array<i32: 1>} : vector<1x2048xi32>
    %convert_element_type3A_834 = arith.sitofp %iota3A_833 : vector<1x2048xi32> to vector<1x2048xf32>
    %lt3A_835 = vector.broadcast %slice3A : vector<1x1xf32> to vector<1x2048xf32>
    %lt3A_836 = arith.cmpf olt, %convert_element_type3A_834, %lt3A_835 : vector<1x2048xf32>
    %min3A_837 = arith.constant 6.300000e+01 : f32
    %min3A_838 = vector.broadcast %min3A_837 : f32 to vector<1x2048xf32>
    %min3A_839 = arith.minimumf %dot_general3A_832, %min3A_838 : vector<1x2048xf32>
    %jit3A_840 = arith.constant 0.000000e+00 : f32
    %broadcast_in_dim3A_841 = vector.broadcast %jit3A_840 : f32 to vector<1x2048xf32>
    %select_n3A_842 = arith.select %lt3A_836, %min3A_839, %broadcast_in_dim3A_841 : vector<1x2048xi1>, vector<1x2048xf32>
    %convert_element_type3A_843 = arith.fptosi %select_n3A_842 : vector<1x2048xf32> to vector<1x2048xi32>
    %rem3A = arith.constant 2 : i32
    %rem3A_844 = arith.remsi %arg0, %rem3A : i32
    %mul3A_845 = arith.constant 64 : i32
    %mul3A_846 = arith.muli %rem3A_844, %mul3A_845 : i32
    %add3A_847 = vector.broadcast %mul3A_846 : i32 to vector<1x2048xi32>
    %add3A_848 = arith.addi %convert_element_type3A_843, %add3A_847 : vector<1x2048xi32>
    %swap3A_849 = arith.constant 0 : index
    %swap3A_850 = arith.constant 0 : index
    %swap3A_851 = arith.constant 0 : index
    %swap3A_852 = vector.load %arg6[%swap3A_849, %swap3A_850, %swap3A_851] : memref<1x1x2048xi32, #tpu.memory_space<vmem>>, vector<1x1x2048xi32>
    %swap3A_853 = vector.shape_cast %swap3A_852 : vector<1x1x2048xi32> to vector<1x2048xi32>
    %swap3A_854 = vector.shape_cast %add3A_848 : vector<1x2048xi32> to vector<1x1x2048xi32>
    tpu.vector_store %arg6[%swap3A_849, %swap3A_850, %swap3A_851], %swap3A_854 {strides = array<i32>} : memref<1x1x2048xi32, #tpu.memory_space<vmem>>, vector<1x1x2048xi32>,
    return
  }
  func.func @transform_0(%arg0: i32) -> (i32, i32, i32) {
    %c0_i32 = arith.constant 0 : i32
    %c0_i32_0 = arith.constant 0 : i32
    %c0_i32_1 = arith.constant 0 : i32
    return %arg0, %c0_i32, %c0_i32_0 : i32, i32, i32
  }
  func.func @transform_1(%arg0: i32) -> (i32, i32, i32) {
    %c0_i32 = arith.constant 0 : i32
    %c0_i32_0 = arith.constant 0 : i32
    %c0_i32_1 = arith.constant 0 : i32
    return %arg0, %c0_i32, %c0_i32_0 : i32, i32, i32
  }
  func.func @transform_2(%arg0: i32) -> (i32, i32) {
    %c0_i32 = arith.constant 0 : i32
    %c0_i32_0 = arith.constant 0 : i32
    %c0_i32_1 = arith.constant 0 : i32
    return %c0_i32, %c0_i32_0 : i32, i32
  }
  func.func @transform_3(%arg0: i32) -> (i32, i32) {
    %c0_i32 = arith.constant 0 : i32
    %c0_i32_0 = arith.constant 0 : i32
    %c0_i32_1 = arith.constant 0 : i32
    return %c0_i32, %c0_i32_0 : i32, i32
  }
  func.func @transform_4(%arg0: i32) -> (i32, i32, i32) {
    %c0_i32 = arith.constant 0 : i32
    %c0_i32_0 = arith.constant 0 : i32
    %c0_i32_1 = arith.constant 0 : i32
    return %arg0, %c0_i32, %c0_i32_0 : i32, i32, i32
  }
  func.func @transform_5(%arg0: i32) -> (i32, i32, i32) {
    %c0_i32 = arith.constant 0 : i32
    %c0_i32_0 = arith.constant 0 : i32
    %c0_i32_1 = arith.constant 0 : i32
    return %arg0, %c0_i32, %c0_i32_0 : i32, i32, i32
  }
}

</mosaic_0001>

<sc_bundles>
// kernel: kernel.4.cloned.1.call-start
scs
__scs_entry_jumppad:
0x0: {  	(pc) =	sbr.rel $0x88, $3  }
0x1: {  	(tag) =	ssettag $0x0;
	lr =	simm.s32 $0x1  }
0x2: {  	[smem:$0x3F9D] =	sst lr;
	_ =	strace $0xD0000000  }
0x3: {  	_ = 	snop  }
0x4: {  	_ = 	snop  }
0x5: {  	_ = 	snop  }
0x6: {  	_ = 	snop  }
0x7: {  	_ = 	snop  }
__scs_overlays_trampoline_lowered:
0x8: {  	[smem:$0x3FAC] =	sst s0  }
0x9: {  	[smem:$0x3FAD] =	sst s1  }
0xa: {  	[smem:$0x3FAE] =	sst s2  }
0xb: {  	[smem:$0x3FAF] =	sst s3  }
0xc: {  	[smem:$0x3FB0] =	sst s4  }
0xd: {  	[smem:$0x3FB1] =	sst s5  }
0xe: {  	[smem:$0x3FB2] =	sst s6  }
0xf: {  	[smem:$0x3FB3] =	sst s7  }
0x10: {  	[smem:$0x3FB4] =	sst s8  }
0x11: {  	[smem:$0x3FB5] =	sst s9;
	s0 =	simm.s32 @!p0 $0x0  }
0x12: {  	s1 =	sld [smem:$0x3F9B];
	s0 =	simm.s32 @p0 $0x1  }
0x13: {  	[smem:$0x3FB6] =	sst s0;
	s0 =	simm.s32 @!p1 $0x0  }
0x14: {  	s2 =	sld [smem:$0x3F9A];
	s0 =	simm.s32 @p1 $0x1  }
0x15: {  	[smem:$0x3FB7] =	sst s0;
	s0 =	simm.s32 @!p2 $0x0  }
0x16: {  	s3 =	sld [smem:$0x3FDB];
	s0 =	simm.s32 @p2 $0x1  }
0x17: {  	s4 =	simm.s32 $0x1BF5;
	[smem:$0x3FB9] =	sst s0  }
0x18: {  	s0 =	sld [smem:$0x3F9C];
	_ =	swait.ge [sflag:s4], $0x0  }
0x19: {  	s7 =	sld [smem:$0x3F9D]  }
0x1a: {  	s8 =	sadd.s32 $0xFFFFE003, lr  }
0x1b: {  	s9 =	sadd.s32 $0xFFFFFEF7, lr;
	s5 =	simm.s32 $0xFFFFFFFF;
	p2 =	slt.u32 s8, $0xFFFFF086  }
0x1c: {  	p1 =	slt.u32 s9, $0xF7A;
	s5 =	simm.s32 @!p2 $0x0  }
0x1d: {  	s5 =	simm.s32 @p1 $0x1;
	p0 =	seq.s32 s7, s2  }
0x1e: {  	s7 =	smul.u32 @!p0 $0xF7A, s2;
	p2 =	seq.s32 @!p0 s5, $0x0  }
0x1f: {  	s9 =	smul.u32 $0xF7A, s1;
	s8 =	simm.s32 @!p0 $0x1BF5;
	p2 =	por !p2, p0  }
0x20: {  	[sflag:s8] =	ssyncset.s32 @!p0 $0xFFFFF086;
	s6 =	sadd.s32 @!p0 s3, s7;
	s7 =	simm.s32 @!p0 $0x108  }
0x21: {  	s3 =	sadd.s32 s3, s9;
	s6 =	sadd.s32 @!p0 $0x88, s6;
	s7 =	simm.s32 @p2 $0x1082  }
0x22: {  	[simem:s7], [sflag:s8] =	dma.local @!p0 [hbm:s6], $0xF7A  }
0x23: {  	s9 =	sor.u32 $0xD0000000, s2;
	s6 =	simm.s32 $0x108;
	_ =	swait.ge @!p0 [sflag:s8], $0x0  }
0x24: {  	s3 =	sadd.s32 $0x88, s3;
	s6 =	simm.s32 @!p1 $0x1082;
	[sflag:s4] =	ssyncset.s32 $0xFFFFF086  }
0x25: {  	[simem:s6], [sflag:s4] =	dma.local [hbm:s3], $0xF7A  }
0x26: {  	[smem:$0x3F9D] =	sst s1;
	(tag) =	ssettag s2;
	_ =	strace s9  }
0x27: {  	s1 =	sld [smem:$0x3FAD]  }
0x28: {  	s2 =	sld [smem:$0x3FAE]  }
0x29: {  	s4 =	sld [smem:$0x3FB0]  }
0x2a: {  	p0 =	seq.s32 s5, $0x0;
	s5 =	sld [smem:$0x3FB1]  }
0x2b: {  	s6 =	sld [smem:$0x3FB2]  }
0x2c: {  	s7 =	sld [smem:$0x3FB3]  }
0x2d: {  	s3 =	simm.s32 $0x108;
	s8 =	sld [smem:$0x3FB4]  }
0x2e: {  	s3 =	simm.s32 @!p0 $0x1082;
	s9 =	sld [smem:$0x3FB5]  }
0x2f: {  	lr =	sadd.s32 s0, s3;
	s0 =	sld [smem:$0x3FAC]  }
0x30: {  	s3 =	sld [smem:$0x3FAF]  }
0x31: {  	[smem:$0x3FB8] =	sst s10  }
0x32: {  	s10 =	sld [smem:$0x3FB6];
	_ =	sdelay $0x3  }
0x33: {  	p0 =	seq.s32 s10, $0x1;
	s10 =	sld [smem:$0x3FB8];
	_ =	sdelay $0x3  }
0x34: {  	[smem:$0x3FB8] =	sst s10  }
0x35: {  	s10 =	sld [smem:$0x3FB7];
	_ =	sdelay $0x3  }
0x36: {  	p1 =	seq.s32 s10, $0x1;
	s10 =	sld [smem:$0x3FB8];
	_ =	sdelay $0x3  }
0x37: {  	[smem:$0x3FB8] =	sst s10  }
0x38: {  	s10 =	sld [smem:$0x3FB9]  }
0x39: {  	_ = 	snop;
	(pc) =	sbr.ind lr, $3  }
0x3a: {  	_ = 	snop  }
0x3b: {  	_ = 	snop  }
0x3c: {  	p2 =	seq.s32 s10, $0x1;
	s10 =	sld [smem:$0x3FB8]  }
0x3d: {  	_ =	shalt  }
0x3e: {  	_ =	shalt  }
0x3f: {  	_ =	shalt  }
0x40: {  	_ =	shalt  }
0x41: {  	_ =	shalt  }
0x42: {  	_ =	shalt  }
0x43: {  	_ =	shalt  }
0x44: {  	_ =	shalt  }
0x45: {  	_ =	shalt  }
0x46: {  	_ =	shalt  }
0x47: {  	_ =	shalt  }
0x48: {  	_ =	shalt  }
0x49: {  	_ =	shalt  }
0x4a: {  	_ =	shalt  }
0x4b: {  	_ =	shalt  }
0x4c: {  	_ =	shalt  }
0x4d: {  	_ =	shalt  }
0x4e: {  	_ =	shalt  }
0x4f: {  	_ =	shalt  }
0x50: {  	_ =	shalt  }
0x51: {  	_ =	shalt  }
0x52: {  	_ =	shalt  }
0x53: {  	_ =	shalt  }
0x54: {  	_ =	shalt  }
0x55: {  	_ =	shalt  }
0x56: {  	_ =	shalt  }
0x57: {  	_ =	shalt  }
0x58: {  	_ =	shalt  }
0x59: {  	_ =	shalt  }
0x5a: {  	_ =	shalt  }
0x5b: {  	_ =	shalt  }
0x5c: {  	_ =	shalt  }
0x5d: {  	_ =	shalt  }
0x5e: {  	_ =	shalt  }
0x5f: {  	_ =	shalt  }
0x60: {  	_ =	shalt  }
0x61: {  	_ =	shalt  }
0x62: {  	_ =	shalt  }
0x63: {  	_ =	shalt  }
0x64: {  	_ =	shalt  }
0x65: {  	_ =	shalt  }
0x66: {  	_ =	shalt  }
0x67: {  	_ =	shalt  }
0x68: {  	_ =	shalt  }
0x69: {  	_ =	shalt  }
0x6a: {  	_ =	shalt  }
0x6b: {  	_ =	shalt  }
0x6c: {  	_ =	shalt  }
0x6d: {  	_ =	shalt  }
0x6e: {  	_ =	shalt  }
0x6f: {  	_ =	shalt  }
0x70: {  	_ =	shalt  }
0x71: {  	_ =	shalt  }
0x72: {  	_ =	shalt  }
0x73: {  	_ =	shalt  }
0x74: {  	_ =	shalt  }
0x75: {  	_ =	shalt  }
0x76: {  	_ =	shalt  }
0x77: {  	_ =	shalt  }
0x78: {  	_ =	shalt  }
0x79: {  	_ =	shalt  }
0x7a: {  	_ =	shalt  }
0x7b: {  	_ =	shalt  }
0x7c: {  	_ =	shalt  }
0x7d: {  	_ =	shalt  }
0x7e: {  	_ =	shalt  }
0x7f: {  	_ =	shalt  }
0x80: {  	_ =	shalt  }
0x81: {  	_ =	shalt  }
0x82: {  	_ =	shalt  }
0x83: {  	_ =	shalt  }
0x84: {  	_ =	shalt  }
0x85: {  	_ =	shalt  }
0x86: {  	_ =	shalt  }
0x87: {  	_ =	shalt  }
.Lfunc_end0:
.L_simem_size_0:
called_computation_lowered:
.L_overlay_start_0:
0x88: {  	s2 =	sld [smem:$0x3FD9]  }
0x89: {  	s3 =	sld [smem:$0x3FFE];
	_ =	sdelay $0x1  }
0x8a: {  	s1 =	srdreg.scid  }
0x8b: {  	s0 =	sand.u32 $0x1, s1  }
0x8c: {  	s17 =	sshll.u32 s0, $0xA;
	s2 =	sadd.s32 s3, s2  }
0x8d: {  	s2 =	sadd.s32 s2, s17  }
0x8e: {  	[smem:$0x3FC4] =	sst s2  }
0x8f: {  	_ = 	snop  }
0x90: {  	s2 =	sld [smem:$0x3FD0];
	(tm) =	ssettm $0x1  }
0x91: {  	s18 =	sld [smem:$0x3FFB];
	_ =	sdelay $0x3  }
0x92: {  	_ =	strace s18  }
0x93: {  	s3 =	sld [smem:$0x3FFC];
	_ =	sdelay $0x3  }
0x94: {  	_ =	strace s3  }
0x95: {  	s3 =	sld [smem:$0x3FFD];
	_ =	sdelay $0x3  }
0x96: {  	_ =	strace s3  }
0x97: {  	_ =	strace $0x8FFFFFFF  }
0x98: {  	s19 =	sld [smem:$0x3FDB];
	_ =	sdelay $0x1  }
0x99: {  	s4 =	simm.s32 $_scs_section_size  }
0x9a: {  	s5 =	simm.s32 $_size__tile_overlayer_lowered;
	s6 =	simm.s32 $_tile_overlayer_lowered  }
0x9b: {  	s22 =	simm.s32 $0x1BFF;
	s21 =	sshll.u32 s6, $0x1;
	s3 =	sadd.s32 s4, s19  }
0x9c: {  	s7 =	simm.s32 $0x0;
	s20 =	sshll.u32 s5, $0x1;
	s5 =	sadd.s32 s21, s3  }
0x9d: {  	[timem:s7], [sflag:s22] =	dma.local [hbm:s5], s20  }
0x9e: {  	_ =	swait.ge [sflag:s22], s20  }
0x9f: {  	s4 =	ssub.s32 $0x0, s20;
	[sflag:s22] =	ssyncset.done $0x0  }
0xa0: {  	[sflag:s22] =	ssyncadd.s32 s4;
	_ =	sdelay $0x1  }
0xa1: {  	s23 =	simm.s32 $0x1B8B  }
0xa2: {  	_ =	swait.ge [sflag:s23], $0x1  }
0xa3: {  	[sflag:s23] =	ssyncset.done $0x0  }
0xa4: {  	s25 =	simm.s32 $0x1B8E;
	s24 =	sld [smem:$0x3FFE];
	[sflag:s23] =	ssyncadd.s32 $0xFFFFFFFF  }
0xa5: {  	s26 =	simm.s32 $execute0_lowered;
	[smem:$0x3FD2] =	sst s25  }
0xa6: {  	s5 =	sshll.u32 s26, $0x1;
	_ =	strace $0x80000046;
	[dreg:$0x1] =	wrdreg $0xFFFFFFFF  }
0xa7: {  	s28 =	simm.s32 $_size_execute0_lowered;
	s3 =	sadd.s32 s3, s5;
	[dreg:$0x0] =	wrdreg $0x0  }
0xa8: {  	s5 =	sshll.u32 s28, $0x1;
	[dreg:$0x2] =	wrdreg s3  }
0xa9: {  	[dreg:$0x3] =	wrdreg s5  }
0xaa: {  	[dreg:$0x4] =	wrdreg $0xC0  }
0xab: {  	_ =	task [dreg:s7], $0x5FFFF  }
0xac: {  	[dreg:$0x1] =	wrdreg $0xFFFFFFFF  }
0xad: {  	[dreg:$0x0] =	wrdreg $0x60  }
0xae: {  	[dreg:$0x2] =	wrdreg s24  }
0xaf: {  	[dreg:$0x3] =	wrdreg s2  }
0xb0: {  	[dreg:$0x4] =	wrdreg $0x9  }
0xb1: {  	_ =	task.clear_ibuf [dreg:s7], $0x5FFFF;
	_ =	strace $0x90000046  }
0xb2: {  	s29 =	simm.s32 $0x9;
	_ =	strace $0x80000048  }
0xb3: {  	_ =	swait.ge [sflag:s29], $0x1  }
0xb4: {  	[sflag:s29] =	ssyncadd.s32 $0xFFFFFFFF  }
0xb5: {  	_ =	strace $0x90000048  }
0xb6: {  	_ =	sfence  }
0xb7: {  	s30 =	sld [smem:$0x0];
	_ =	sdelay $0x2  }
0xb8: {  	s31 =	sshll.u32 s1, $0xD;
	s1 =	sshrl.u32 s1, $0x2  }
0xb9: {  	s3 =	sand.u32 $0x4000, s31;
	s1 =	sadd.s32 s1, s30  }
0xba: {  	s0 =	sor.u32 s3, s0;
	s1 =	sshll.u32 s1, $0x11  }
0xbb: {  	s0 =	sor.u32 s1, s0  }
0xbc: {  	s0 =	sadd.s32 $0x8F2B, s0  }
0xbd: {  	[sflag:s0] =	ssyncadd.remote.s32 $0x1  }
0xbe: {  	_ =	sfence.sel $0xFFFF  }
0xbf: {  	[dreg:$0x0] =	wrdreg $0xFFFFFFFF;
	(pc) =	sbr.abs _section_cstart, $3  }
0xc0: {  	[dreg:$0x1] =	wrdreg $0xFFFFFFFF  }
0xc1: {  	_ =	task.clear_ibuf [dreg:s7], $0x2FFFF;
	_ =	strace $0x9FFFFFFF  }
0xc2: {  	(tm) =	ssettm $0x7FFFFFFF  }
0xc3: {  	_ =	shalt  }
tec
execute0_lowered:
.L_overlay_start_1:
0x0: {  	(tag) =	ssettag $0x1  }
0x1: {  	s0 =	srdreg.scid  }
0x2: {  	s3 =	stileid.u32;
	s0 =	sand.u32 $0x1, s0  }
0x3: {  	s1 =	rddreg [dreg:$0x0];
	s3 =	sshll.u32 s3, $0x8;
	s2 =	sshll.u32 s0, $0xC  }
0x4: {  	s4 =	rddreg [dreg:$0x1];
	s3 =	sor.u32 s3, s2  }
0x5: {  	s2 =	simm.s32 $0x0;
	s5 =	sshrl.u32 s3, $0x3;
	s3 =	sshll.u32 s3, $0x8  }
0x6: {  	[smem:$0x7FF] =	sst s2;
	s5 =	sadd.s32 s5, s1;
	s6 =	sadd.s32 s4, s3  }
0x7: {  	_ =	strace $0x80000047;
	s5 =	sadd.s32 $0x10E00, s5;
	[dreg:$0x13] =	wrdreg s6  }
0x8: {  	s3 =	sadd.s32 $0x1000, s6;
	[dreg:$0x3] =	wrdreg s5  }
0x9: {  	s13 =	sadd.s32 $0x2000, s6;
	[dreg:$0x4] =	wrdreg s3  }
0xa: {  	s14 =	sadd.s32 $0x3000, s6;
	[dreg:$0x5] =	wrdreg s13  }
0xb: {  	s15 =	sadd.s32 $0x4000, s6;
	[dreg:$0x6] =	wrdreg s14  }
0xc: {  	s16 =	sadd.s32 $0x5000, s6;
	[dreg:$0x7] =	wrdreg s15  }
0xd: {  	s28 =	simm.s32 $0x3;
	s17 =	sadd.s32 $0x6000, s6;
	[dreg:$0x8] =	wrdreg s16  }
0xe: {  	s29 =	simm.s32 $0x6;
	s18 =	sadd.s32 $0x7000, s6;
	[dreg:$0x9] =	wrdreg s17  }
0xf: {  	s22 =	sshll.u32 s0, $0xF;
	s19 =	sadd.s32 $0x8000, s6;
	[dreg:$0xa] =	wrdreg s18  }
0x10: {  	s0 =	ssub.s32 $0x2, s0;
	s20 =	sadd.s32 $0x9000, s6;
	[dreg:$0xb] =	wrdreg s19  }
0x11: {  	s26 =	sshrl.u32 s0, $0x1;
	s21 =	sadd.s32 $0xA000, s6;
	[dreg:$0xc] =	wrdreg s20  }
0x12: {  	s0 =	ssub.s32 s0, s26;
	s23 =	sadd.s32 $0xB000, s6;
	[dreg:$0xd] =	wrdreg s21  }
0x13: {  	s26 =	simm.s32 $0x5;
	s24 =	sadd.s32 $0xC000, s6;
	[dreg:$0xe] =	wrdreg s23  }
0x14: {  	s1 =	sadd.s32 s22, s1;
	s25 =	sadd.s32 $0xD000, s6;
	[dreg:$0xf] =	wrdreg s24  }
0x15: {  	s0 =	smax.u32 s0, $0x1;
	s30 =	sadd.s32 $0xE000, s6;
	[dreg:$0x10] =	wrdreg s25  }
0x16: {  	v2 =	vlaneseq.u32;
	s31 =	sadd.s32 $0xF000, s6;
	s4 =	sadd.s32 $0xE00, s1;
	[dreg:$0x11] =	wrdreg s30  }
0x17: {  	vm0 =	vmmov $0xffff;
	v1 =	vshrl.u32 v2, $0x3;
	s1 =	simm.s32 $0x1;
	s6 =	simm.s32 $0x2;
	[dreg:$0x12] =	wrdreg s31  }
0x18: {  	v0 =	vand.u32 $0x7, v2;
	v2 =	vor.u32 $0x8, v2;
	v1 =	vmul.u32 $0x8, v1;
	s8 =	sadd.s32 $0x100, s4;
	s10 =	sadd.s32 $0x200, s4;
	s3 =	simm.s32 $0x4  }
.LBB2_1:
0x19: {  	[dreg:$0x14] =	wrdreg s0  }
0x1a: {  	s9 =	rddreg [dreg:$0x3];
	s16 =	simm.s32 $0x7  }
0x1b: {  	[tilespmem:s2], [sflag:$0x7] =	stream.linear.gather [hbm4b:s9+s2], $0x100, $0x38;
	[tilespmem:$0x18100] =	vst v63  }
0x1c: {  	_ =	swait.ge [sflag:s16], $0x100  }
0x1d: {  	[sflag:s16] =	ssyncset.done $0x0  }
0x1e: {  	[sflag:s16] =	ssyncadd.s32 $0xFFFFFF00  }
0x1f: {  	v3 =	vld [tilespmem:$0x0];
	_ =	sdelay $0x4  }
0x20: {  	v4 =	vshll.u32 v3, $0x4  }
0x21: {  	v3 =	vand.u32 $0x7, v3;
	v4 =	vand.u32 $0xFFFFFF80, v4  }
0x22: {  	v3 =	vor.u32 v3, v4  }
0x23: {  	v4 =	vperm.xlane v3, v0;
	_ =	sdelay $0x1  }
0x24: {  	v4 =	vadd.s32 v1, v4;
	_ =	sdelay $0x3  }
0x25: {  	s17 =	simm.s32 $0x100  }
0x26: {  	[tilespmem:s17], [sflag:$0x1] =	stream.indirect_vreg.gather [hbm4b:s4+s2], $0x80, v4, vm0, $0xb8;
	[tilespmem:$0x18100] =	vst v63  }
0x27: {  	s18 =	simm.s32 $0x900  }
0x28: {  	[tilespmem:s18], [sflag:$0x1] =	stream.indirect_vreg.gather [hbm4b:s8+s2], $0x80, v4, vm0, $0xb8;
	[tilespmem:$0x18100] =	vst v63  }
0x29: {  	s19 =	simm.s32 $0x1100  }
0x2a: {  	[tilespmem:s19], [sflag:$0x1] =	stream.indirect_vreg.gather [hbm4b:s10+s2], $0x80, v4, vm0, $0xb8;
	[tilespmem:$0x18100] =	vst v63  }
0x2b: {  	s30 =	sadd.s32 $0x300, s4;
	s20 =	simm.s32 $0x1900  }
0x2c: {  	[tilespmem:s20], [sflag:$0x1] =	stream.indirect_vreg.gather [hbm4b:s30+s2], $0x80, v4, vm0, $0xb8;
	[tilespmem:$0x18100] =	vst v63  }
0x2d: {  	s31 =	sadd.s32 $0x400, s4;
	s21 =	simm.s32 $0x2100  }
0x2e: {  	[tilespmem:s21], [sflag:$0x1] =	stream.indirect_vreg.gather [hbm4b:s31+s2], $0x80, v4, vm0, $0xb8;
	[tilespmem:$0x18100] =	vst v63  }
0x2f: {  	s11 =	simm.s32 $0x2900;
	s9 =	sadd.s32 $0x500, s4;
	v3 =	vperm.xlane v3, v2  }
0x30: {  	[tilespmem:s11], [sflag:$0x1] =	stream.indirect_vreg.gather [hbm4b:s9+s2], $0x80, v4, vm0, $0xb8;
	[tilespmem:$0x18100] =	vst v63  }
0x31: {  	s12 =	simm.s32 $0x3100;
	v3 =	vadd.s32 v1, v3;
	s11 =	sadd.s32 $0x600, s4  }
0x32: {  	[tilespmem:s12], [sflag:$0x1] =	stream.indirect_vreg.gather [hbm4b:s11+s2], $0x80, v4, vm0, $0xb8;
	[tilespmem:$0x18100] =	vst v63  }
0x33: {  	s13 =	simm.s32 $0x3900;
	s12 =	sadd.s32 $0x700, s4  }
0x34: {  	[tilespmem:s13], [sflag:$0x1] =	stream.indirect_vreg.gather [hbm4b:s12+s2], $0x80, v4, vm0, $0xb8;
	[tilespmem:$0x18100] =	vst v63  }
0x35: {  	s22 =	simm.s32 $0x4100  }
0x36: {  	[tilespmem:s22], [sflag:$0x1] =	stream.indirect_vreg.gather [hbm4b:s4+s2], $0x80, v3, vm0, $0xb8;
	[tilespmem:$0x18100] =	vst v63  }
0x37: {  	s23 =	simm.s32 $0x4900  }
0x38: {  	[tilespmem:s23], [sflag:$0x1] =	stream.indirect_vreg.gather [hbm4b:s8+s2], $0x80, v3, vm0, $0xb8;
	[tilespmem:$0x18100] =	vst v63  }
0x39: {  	s24 =	simm.s32 $0x5100  }
0x3a: {  	[tilespmem:s24], [sflag:$0x1] =	stream.indirect_vreg.gather [hbm4b:s10+s2], $0x80, v3, vm0, $0xb8;
	[tilespmem:$0x18100] =	vst v63  }
0x3b: {  	s5 =	simm.s32 $0x5900  }
0x3c: {  	[tilespmem:s5], [sflag:$0x1] =	stream.indirect_vreg.gather [hbm4b:s30+s2], $0x80, v3, vm0, $0xb8;
	[tilespmem:$0x18100] =	vst v63  }
0x3d: {  	s7 =	simm.s32 $0x6100  }
0x3e: {  	[tilespmem:s7], [sflag:$0x1] =	stream.indirect_vreg.gather [hbm4b:s31+s2], $0x80, v3, vm0, $0xb8;
	[tilespmem:$0x18100] =	vst v63  }
0x3f: {  	s15 =	simm.s32 $0x6900  }
0x40: {  	[tilespmem:s15], [sflag:$0x1] =	stream.indirect_vreg.gather [hbm4b:s9+s2], $0x80, v3, vm0, $0xb8;
	[tilespmem:$0x18100] =	vst v63  }
0x41: {  	s18 =	simm.s32 $0x7100  }
0x42: {  	[tilespmem:s18], [sflag:$0x1] =	stream.indirect_vreg.gather [hbm4b:s11+s2], $0x80, v3, vm0, $0xb8;
	[tilespmem:$0x18100] =	vst v63  }
0x43: {  	s24 =	simm.s32 $0x7900  }
0x44: {  	[tilespmem:s24], [sflag:$0x1] =	stream.indirect_vreg.gather [hbm4b:s12+s2], $0x80, v3, vm0, $0xb8;
	[tilespmem:$0x18100] =	vst v63  }
0x45: {  	v3 =	vld [tilespmem:$0x10];
	_ =	sdelay $0x4  }
0x46: {  	v49 =	vshll.u32 v3, $0x4  }
0x47: {  	v3 =	vand.u32 $0x7, v3;
	v4 =	vand.u32 $0xFFFFFF80, v49  }
0x48: {  	v3 =	vor.u32 v3, v4  }
0x49: {  	v4 =	vperm.xlane v3, v0;
	_ =	sdelay $0x1  }
0x4a: {  	v4 =	vadd.s32 v1, v4;
	_ =	sdelay $0x3  }
0x4b: {  	s7 =	simm.s32 $0x8100  }
0x4c: {  	[tilespmem:s7], [sflag:$0x2] =	stream.indirect_vreg.gather [hbm4b:s4+s2], $0x80, v4, vm0, $0xb8;
	[tilespmem:$0x18100] =	vst v63  }
0x4d: {  	s5 =	simm.s32 $0x8900  }
0x4e: {  	[tilespmem:s5], [sflag:$0x2] =	stream.indirect_vreg.gather [hbm4b:s8+s2], $0x80, v4, vm0, $0xb8;
	[tilespmem:$0x18100] =	vst v63  }
0x4f: {  	s13 =	simm.s32 $0x9100  }
0x50: {  	[tilespmem:s13], [sflag:$0x2] =	stream.indirect_vreg.gather [hbm4b:s10+s2], $0x80, v4, vm0, $0xb8;
	[tilespmem:$0x18100] =	vst v63  }
0x51: {  	s5 =	simm.s32 $0x9900  }
0x52: {  	[tilespmem:s5], [sflag:$0x2] =	stream.indirect_vreg.gather [hbm4b:s30+s2], $0x80, v4, vm0, $0xb8;
	[tilespmem:$0x18100] =	vst v63  }
0x53: {  	s13 =	simm.s32 $0xA100  }
0x54: {  	[tilespmem:s13], [sflag:$0x2] =	stream.indirect_vreg.gather [hbm4b:s31+s2], $0x80, v4, vm0, $0xb8;
	[tilespmem:$0x18100] =	vst v63  }
0x55: {  	v3 =	vperm.xlane v3, v2;
	s5 =	simm.s32 $0xA900  }
0x56: {  	[tilespmem:s5], [sflag:$0x2] =	stream.indirect_vreg.gather [hbm4b:s9+s2], $0x80, v4, vm0, $0xb8;
	[tilespmem:$0x18100] =	vst v63  }
0x57: {  	v3 =	vadd.s32 v1, v3;
	s13 =	simm.s32 $0xB100  }
0x58: {  	[tilespmem:s13], [sflag:$0x2] =	stream.indirect_vreg.gather [hbm4b:s11+s2], $0x80, v4, vm0, $0xb8;
	[tilespmem:$0x18100] =	vst v63  }
0x59: {  	s5 =	simm.s32 $0xB900  }
0x5a: {  	[tilespmem:s5], [sflag:$0x2] =	stream.indirect_vreg.gather [hbm4b:s12+s2], $0x80, v4, vm0, $0xb8;
	[tilespmem:$0x18100] =	vst v63  }
0x5b: {  	s13 =	simm.s32 $0xC100  }
0x5c: {  	[tilespmem:s13], [sflag:$0x2] =	stream.indirect_vreg.gather [hbm4b:s4+s2], $0x80, v3, vm0, $0xb8;
	[tilespmem:$0x18100] =	vst v63  }
0x5d: {  	s5 =	simm.s32 $0xC900  }
0x5e: {  	[tilespmem:s5], [sflag:$0x2] =	stream.indirect_vreg.gather [hbm4b:s8+s2], $0x80, v3, vm0, $0xb8;
	[tilespmem:$0x18100] =	vst v63  }
0x5f: {  	s13 =	simm.s32 $0xD100  }
0x60: {  	[tilespmem:s13], [sflag:$0x2] =	stream.indirect_vreg.gather [hbm4b:s10+s2], $0x80, v3, vm0, $0xb8;
	[tilespmem:$0x18100] =	vst v63  }
0x61: {  	s5 =	simm.s32 $0xD900  }
0x62: {  	[tilespmem:s5], [sflag:$0x2] =	stream.indirect_vreg.gather [hbm4b:s30+s2], $0x80, v3, vm0, $0xb8;
	[tilespmem:$0x18100] =	vst v63  }
0x63: {  	s13 =	simm.s32 $0xE100  }
0x64: {  	[tilespmem:s13], [sflag:$0x2] =	stream.indirect_vreg.gather [hbm4b:s31+s2], $0x80, v3, vm0, $0xb8;
	[tilespmem:$0x18100] =	vst v63  }
0x65: {  	s5 =	simm.s32 $0xE900  }
0x66: {  	[tilespmem:s5], [sflag:$0x2] =	stream.indirect_vreg.gather [hbm4b:s9+s2], $0x80, v3, vm0, $0xb8;
	[tilespmem:$0x18100] =	vst v63  }
0x67: {  	s13 =	simm.s32 $0xF100  }
0x68: {  	[tilespmem:s13], [sflag:$0x2] =	stream.indirect_vreg.gather [hbm4b:s11+s2], $0x80, v3, vm0, $0xb8;
	[tilespmem:$0x18100] =	vst v63  }
0x69: {  	s5 =	simm.s32 $0xF900  }
0x6a: {  	[tilespmem:s5], [sflag:$0x2] =	stream.indirect_vreg.gather [hbm4b:s12+s2], $0x80, v3, vm0, $0xb8;
	[tilespmem:$0x18100] =	vst v63  }
0x6b: {  	v3 =	vld [tilespmem:$0x20];
	_ =	sdelay $0x4  }
0x6c: {  	v50 =	vshll.u32 v3, $0x4  }
0x6d: {  	v3 =	vand.u32 $0x7, v3;
	v4 =	vand.u32 $0xFFFFFF80, v50  }
0x6e: {  	v3 =	vor.u32 v3, v4  }
0x6f: {  	v4 =	vperm.xlane v3, v0;
	_ =	sdelay $0x1  }
0x70: {  	v4 =	vadd.s32 v1, v4;
	_ =	sdelay $0x3  }
0x71: {  	s5 =	simm.s32 $0x10100  }
0x72: {  	[tilespmem:s5], [sflag:$0x3] =	stream.indirect_vreg.gather [hbm4b:s4+s2], $0x80, v4, vm0, $0xb8;
	[tilespmem:$0x18100] =	vst v63  }
0x73: {  	s7 =	simm.s32 $0x10900  }
0x74: {  	[tilespmem:s7], [sflag:$0x3] =	stream.indirect_vreg.gather [hbm4b:s8+s2], $0x80, v4, vm0, $0xb8;
	[tilespmem:$0x18100] =	vst v63  }
0x75: {  	s7 =	simm.s32 $0x11100  }
0x76: {  	[tilespmem:s7], [sflag:$0x3] =	stream.indirect_vreg.gather [hbm4b:s10+s2], $0x80, v4, vm0, $0xb8;
	[tilespmem:$0x18100] =	vst v63  }
0x77: {  	s7 =	simm.s32 $0x11900  }
0x78: {  	[tilespmem:s7], [sflag:$0x3] =	stream.indirect_vreg.gather [hbm4b:s30+s2], $0x80, v4, vm0, $0xb8;
	[tilespmem:$0x18100] =	vst v63  }
0x79: {  	s7 =	simm.s32 $0x12100  }
0x7a: {  	[tilespmem:s7], [sflag:$0x3] =	stream.indirect_vreg.gather [hbm4b:s31+s2], $0x80, v4, vm0, $0xb8;
	[tilespmem:$0x18100] =	vst v63  }
0x7b: {  	v3 =	vperm.xlane v3, v2;
	s7 =	simm.s32 $0x12900  }
0x7c: {  	[tilespmem:s7], [sflag:$0x3] =	stream.indirect_vreg.gather [hbm4b:s9+s2], $0x80, v4, vm0, $0xb8;
	[tilespmem:$0x18100] =	vst v63  }
0x7d: {  	v3 =	vadd.s32 v1, v3;
	s7 =	simm.s32 $0x13100  }
0x7e: {  	[tilespmem:s7], [sflag:$0x3] =	stream.indirect_vreg.gather [hbm4b:s11+s2], $0x80, v4, vm0, $0xb8;
	[tilespmem:$0x18100] =	vst v63  }
0x7f: {  	s7 =	simm.s32 $0x13900  }
0x80: {  	[tilespmem:s7], [sflag:$0x3] =	stream.indirect_vreg.gather [hbm4b:s12+s2], $0x80, v4, vm0, $0xb8;
	[tilespmem:$0x18100] =	vst v63  }
0x81: {  	s7 =	simm.s32 $0x14100  }
0x82: {  	[tilespmem:s7], [sflag:$0x3] =	stream.indirect_vreg.gather [hbm4b:s4+s2], $0x80, v3, vm0, $0xb8;
	[tilespmem:$0x18100] =	vst v63  }
0x83: {  	s7 =	simm.s32 $0x14900  }
0x84: {  	[tilespmem:s7], [sflag:$0x3] =	stream.indirect_vreg.gather [hbm4b:s8+s2], $0x80, v3, vm0, $0xb8;
	[tilespmem:$0x18100] =	vst v63  }
0x85: {  	s7 =	simm.s32 $0x15100  }
0x86: {  	[tilespmem:s7], [sflag:$0x3] =	stream.indirect_vreg.gather [hbm4b:s10+s2], $0x80, v3, vm0, $0xb8;
	[tilespmem:$0x18100] =	vst v63  }
0x87: {  	s7 =	simm.s32 $0x15900  }
0x88: {  	[tilespmem:s7], [sflag:$0x3] =	stream.indirect_vreg.gather [hbm4b:s30+s2], $0x80, v3, vm0, $0xb8;
	[tilespmem:$0x18100] =	vst v63  }
0x89: {  	s7 =	simm.s32 $0x16100  }
0x8a: {  	[tilespmem:s7], [sflag:$0x3] =	stream.indirect_vreg.gather [hbm4b:s31+s2], $0x80, v3, vm0, $0xb8;
	[tilespmem:$0x18100] =	vst v63  }
0x8b: {  	s7 =	simm.s32 $0x16900  }
0x8c: {  	[tilespmem:s7], [sflag:$0x3] =	stream.indirect_vreg.gather [hbm4b:s9+s2], $0x80, v3, vm0, $0xb8;
	[tilespmem:$0x18100] =	vst v63  }
0x8d: {  	s7 =	simm.s32 $0x17100  }
0x8e: {  	[tilespmem:s7], [sflag:$0x3] =	stream.indirect_vreg.gather [hbm4b:s11+s2], $0x80, v3, vm0, $0xb8;
	[tilespmem:$0x18100] =	vst v63  }
0x8f: {  	s7 =	simm.s32 $0x17900  }
0x90: {  	[tilespmem:s7], [sflag:$0x3] =	stream.indirect_vreg.gather [hbm4b:s12+s2], $0x80, v3, vm0, $0xb8;
	[tilespmem:$0x18100] =	vst v63  }
0x91: {  	_ =	swait.ge [sflag:s1], $0x8000  }
0x92: {  	[sflag:s1] =	ssyncset.done $0x0  }
0x93: {  	s0 =	simm.s32 $0x100;
	s7 =	rddreg [dreg:$0x13];
	[sflag:s1] =	ssyncadd.s32 $0xFFFF8000  }
0x94: {  	[hbm4b:s7+s2] =	stream.linear.scatter [tilespmem:s0], [sflag:$0x4], $0x8000, $0x38;
	[tilespmem:$0x18100] =	vst v63  }
0x95: {  	_ =	swait.ge [sflag:s3], $0x8000  }
0x96: {  	[sflag:s3] =	ssyncset.done $0x0  }
0x97: {  	[sflag:s3] =	ssyncadd.s32 $0xFFFF8000  }
0x98: {  	v3 =	vld [tilespmem:$0x30];
	_ =	sdelay $0x4  }
0x99: {  	v51 =	vshll.u32 v3, $0x4  }
0x9a: {  	v3 =	vand.u32 $0x7, v3;
	v4 =	vand.u32 $0xFFFFFF80, v51  }
0x9b: {  	v3 =	vor.u32 v3, v4  }
0x9c: {  	v4 =	vperm.xlane v3, v0;
	_ =	sdelay $0x1  }
0x9d: {  	v4 =	vadd.s32 v1, v4;
	_ =	sdelay $0x4  }
0x9e: {  	[tilespmem:s0], [sflag:$0x1] =	stream.indirect_vreg.gather [hbm4b:s4+s2], $0x80, v4, vm0, $0xb8;
	[tilespmem:$0x18100] =	vst v63  }
0x9f: {  	s14 =	simm.s32 $0x900  }
0xa0: {  	[tilespmem:s14], [sflag:$0x1] =	stream.indirect_vreg.gather [hbm4b:s8+s2], $0x80, v4, vm0, $0xb8;
	[tilespmem:$0x18100] =	vst v63  }
0xa1: {  	s7 =	simm.s32 $0x1100  }
0xa2: {  	[tilespmem:s7], [sflag:$0x1] =	stream.indirect_vreg.gather [hbm4b:s10+s2], $0x80, v4, vm0, $0xb8;
	[tilespmem:$0x18100] =	vst v63  }
0xa3: {  	s13 =	simm.s32 $0x1900  }
0xa4: {  	[tilespmem:s13], [sflag:$0x1] =	stream.indirect_vreg.gather [hbm4b:s30+s2], $0x80, v4, vm0, $0xb8;
	[tilespmem:$0x18100] =	vst v63  }
0xa5: {  	s14 =	simm.s32 $0x2100  }
0xa6: {  	[tilespmem:s14], [sflag:$0x1] =	stream.indirect_vreg.gather [hbm4b:s31+s2], $0x80, v4, vm0, $0xb8;
	[tilespmem:$0x18100] =	vst v63  }
0xa7: {  	s25 =	simm.s32 $0x2900;
	v3 =	vperm.xlane v3, v2  }
0xa8: {  	[tilespmem:s25], [sflag:$0x1] =	stream.indirect_vreg.gather [hbm4b:s9+s2], $0x80, v4, vm0, $0xb8;
	[tilespmem:$0x18100] =	vst v63  }
0xa9: {  	s17 =	simm.s32 $0x3100;
	v3 =	vadd.s32 v1, v3  }
0xaa: {  	[tilespmem:s17], [sflag:$0x1] =	stream.indirect_vreg.gather [hbm4b:s11+s2], $0x80, v4, vm0, $0xb8;
	[tilespmem:$0x18100] =	vst v63  }
0xab: {  	s16 =	simm.s32 $0x3900  }
0xac: {  	[tilespmem:s16], [sflag:$0x1] =	stream.indirect_vreg.gather [hbm4b:s12+s2], $0x80, v4, vm0, $0xb8;
	[tilespmem:$0x18100] =	vst v63  }
0xad: {  	s19 =	simm.s32 $0x4100  }
0xae: {  	[tilespmem:s19], [sflag:$0x1] =	stream.indirect_vreg.gather [hbm4b:s4+s2], $0x80, v3, vm0, $0xb8;
	[tilespmem:$0x18100] =	vst v63  }
0xaf: {  	s20 =	simm.s32 $0x4900  }
0xb0: {  	[tilespmem:s20], [sflag:$0x1] =	stream.indirect_vreg.gather [hbm4b:s8+s2], $0x80, v3, vm0, $0xb8;
	[tilespmem:$0x18100] =	vst v63  }
0xb1: {  	s21 =	simm.s32 $0x5100  }
0xb2: {  	[tilespmem:s21], [sflag:$0x1] =	stream.indirect_vreg.gather [hbm4b:s10+s2], $0x80, v3, vm0, $0xb8;
	[tilespmem:$0x18100] =	vst v63  }
0xb3: {  	s22 =	simm.s32 $0x5900  }
0xb4: {  	[tilespmem:s22], [sflag:$0x1] =	stream.indirect_vreg.gather [hbm4b:s30+s2], $0x80, v3, vm0, $0xb8;
	[tilespmem:$0x18100] =	vst v63  }
0xb5: {  	s23 =	simm.s32 $0x6100  }
0xb6: {  	[tilespmem:s23], [sflag:$0x1] =	stream.indirect_vreg.gather [hbm4b:s31+s2], $0x80, v3, vm0, $0xb8;
	[tilespmem:$0x18100] =	vst v63  }
0xb7: {  	s15 =	simm.s32 $0x6900  }
0xb8: {  	[tilespmem:s15], [sflag:$0x1] =	stream.indirect_vreg.gather [hbm4b:s9+s2], $0x80, v3, vm0, $0xb8;
	[tilespmem:$0x18100] =	vst v63  }
0xb9: {  	s18 =	simm.s32 $0x7100  }
0xba: {  	[tilespmem:s18], [sflag:$0x1] =	stream.indirect_vreg.gather [hbm4b:s11+s2], $0x80, v3, vm0, $0xb8;
	[tilespmem:$0x18100] =	vst v63  }
0xbb: {  	s24 =	simm.s32 $0x7900  }
0xbc: {  	[tilespmem:s24], [sflag:$0x1] =	stream.indirect_vreg.gather [hbm4b:s12+s2], $0x80, v3, vm0, $0xb8;
	[tilespmem:$0x18100] =	vst v63  }
0xbd: {  	_ =	swait.ge [sflag:s6], $0x8000  }
0xbe: {  	[sflag:s6] =	ssyncset.done $0x0  }
0xbf: {  	s0 =	simm.s32 $0x8100;
	s25 =	rddreg [dreg:$0x4];
	[sflag:s6] =	ssyncadd.s32 $0xFFFF8000  }
0xc0: {  	[hbm4b:s25+s2] =	stream.linear.scatter [tilespmem:s0], [sflag:$0x5], $0x8000, $0x38;
	[tilespmem:$0x18100] =	vst v63  }
0xc1: {  	_ =	swait.ge [sflag:s26], $0x8000  }
0xc2: {  	[sflag:s26] =	ssyncset.done $0x0  }
0xc3: {  	[sflag:s26] =	ssyncadd.s32 $0xFFFF8000  }
0xc4: {  	v3 =	vld [tilespmem:$0x40];
	_ =	sdelay $0x4  }
0xc5: {  	v52 =	vshll.u32 v3, $0x4  }
0xc6: {  	v3 =	vand.u32 $0x7, v3;
	v4 =	vand.u32 $0xFFFFFF80, v52  }
0xc7: {  	v3 =	vor.u32 v3, v4  }
0xc8: {  	v4 =	vperm.xlane v3, v0;
	_ =	sdelay $0x1  }
0xc9: {  	v4 =	vadd.s32 v1, v4;
	_ =	sdelay $0x4  }
0xca: {  	[tilespmem:s0], [sflag:$0x2] =	stream.indirect_vreg.gather [hbm4b:s4+s2], $0x80, v4, vm0, $0xb8;
	[tilespmem:$0x18100] =	vst v63  }
0xcb: {  	s25 =	simm.s32 $0x8900  }
0xcc: {  	[tilespmem:s25], [sflag:$0x2] =	stream.indirect_vreg.gather [hbm4b:s8+s2], $0x80, v4, vm0, $0xb8;
	[tilespmem:$0x18100] =	vst v63  }
0xcd: {  	s17 =	simm.s32 $0x9100  }
0xce: {  	[tilespmem:s17], [sflag:$0x2] =	stream.indirect_vreg.gather [hbm4b:s10+s2], $0x80, v4, vm0, $0xb8;
	[tilespmem:$0x18100] =	vst v63  }
0xcf: {  	s18 =	simm.s32 $0x9900  }
0xd0: {  	[tilespmem:s18], [sflag:$0x2] =	stream.indirect_vreg.gather [hbm4b:s30+s2], $0x80, v4, vm0, $0xb8;
	[tilespmem:$0x18100] =	vst v63  }
0xd1: {  	s7 =	simm.s32 $0xA100  }
0xd2: {  	[tilespmem:s7], [sflag:$0x2] =	stream.indirect_vreg.gather [hbm4b:s31+s2], $0x80, v4, vm0, $0xb8;
	[tilespmem:$0x18100] =	vst v63  }
0xd3: {  	v3 =	vperm.xlane v3, v2;
	s7 =	simm.s32 $0xA900  }
0xd4: {  	[tilespmem:s7], [sflag:$0x2] =	stream.indirect_vreg.gather [hbm4b:s9+s2], $0x80, v4, vm0, $0xb8;
	[tilespmem:$0x18100] =	vst v63  }
0xd5: {  	s15 =	simm.s32 $0xB100;
	v3 =	vadd.s32 v1, v3  }
0xd6: {  	[tilespmem:s15], [sflag:$0x2] =	stream.indirect_vreg.gather [hbm4b:s11+s2], $0x80, v4, vm0, $0xb8;
	[tilespmem:$0x18100] =	vst v63  }
0xd7: {  	s16 =	simm.s32 $0xB900  }
0xd8: {  	[tilespmem:s16], [sflag:$0x2] =	stream.indirect_vreg.gather [hbm4b:s12+s2], $0x80, v4, vm0, $0xb8;
	[tilespmem:$0x18100] =	vst v63  }
0xd9: {  	s19 =	simm.s32 $0xC100  }
0xda: {  	[tilespmem:s19], [sflag:$0x2] =	stream.indirect_vreg.gather [hbm4b:s4+s2], $0x80, v3, vm0, $0xb8;
	[tilespmem:$0x18100] =	vst v63  }
0xdb: {  	s20 =	simm.s32 $0xC900  }
0xdc: {  	[tilespmem:s20], [sflag:$0x2] =	stream.indirect_vreg.gather [hbm4b:s8+s2], $0x80, v3, vm0, $0xb8;
	[tilespmem:$0x18100] =	vst v63  }
0xdd: {  	s21 =	simm.s32 $0xD100  }
0xde: {  	[tilespmem:s21], [sflag:$0x2] =	stream.indirect_vreg.gather [hbm4b:s10+s2], $0x80, v3, vm0, $0xb8;
	[tilespmem:$0x18100] =	vst v63  }
0xdf: {  	s22 =	simm.s32 $0xD900  }
0xe0: {  	[tilespmem:s22], [sflag:$0x2] =	stream.indirect_vreg.gather [hbm4b:s30+s2], $0x80, v3, vm0, $0xb8;
	[tilespmem:$0x18100] =	vst v63  }
0xe1: {  	s23 =	simm.s32 $0xE100  }
0xe2: {  	[tilespmem:s23], [sflag:$0x2] =	stream.indirect_vreg.gather [hbm4b:s31+s2], $0x80, v3, vm0, $0xb8;
	[tilespmem:$0x18100] =	vst v63  }
0xe3: {  	s24 =	simm.s32 $0xE900  }
0xe4: {  	[tilespmem:s24], [sflag:$0x2] =	stream.indirect_vreg.gather [hbm4b:s9+s2], $0x80, v3, vm0, $0xb8;
	[tilespmem:$0x18100] =	vst v63  }
0xe5: {  	s14 =	simm.s32 $0xF100  }
0xe6: {  	[tilespmem:s14], [sflag:$0x2] =	stream.indirect_vreg.gather [hbm4b:s11+s2], $0x80, v3, vm0, $0xb8;
	[tilespmem:$0x18100] =	vst v63  }
0xe7: {  	s13 =	simm.s32 $0xF900  }
0xe8: {  	[tilespmem:s13], [sflag:$0x2] =	stream.indirect_vreg.gather [hbm4b:s12+s2], $0x80, v3, vm0, $0xb8;
	[tilespmem:$0x18100] =	vst v63  }
0xe9: {  	_ =	swait.ge [sflag:s28], $0x8000  }
0xea: {  	[sflag:s28] =	ssyncset.done $0x0  }
0xeb: {  	s5 =	simm.s32 $0x10100;
	s0 =	rddreg [dreg:$0x5];
	[sflag:s28] =	ssyncadd.s32 $0xFFFF8000  }
0xec: {  	[hbm4b:s0+s2] =	stream.linear.scatter [tilespmem:s5], [sflag:$0x6], $0x8000, $0x38;
	[tilespmem:$0x18100] =	vst v63  }
0xed: {  	_ =	swait.ge [sflag:s29], $0x8000  }
0xee: {  	[sflag:s29] =	ssyncset.done $0x0  }
0xef: {  	[sflag:s29] =	ssyncadd.s32 $0xFFFF8000  }
0xf0: {  	v3 =	vld [tilespmem:$0x50];
	_ =	sdelay $0x4  }
0xf1: {  	v53 =	vshll.u32 v3, $0x4  }
0xf2: {  	v3 =	vand.u32 $0x7, v3;
	v4 =	vand.u32 $0xFFFFFF80, v53  }
0xf3: {  	v3 =	vor.u32 v3, v4  }
0xf4: {  	v4 =	vperm.xlane v3, v0;
	_ =	sdelay $0x1  }
0xf5: {  	v4 =	vadd.s32 v1, v4;
	_ =	sdelay $0x4  }
0xf6: {  	[tilespmem:s5], [sflag:$0x3] =	stream.indirect_vreg.gather [hbm4b:s4+s2], $0x80, v4, vm0, $0xb8;
	[tilespmem:$0x18100] =	vst v63  }
0xf7: {  	s13 =	simm.s32 $0x10900  }
0xf8: {  	[tilespmem:s13], [sflag:$0x3] =	stream.indirect_vreg.gather [hbm4b:s8+s2], $0x80, v4, vm0, $0xb8;
	[tilespmem:$0x18100] =	vst v63  }
0xf9: {  	s5 =	simm.s32 $0x11100  }
0xfa: {  	[tilespmem:s5], [sflag:$0x3] =	stream.indirect_vreg.gather [hbm4b:s10+s2], $0x80, v4, vm0, $0xb8;
	[tilespmem:$0x18100] =	vst v63  }
0xfb: {  	s13 =	simm.s32 $0x11900  }
0xfc: {  	[tilespmem:s13], [sflag:$0x3] =	stream.indirect_vreg.gather [hbm4b:s30+s2], $0x80, v4, vm0, $0xb8;
	[tilespmem:$0x18100] =	vst v63  }
0xfd: {  	s5 =	simm.s32 $0x12100  }
0xfe: {  	[tilespmem:s5], [sflag:$0x3] =	stream.indirect_vreg.gather [hbm4b:s31+s2], $0x80, v4, vm0, $0xb8;
	[tilespmem:$0x18100] =	vst v63  }
0xff: {  	v3 =	vperm.xlane v3, v2;
	s13 =	simm.s32 $0x12900  }
0x100: {  	[tilespmem:s13], [sflag:$0x3] =	stream.indirect_vreg.gather [hbm4b:s9+s2], $0x80, v4, vm0, $0xb8;
	[tilespmem:$0x18100] =	vst v63  }
0x101: {  	v3 =	vadd.s32 v1, v3;
	s5 =	simm.s32 $0x13100  }
0x102: {  	[tilespmem:s5], [sflag:$0x3] =	stream.indirect_vreg.gather [hbm4b:s11+s2], $0x80, v4, vm0, $0xb8;
	[tilespmem:$0x18100] =	vst v63  }
0x103: {  	s13 =	simm.s32 $0x13900  }
0x104: {  	[tilespmem:s13], [sflag:$0x3] =	stream.indirect_vreg.gather [hbm4b:s12+s2], $0x80, v4, vm0, $0xb8;
	[tilespmem:$0x18100] =	vst v63  }
0x105: {  	s5 =	simm.s32 $0x14100  }
0x106: {  	[tilespmem:s5], [sflag:$0x3] =	stream.indirect_vreg.gather [hbm4b:s4+s2], $0x80, v3, vm0, $0xb8;
	[tilespmem:$0x18100] =	vst v63  }
0x107: {  	s13 =	simm.s32 $0x14900  }
0x108: {  	[tilespmem:s13], [sflag:$0x3] =	stream.indirect_vreg.gather [hbm4b:s8+s2], $0x80, v3, vm0, $0xb8;
	[tilespmem:$0x18100] =	vst v63  }
0x109: {  	s5 =	simm.s32 $0x15100  }
0x10a: {  	[tilespmem:s5], [sflag:$0x3] =	stream.indirect_vreg.gather [hbm4b:s10+s2], $0x80, v3, vm0, $0xb8;
	[tilespmem:$0x18100] =	vst v63  }
0x10b: {  	s13 =	simm.s32 $0x15900  }
0x10c: {  	[tilespmem:s13], [sflag:$0x3] =	stream.indirect_vreg.gather [hbm4b:s30+s2], $0x80, v3, vm0, $0xb8;
	[tilespmem:$0x18100] =	vst v63  }
0x10d: {  	s5 =	simm.s32 $0x16100  }
0x10e: {  	[tilespmem:s5], [sflag:$0x3] =	stream.indirect_vreg.gather [hbm4b:s31+s2], $0x80, v3, vm0, $0xb8;
	[tilespmem:$0x18100] =	vst v63  }
0x10f: {  	s13 =	simm.s32 $0x16900  }
0x110: {  	[tilespmem:s13], [sflag:$0x3] =	stream.indirect_vreg.gather [hbm4b:s9+s2], $0x80, v3, vm0, $0xb8;
	[tilespmem:$0x18100] =	vst v63  }
0x111: {  	s5 =	simm.s32 $0x17100  }
0x112: {  	[tilespmem:s5], [sflag:$0x3] =	stream.indirect_vreg.gather [hbm4b:s11+s2], $0x80, v3, vm0, $0xb8;
	[tilespmem:$0x18100] =	vst v63  }
0x113: {  	s13 =	simm.s32 $0x17900  }
0x114: {  	[tilespmem:s13], [sflag:$0x3] =	stream.indirect_vreg.gather [hbm4b:s12+s2], $0x80, v3, vm0, $0xb8;
	[tilespmem:$0x18100] =	vst v63  }
0x115: {  	_ =	swait.ge [sflag:s1], $0x8000  }
0x116: {  	[sflag:s1] =	ssyncset.done $0x0  }
0x117: {  	s5 =	simm.s32 $0x100;
	s0 =	rddreg [dreg:$0x6];
	[sflag:s1] =	ssyncadd.s32 $0xFFFF8000  }
0x118: {  	[hbm4b:s0+s2] =	stream.linear.scatter [tilespmem:s5], [sflag:$0x4], $0x8000, $0x38;
	[tilespmem:$0x18100] =	vst v63  }
0x119: {  	_ =	swait.ge [sflag:s3], $0x8000  }
0x11a: {  	[sflag:s3] =	ssyncset.done $0x0  }
0x11b: {  	[sflag:s3] =	ssyncadd.s32 $0xFFFF8000  }
0x11c: {  	v3 =	vld [tilespmem:$0x60];
	_ =	sdelay $0x4  }
0x11d: {  	v54 =	vshll.u32 v3, $0x4  }
0x11e: {  	v3 =	vand.u32 $0x7, v3;
	v4 =	vand.u32 $0xFFFFFF80, v54  }
0x11f: {  	v3 =	vor.u32 v3, v4  }
0x120: {  	v4 =	vperm.xlane v3, v0;
	_ =	sdelay $0x1  }
0x121: {  	v4 =	vadd.s32 v1, v4;
	_ =	sdelay $0x4  }
0x122: {  	[tilespmem:s5], [sflag:$0x1] =	stream.indirect_vreg.gather [hbm4b:s4+s2], $0x80, v4, vm0, $0xb8;
	[tilespmem:$0x18100] =	vst v63  }
0x123: {  	s13 =	simm.s32 $0x900  }
0x124: {  	[tilespmem:s13], [sflag:$0x1] =	stream.indirect_vreg.gather [hbm4b:s8+s2], $0x80, v4, vm0, $0xb8;
	[tilespmem:$0x18100] =	vst v63  }
0x125: {  	s5 =	simm.s32 $0x1100  }
0x126: {  	[tilespmem:s5], [sflag:$0x1] =	stream.indirect_vreg.gather [hbm4b:s10+s2], $0x80, v4, vm0, $0xb8;
	[tilespmem:$0x18100] =	vst v63  }
0x127: {  	s13 =	simm.s32 $0x1900  }
0x128: {  	[tilespmem:s13], [sflag:$0x1] =	stream.indirect_vreg.gather [hbm4b:s30+s2], $0x80, v4, vm0, $0xb8;
	[tilespmem:$0x18100] =	vst v63  }
0x129: {  	s5 =	simm.s32 $0x2100  }
0x12a: {  	[tilespmem:s5], [sflag:$0x1] =	stream.indirect_vreg.gather [hbm4b:s31+s2], $0x80, v4, vm0, $0xb8;
	[tilespmem:$0x18100] =	vst v63  }
0x12b: {  	v3 =	vperm.xlane v3, v2;
	s13 =	simm.s32 $0x2900  }
0x12c: {  	[tilespmem:s13], [sflag:$0x1] =	stream.indirect_vreg.gather [hbm4b:s9+s2], $0x80, v4, vm0, $0xb8;
	[tilespmem:$0x18100] =	vst v63  }
0x12d: {  	v3 =	vadd.s32 v1, v3;
	s5 =	simm.s32 $0x3100  }
0x12e: {  	[tilespmem:s5], [sflag:$0x1] =	stream.indirect_vreg.gather [hbm4b:s11+s2], $0x80, v4, vm0, $0xb8;
	[tilespmem:$0x18100] =	vst v63  }
0x12f: {  	s13 =	simm.s32 $0x3900  }
0x130: {  	[tilespmem:s13], [sflag:$0x1] =	stream.indirect_vreg.gather [hbm4b:s12+s2], $0x80, v4, vm0, $0xb8;
	[tilespmem:$0x18100] =	vst v63  }
0x131: {  	s5 =	simm.s32 $0x4100  }
0x132: {  	[tilespmem:s5], [sflag:$0x1] =	stream.indirect_vreg.gather [hbm4b:s4+s2], $0x80, v3, vm0, $0xb8;
	[tilespmem:$0x18100] =	vst v63  }
0x133: {  	s13 =	simm.s32 $0x4900  }
0x134: {  	[tilespmem:s13], [sflag:$0x1] =	stream.indirect_vreg.gather [hbm4b:s8+s2], $0x80, v3, vm0, $0xb8;
	[tilespmem:$0x18100] =	vst v63  }
0x135: {  	s5 =	simm.s32 $0x5100  }
0x136: {  	[tilespmem:s5], [sflag:$0x1] =	stream.indirect_vreg.gather [hbm4b:s10+s2], $0x80, v3, vm0, $0xb8;
	[tilespmem:$0x18100] =	vst v63  }
0x137: {  	s13 =	simm.s32 $0x5900  }
0x138: {  	[tilespmem:s13], [sflag:$0x1] =	stream.indirect_vreg.gather [hbm4b:s30+s2], $0x80, v3, vm0, $0xb8;
	[tilespmem:$0x18100] =	vst v63  }
0x139: {  	s5 =	simm.s32 $0x6100  }
0x13a: {  	[tilespmem:s5], [sflag:$0x1] =	stream.indirect_vreg.gather [hbm4b:s31+s2], $0x80, v3, vm0, $0xb8;
	[tilespmem:$0x18100] =	vst v63  }
0x13b: {  	s13 =	simm.s32 $0x6900  }
0x13c: {  	[tilespmem:s13], [sflag:$0x1] =	stream.indirect_vreg.gather [hbm4b:s9+s2], $0x80, v3, vm0, $0xb8;
	[tilespmem:$0x18100] =	vst v63  }
0x13d: {  	s5 =	simm.s32 $0x7100  }
0x13e: {  	[tilespmem:s5], [sflag:$0x1] =	stream.indirect_vreg.gather [hbm4b:s11+s2], $0x80, v3, vm0, $0xb8;
	[tilespmem:$0x18100] =	vst v63  }
0x13f: {  	s13 =	simm.s32 $0x7900  }
0x140: {  	[tilespmem:s13], [sflag:$0x1] =	stream.indirect_vreg.gather [hbm4b:s12+s2], $0x80, v3, vm0, $0xb8;
	[tilespmem:$0x18100] =	vst v63  }
0x141: {  	_ =	swait.ge [sflag:s6], $0x8000  }
0x142: {  	[sflag:s6] =	ssyncset.done $0x0  }
0x143: {  	s5 =	simm.s32 $0x8100;
	s0 =	rddreg [dreg:$0x7];
	[sflag:s6] =	ssyncadd.s32 $0xFFFF8000  }
0x144: {  	[hbm4b:s0+s2] =	stream.linear.scatter [tilespmem:s5], [sflag:$0x5], $0x8000, $0x38;
	[tilespmem:$0x18100] =	vst v63  }
0x145: {  	_ =	swait.ge [sflag:s26], $0x8000  }
0x146: {  	[sflag:s26] =	ssyncset.done $0x0  }
0x147: {  	[sflag:s26] =	ssyncadd.s32 $0xFFFF8000  }
0x148: {  	v3 =	vld [tilespmem:$0x70];
	_ =	sdelay $0x4  }
0x149: {  	v55 =	vshll.u32 v3, $0x4  }
0x14a: {  	v3 =	vand.u32 $0x7, v3;
	v4 =	vand.u32 $0xFFFFFF80, v55  }
0x14b: {  	v3 =	vor.u32 v3, v4  }
0x14c: {  	v4 =	vperm.xlane v3, v0;
	_ =	sdelay $0x1  }
0x14d: {  	v4 =	vadd.s32 v1, v4;
	_ =	sdelay $0x4  }
0x14e: {  	[tilespmem:s5], [sflag:$0x2] =	stream.indirect_vreg.gather [hbm4b:s4+s2], $0x80, v4, vm0, $0xb8;
	[tilespmem:$0x18100] =	vst v63  }
0x14f: {  	_ = 	snop  }
0x150: {  	[tilespmem:s25], [sflag:$0x2] =	stream.indirect_vreg.gather [hbm4b:s8+s2], $0x80, v4, vm0, $0xb8;
	[tilespmem:$0x18100] =	vst v63  }
0x151: {  	_ = 	snop  }
0x152: {  	[tilespmem:s17], [sflag:$0x2] =	stream.indirect_vreg.gather [hbm4b:s10+s2], $0x80, v4, vm0, $0xb8;
	[tilespmem:$0x18100] =	vst v63  }
0x153: {  	_ = 	snop  }
0x154: {  	[tilespmem:s18], [sflag:$0x2] =	stream.indirect_vreg.gather [hbm4b:s30+s2], $0x80, v4, vm0, $0xb8;
	[tilespmem:$0x18100] =	vst v63  }
0x155: {  	s13 =	simm.s32 $0xA100  }
0x156: {  	[tilespmem:s13], [sflag:$0x2] =	stream.indirect_vreg.gather [hbm4b:s31+s2], $0x80, v4, vm0, $0xb8;
	[tilespmem:$0x18100] =	vst v63  }
0x157: {  	v3 =	vperm.xlane v3, v2  }
0x158: {  	[tilespmem:s7], [sflag:$0x2] =	stream.indirect_vreg.gather [hbm4b:s9+s2], $0x80, v4, vm0, $0xb8;
	[tilespmem:$0x18100] =	vst v63  }
0x159: {  	v3 =	vadd.s32 v1, v3  }
0x15a: {  	[tilespmem:s15], [sflag:$0x2] =	stream.indirect_vreg.gather [hbm4b:s11+s2], $0x80, v4, vm0, $0xb8;
	[tilespmem:$0x18100] =	vst v63  }
0x15b: {  	_ = 	snop  }
0x15c: {  	[tilespmem:s16], [sflag:$0x2] =	stream.indirect_vreg.gather [hbm4b:s12+s2], $0x80, v4, vm0, $0xb8;
	[tilespmem:$0x18100] =	vst v63  }
0x15d: {  	_ = 	snop  }
0x15e: {  	[tilespmem:s19], [sflag:$0x2] =	stream.indirect_vreg.gather [hbm4b:s4+s2], $0x80, v3, vm0, $0xb8;
	[tilespmem:$0x18100] =	vst v63  }
0x15f: {  	_ = 	snop  }
0x160: {  	[tilespmem:s20], [sflag:$0x2] =	stream.indirect_vreg.gather [hbm4b:s8+s2], $0x80, v3, vm0, $0xb8;
	[tilespmem:$0x18100] =	vst v63  }
0x161: {  	_ = 	snop  }
0x162: {  	[tilespmem:s21], [sflag:$0x2] =	stream.indirect_vreg.gather [hbm4b:s10+s2], $0x80, v3, vm0, $0xb8;
	[tilespmem:$0x18100] =	vst v63  }
0x163: {  	_ = 	snop  }
0x164: {  	[tilespmem:s22], [sflag:$0x2] =	stream.indirect_vreg.gather [hbm4b:s30+s2], $0x80, v3, vm0, $0xb8;
	[tilespmem:$0x18100] =	vst v63  }
0x165: {  	_ = 	snop  }
0x166: {  	[tilespmem:s23], [sflag:$0x2] =	stream.indirect_vreg.gather [hbm4b:s31+s2], $0x80, v3, vm0, $0xb8;
	[tilespmem:$0x18100] =	vst v63  }
0x167: {  	_ = 	snop  }
0x168: {  	[tilespmem:s24], [sflag:$0x2] =	stream.indirect_vreg.gather [hbm4b:s9+s2], $0x80, v3, vm0, $0xb8;
	[tilespmem:$0x18100] =	vst v63  }
0x169: {  	_ = 	snop  }
0x16a: {  	[tilespmem:s14], [sflag:$0x2] =	stream.indirect_vreg.gather [hbm4b:s11+s2], $0x80, v3, vm0, $0xb8;
	[tilespmem:$0x18100] =	vst v63  }
0x16b: {  	s15 =	simm.s32 $0xF900  }
0x16c: {  	[tilespmem:s15], [sflag:$0x2] =	stream.indirect_vreg.gather [hbm4b:s12+s2], $0x80, v3, vm0, $0xb8;
	[tilespmem:$0x18100] =	vst v63  }
0x16d: {  	_ =	swait.ge [sflag:s28], $0x8000  }
0x16e: {  	[sflag:s28] =	ssyncset.done $0x0  }
0x16f: {  	s17 =	simm.s32 $0x10100;
	s16 =	rddreg [dreg:$0x8];
	[sflag:s28] =	ssyncadd.s32 $0xFFFF8000  }
0x170: {  	[hbm4b:s16+s2] =	stream.linear.scatter [tilespmem:s17], [sflag:$0x6], $0x8000, $0x38;
	[tilespmem:$0x18100] =	vst v63  }
0x171: {  	_ =	swait.ge [sflag:s29], $0x8000  }
0x172: {  	[sflag:s29] =	ssyncset.done $0x0  }
0x173: {  	[sflag:s29] =	ssyncadd.s32 $0xFFFF8000  }
0x174: {  	v3 =	vld [tilespmem:$0x80];
	_ =	sdelay $0x4  }
0x175: {  	v56 =	vshll.u32 v3, $0x4  }
0x176: {  	v3 =	vand.u32 $0x7, v3;
	v4 =	vand.u32 $0xFFFFFF80, v56  }
0x177: {  	v3 =	vor.u32 v3, v4  }
0x178: {  	v4 =	vperm.xlane v3, v0;
	_ =	sdelay $0x1  }
0x179: {  	v4 =	vadd.s32 v1, v4;
	_ =	sdelay $0x4  }
0x17a: {  	[tilespmem:s17], [sflag:$0x3] =	stream.indirect_vreg.gather [hbm4b:s4+s2], $0x80, v4, vm0, $0xb8;
	[tilespmem:$0x18100] =	vst v63  }
0x17b: {  	s18 =	simm.s32 $0x10900  }
0x17c: {  	[tilespmem:s18], [sflag:$0x3] =	stream.indirect_vreg.gather [hbm4b:s8+s2], $0x80, v4, vm0, $0xb8;
	[tilespmem:$0x18100] =	vst v63  }
0x17d: {  	s16 =	simm.s32 $0x11100  }
0x17e: {  	[tilespmem:s16], [sflag:$0x3] =	stream.indirect_vreg.gather [hbm4b:s10+s2], $0x80, v4, vm0, $0xb8;
	[tilespmem:$0x18100] =	vst v63  }
0x17f: {  	s19 =	simm.s32 $0x11900  }
0x180: {  	[tilespmem:s19], [sflag:$0x3] =	stream.indirect_vreg.gather [hbm4b:s30+s2], $0x80, v4, vm0, $0xb8;
	[tilespmem:$0x18100] =	vst v63  }
0x181: {  	s20 =	simm.s32 $0x12100  }
0x182: {  	[tilespmem:s20], [sflag:$0x3] =	stream.indirect_vreg.gather [hbm4b:s31+s2], $0x80, v4, vm0, $0xb8;
	[tilespmem:$0x18100] =	vst v63  }
0x183: {  	s21 =	simm.s32 $0x12900;
	v3 =	vperm.xlane v3, v2  }
0x184: {  	[tilespmem:s21], [sflag:$0x3] =	stream.indirect_vreg.gather [hbm4b:s9+s2], $0x80, v4, vm0, $0xb8;
	[tilespmem:$0x18100] =	vst v63  }
0x185: {  	s22 =	simm.s32 $0x13100;
	v3 =	vadd.s32 v1, v3  }
0x186: {  	[tilespmem:s22], [sflag:$0x3] =	stream.indirect_vreg.gather [hbm4b:s11+s2], $0x80, v4, vm0, $0xb8;
	[tilespmem:$0x18100] =	vst v63  }
0x187: {  	s23 =	simm.s32 $0x13900  }
0x188: {  	[tilespmem:s23], [sflag:$0x3] =	stream.indirect_vreg.gather [hbm4b:s12+s2], $0x80, v4, vm0, $0xb8;
	[tilespmem:$0x18100] =	vst v63  }
0x189: {  	s24 =	simm.s32 $0x14100  }
0x18a: {  	[tilespmem:s24], [sflag:$0x3] =	stream.indirect_vreg.gather [hbm4b:s4+s2], $0x80, v3, vm0, $0xb8;
	[tilespmem:$0x18100] =	vst v63  }
0x18b: {  	s25 =	simm.s32 $0x14900  }
0x18c: {  	[tilespmem:s25], [sflag:$0x3] =	stream.indirect_vreg.gather [hbm4b:s8+s2], $0x80, v3, vm0, $0xb8;
	[tilespmem:$0x18100] =	vst v63  }
0x18d: {  	s7 =	simm.s32 $0x15100  }
0x18e: {  	[tilespmem:s7], [sflag:$0x3] =	stream.indirect_vreg.gather [hbm4b:s10+s2], $0x80, v3, vm0, $0xb8;
	[tilespmem:$0x18100] =	vst v63  }
0x18f: {  	s13 =	simm.s32 $0x15900  }
0x190: {  	[tilespmem:s13], [sflag:$0x3] =	stream.indirect_vreg.gather [hbm4b:s30+s2], $0x80, v3, vm0, $0xb8;
	[tilespmem:$0x18100] =	vst v63  }
0x191: {  	s14 =	simm.s32 $0x16100  }
0x192: {  	[tilespmem:s14], [sflag:$0x3] =	stream.indirect_vreg.gather [hbm4b:s31+s2], $0x80, v3, vm0, $0xb8;
	[tilespmem:$0x18100] =	vst v63  }
0x193: {  	s17 =	simm.s32 $0x16900  }
0x194: {  	[tilespmem:s17], [sflag:$0x3] =	stream.indirect_vreg.gather [hbm4b:s9+s2], $0x80, v3, vm0, $0xb8;
	[tilespmem:$0x18100] =	vst v63  }
0x195: {  	s18 =	simm.s32 $0x17100  }
0x196: {  	[tilespmem:s18], [sflag:$0x3] =	stream.indirect_vreg.gather [hbm4b:s11+s2], $0x80, v3, vm0, $0xb8;
	[tilespmem:$0x18100] =	vst v63  }
0x197: {  	s19 =	simm.s32 $0x17900  }
0x198: {  	[tilespmem:s19], [sflag:$0x3] =	stream.indirect_vreg.gather [hbm4b:s12+s2], $0x80, v3, vm0, $0xb8;
	[tilespmem:$0x18100] =	vst v63  }
0x199: {  	_ =	swait.ge [sflag:s1], $0x8000  }
0x19a: {  	[sflag:s1] =	ssyncset.done $0x0  }
0x19b: {  	s21 =	simm.s32 $0x100;
	s20 =	rddreg [dreg:$0x9];
	[sflag:s1] =	ssyncadd.s32 $0xFFFF8000  }
0x19c: {  	[hbm4b:s20+s2] =	stream.linear.scatter [tilespmem:s21], [sflag:$0x4], $0x8000, $0x38;
	[tilespmem:$0x18100] =	vst v63  }
0x19d: {  	_ =	swait.ge [sflag:s3], $0x8000  }
0x19e: {  	[sflag:s3] =	ssyncset.done $0x0  }
0x19f: {  	[sflag:s3] =	ssyncadd.s32 $0xFFFF8000  }
0x1a0: {  	v3 =	vld [tilespmem:$0x90];
	_ =	sdelay $0x4  }
0x1a1: {  	v57 =	vshll.u32 v3, $0x4  }
0x1a2: {  	v3 =	vand.u32 $0x7, v3;
	v4 =	vand.u32 $0xFFFFFF80, v57  }
0x1a3: {  	v3 =	vor.u32 v3, v4  }
0x1a4: {  	v4 =	vperm.xlane v3, v0;
	_ =	sdelay $0x1  }
0x1a5: {  	v4 =	vadd.s32 v1, v4;
	_ =	sdelay $0x4  }
0x1a6: {  	[tilespmem:s21], [sflag:$0x1] =	stream.indirect_vreg.gather [hbm4b:s4+s2], $0x80, v4, vm0, $0xb8;
	[tilespmem:$0x18100] =	vst v63  }
0x1a7: {  	s0 =	simm.s32 $0x900  }
0x1a8: {  	[tilespmem:s0], [sflag:$0x1] =	stream.indirect_vreg.gather [hbm4b:s8+s2], $0x80, v4, vm0, $0xb8;
	[tilespmem:$0x18100] =	vst v63  }
0x1a9: {  	s22 =	simm.s32 $0x1100  }
0x1aa: {  	[tilespmem:s22], [sflag:$0x1] =	stream.indirect_vreg.gather [hbm4b:s10+s2], $0x80, v4, vm0, $0xb8;
	[tilespmem:$0x18100] =	vst v63  }
0x1ab: {  	s23 =	simm.s32 $0x1900  }
0x1ac: {  	[tilespmem:s23], [sflag:$0x1] =	stream.indirect_vreg.gather [hbm4b:s30+s2], $0x80, v4, vm0, $0xb8;
	[tilespmem:$0x18100] =	vst v63  }
0x1ad: {  	s14 =	simm.s32 $0x2100  }
0x1ae: {  	[tilespmem:s14], [sflag:$0x1] =	stream.indirect_vreg.gather [hbm4b:s31+s2], $0x80, v4, vm0, $0xb8;
	[tilespmem:$0x18100] =	vst v63  }
0x1af: {  	s24 =	simm.s32 $0x2900;
	v3 =	vperm.xlane v3, v2  }
0x1b0: {  	[tilespmem:s24], [sflag:$0x1] =	stream.indirect_vreg.gather [hbm4b:s9+s2], $0x80, v4, vm0, $0xb8;
	[tilespmem:$0x18100] =	vst v63  }
0x1b1: {  	s25 =	simm.s32 $0x3100;
	v3 =	vadd.s32 v1, v3  }
0x1b2: {  	[tilespmem:s25], [sflag:$0x1] =	stream.indirect_vreg.gather [hbm4b:s11+s2], $0x80, v4, vm0, $0xb8;
	[tilespmem:$0x18100] =	vst v63  }
0x1b3: {  	s17 =	simm.s32 $0x3900  }
0x1b4: {  	[tilespmem:s17], [sflag:$0x1] =	stream.indirect_vreg.gather [hbm4b:s12+s2], $0x80, v4, vm0, $0xb8;
	[tilespmem:$0x18100] =	vst v63  }
0x1b5: {  	s18 =	simm.s32 $0x4100  }
0x1b6: {  	[tilespmem:s18], [sflag:$0x1] =	stream.indirect_vreg.gather [hbm4b:s4+s2], $0x80, v3, vm0, $0xb8;
	[tilespmem:$0x18100] =	vst v63  }
0x1b7: {  	s19 =	simm.s32 $0x4900  }
0x1b8: {  	[tilespmem:s19], [sflag:$0x1] =	stream.indirect_vreg.gather [hbm4b:s8+s2], $0x80, v3, vm0, $0xb8;
	[tilespmem:$0x18100] =	vst v63  }
0x1b9: {  	s20 =	simm.s32 $0x5100  }
0x1ba: {  	[tilespmem:s20], [sflag:$0x1] =	stream.indirect_vreg.gather [hbm4b:s10+s2], $0x80, v3, vm0, $0xb8;
	[tilespmem:$0x18100] =	vst v63  }
0x1bb: {  	s21 =	simm.s32 $0x5900  }
0x1bc: {  	[tilespmem:s21], [sflag:$0x1] =	stream.indirect_vreg.gather [hbm4b:s30+s2], $0x80, v3, vm0, $0xb8;
	[tilespmem:$0x18100] =	vst v63  }
0x1bd: {  	s22 =	simm.s32 $0x6100  }
0x1be: {  	[tilespmem:s22], [sflag:$0x1] =	stream.indirect_vreg.gather [hbm4b:s31+s2], $0x80, v3, vm0, $0xb8;
	[tilespmem:$0x18100] =	vst v63  }
0x1bf: {  	s23 =	simm.s32 $0x6900  }
0x1c0: {  	[tilespmem:s23], [sflag:$0x1] =	stream.indirect_vreg.gather [hbm4b:s9+s2], $0x80, v3, vm0, $0xb8;
	[tilespmem:$0x18100] =	vst v63  }
0x1c1: {  	s24 =	simm.s32 $0x7100  }
0x1c2: {  	[tilespmem:s24], [sflag:$0x1] =	stream.indirect_vreg.gather [hbm4b:s11+s2], $0x80, v3, vm0, $0xb8;
	[tilespmem:$0x18100] =	vst v63  }
0x1c3: {  	s25 =	simm.s32 $0x7900  }
0x1c4: {  	[tilespmem:s25], [sflag:$0x1] =	stream.indirect_vreg.gather [hbm4b:s12+s2], $0x80, v3, vm0, $0xb8;
	[tilespmem:$0x18100] =	vst v63  }
0x1c5: {  	_ =	swait.ge [sflag:s6], $0x8000  }
0x1c6: {  	[sflag:s6] =	ssyncset.done $0x0  }
0x1c7: {  	s5 =	simm.s32 $0x8100;
	s7 =	rddreg [dreg:$0xa];
	[sflag:s6] =	ssyncadd.s32 $0xFFFF8000  }
0x1c8: {  	[hbm4b:s7+s2] =	stream.linear.scatter [tilespmem:s5], [sflag:$0x5], $0x8000, $0x38;
	[tilespmem:$0x18100] =	vst v63  }
0x1c9: {  	_ =	swait.ge [sflag:s26], $0x8000  }
0x1ca: {  	[sflag:s26] =	ssyncset.done $0x0  }
0x1cb: {  	[sflag:s26] =	ssyncadd.s32 $0xFFFF8000  }
0x1cc: {  	v3 =	vld [tilespmem:$0xA0];
	_ =	sdelay $0x4  }
0x1cd: {  	v58 =	vshll.u32 v3, $0x4  }
0x1ce: {  	v3 =	vand.u32 $0x7, v3;
	v4 =	vand.u32 $0xFFFFFF80, v58  }
0x1cf: {  	v3 =	vor.u32 v3, v4  }
0x1d0: {  	v4 =	vperm.xlane v3, v0;
	_ =	sdelay $0x1  }
0x1d1: {  	v4 =	vadd.s32 v1, v4;
	_ =	sdelay $0x4  }
0x1d2: {  	[tilespmem:s5], [sflag:$0x2] =	stream.indirect_vreg.gather [hbm4b:s4+s2], $0x80, v4, vm0, $0xb8;
	[tilespmem:$0x18100] =	vst v63  }
0x1d3: {  	s13 =	simm.s32 $0x8900  }
0x1d4: {  	[tilespmem:s13], [sflag:$0x2] =	stream.indirect_vreg.gather [hbm4b:s8+s2], $0x80, v4, vm0, $0xb8;
	[tilespmem:$0x18100] =	vst v63  }
0x1d5: {  	s7 =	simm.s32 $0x9100  }
0x1d6: {  	[tilespmem:s7], [sflag:$0x2] =	stream.indirect_vreg.gather [hbm4b:s10+s2], $0x80, v4, vm0, $0xb8;
	[tilespmem:$0x18100] =	vst v63  }
0x1d7: {  	s13 =	simm.s32 $0x9900  }
0x1d8: {  	[tilespmem:s13], [sflag:$0x2] =	stream.indirect_vreg.gather [hbm4b:s30+s2], $0x80, v4, vm0, $0xb8;
	[tilespmem:$0x18100] =	vst v63  }
0x1d9: {  	s7 =	simm.s32 $0xA100  }
0x1da: {  	[tilespmem:s7], [sflag:$0x2] =	stream.indirect_vreg.gather [hbm4b:s31+s2], $0x80, v4, vm0, $0xb8;
	[tilespmem:$0x18100] =	vst v63  }
0x1db: {  	v3 =	vperm.xlane v3, v2;
	s13 =	simm.s32 $0xA900  }
0x1dc: {  	[tilespmem:s13], [sflag:$0x2] =	stream.indirect_vreg.gather [hbm4b:s9+s2], $0x80, v4, vm0, $0xb8;
	[tilespmem:$0x18100] =	vst v63  }
0x1dd: {  	v3 =	vadd.s32 v1, v3;
	s7 =	simm.s32 $0xB100  }
0x1de: {  	[tilespmem:s7], [sflag:$0x2] =	stream.indirect_vreg.gather [hbm4b:s11+s2], $0x80, v4, vm0, $0xb8;
	[tilespmem:$0x18100] =	vst v63  }
0x1df: {  	s13 =	simm.s32 $0xB900  }
0x1e0: {  	[tilespmem:s13], [sflag:$0x2] =	stream.indirect_vreg.gather [hbm4b:s12+s2], $0x80, v4, vm0, $0xb8;
	[tilespmem:$0x18100] =	vst v63  }
0x1e1: {  	s7 =	simm.s32 $0xC100  }
0x1e2: {  	[tilespmem:s7], [sflag:$0x2] =	stream.indirect_vreg.gather [hbm4b:s4+s2], $0x80, v3, vm0, $0xb8;
	[tilespmem:$0x18100] =	vst v63  }
0x1e3: {  	s13 =	simm.s32 $0xC900  }
0x1e4: {  	[tilespmem:s13], [sflag:$0x2] =	stream.indirect_vreg.gather [hbm4b:s8+s2], $0x80, v3, vm0, $0xb8;
	[tilespmem:$0x18100] =	vst v63  }
0x1e5: {  	s7 =	simm.s32 $0xD100  }
0x1e6: {  	[tilespmem:s7], [sflag:$0x2] =	stream.indirect_vreg.gather [hbm4b:s10+s2], $0x80, v3, vm0, $0xb8;
	[tilespmem:$0x18100] =	vst v63  }
0x1e7: {  	s13 =	simm.s32 $0xD900  }
0x1e8: {  	[tilespmem:s13], [sflag:$0x2] =	stream.indirect_vreg.gather [hbm4b:s30+s2], $0x80, v3, vm0, $0xb8;
	[tilespmem:$0x18100] =	vst v63  }
0x1e9: {  	s7 =	simm.s32 $0xE100  }
0x1ea: {  	[tilespmem:s7], [sflag:$0x2] =	stream.indirect_vreg.gather [hbm4b:s31+s2], $0x80, v3, vm0, $0xb8;
	[tilespmem:$0x18100] =	vst v63  }
0x1eb: {  	s13 =	simm.s32 $0xE900  }
0x1ec: {  	[tilespmem:s13], [sflag:$0x2] =	stream.indirect_vreg.gather [hbm4b:s9+s2], $0x80, v3, vm0, $0xb8;
	[tilespmem:$0x18100] =	vst v63  }
0x1ed: {  	s7 =	simm.s32 $0xF100  }
0x1ee: {  	[tilespmem:s7], [sflag:$0x2] =	stream.indirect_vreg.gather [hbm4b:s11+s2], $0x80, v3, vm0, $0xb8;
	[tilespmem:$0x18100] =	vst v63  }
0x1ef: {  	s13 =	simm.s32 $0xF900  }
0x1f0: {  	[tilespmem:s13], [sflag:$0x2] =	stream.indirect_vreg.gather [hbm4b:s12+s2], $0x80, v3, vm0, $0xb8;
	[tilespmem:$0x18100] =	vst v63  }
0x1f1: {  	_ =	swait.ge [sflag:s28], $0x8000  }
0x1f2: {  	[sflag:s28] =	ssyncset.done $0x0  }
0x1f3: {  	s15 =	simm.s32 $0x10100;
	s5 =	rddreg [dreg:$0xb];
	[sflag:s28] =	ssyncadd.s32 $0xFFFF8000  }
0x1f4: {  	[hbm4b:s5+s2] =	stream.linear.scatter [tilespmem:s15], [sflag:$0x6], $0x8000, $0x38;
	[tilespmem:$0x18100] =	vst v63  }
0x1f5: {  	_ =	swait.ge [sflag:s29], $0x8000  }
0x1f6: {  	[sflag:s29] =	ssyncset.done $0x0  }
0x1f7: {  	[sflag:s29] =	ssyncadd.s32 $0xFFFF8000  }
0x1f8: {  	v3 =	vld [tilespmem:$0xB0];
	_ =	sdelay $0x4  }
0x1f9: {  	v59 =	vshll.u32 v3, $0x4  }
0x1fa: {  	v3 =	vand.u32 $0x7, v3;
	v4 =	vand.u32 $0xFFFFFF80, v59  }
0x1fb: {  	v3 =	vor.u32 v3, v4  }
0x1fc: {  	v4 =	vperm.xlane v3, v0;
	_ =	sdelay $0x1  }
0x1fd: {  	v4 =	vadd.s32 v1, v4;
	_ =	sdelay $0x4  }
0x1fe: {  	[tilespmem:s15], [sflag:$0x3] =	stream.indirect_vreg.gather [hbm4b:s4+s2], $0x80, v4, vm0, $0xb8;
	[tilespmem:$0x18100] =	vst v63  }
0x1ff: {  	s7 =	simm.s32 $0x10900  }
0x200: {  	[tilespmem:s7], [sflag:$0x3] =	stream.indirect_vreg.gather [hbm4b:s8+s2], $0x80, v4, vm0, $0xb8;
	[tilespmem:$0x18100] =	vst v63  }
0x201: {  	_ = 	snop  }
0x202: {  	[tilespmem:s16], [sflag:$0x3] =	stream.indirect_vreg.gather [hbm4b:s10+s2], $0x80, v4, vm0, $0xb8;
	[tilespmem:$0x18100] =	vst v63  }
0x203: {  	s13 =	simm.s32 $0x11900  }
0x204: {  	[tilespmem:s13], [sflag:$0x3] =	stream.indirect_vreg.gather [hbm4b:s30+s2], $0x80, v4, vm0, $0xb8;
	[tilespmem:$0x18100] =	vst v63  }
0x205: {  	s15 =	simm.s32 $0x12100  }
0x206: {  	[tilespmem:s15], [sflag:$0x3] =	stream.indirect_vreg.gather [hbm4b:s31+s2], $0x80, v4, vm0, $0xb8;
	[tilespmem:$0x18100] =	vst v63  }
0x207: {  	v3 =	vperm.xlane v3, v2;
	s16 =	simm.s32 $0x12900  }
0x208: {  	[tilespmem:s16], [sflag:$0x3] =	stream.indirect_vreg.gather [hbm4b:s9+s2], $0x80, v4, vm0, $0xb8;
	[tilespmem:$0x18100] =	vst v63  }
0x209: {  	v3 =	vadd.s32 v1, v3;
	s7 =	simm.s32 $0x13100  }
0x20a: {  	[tilespmem:s7], [sflag:$0x3] =	stream.indirect_vreg.gather [hbm4b:s11+s2], $0x80, v4, vm0, $0xb8;
	[tilespmem:$0x18100] =	vst v63  }
0x20b: {  	s13 =	simm.s32 $0x13900  }
0x20c: {  	[tilespmem:s13], [sflag:$0x3] =	stream.indirect_vreg.gather [hbm4b:s12+s2], $0x80, v4, vm0, $0xb8;
	[tilespmem:$0x18100] =	vst v63  }
0x20d: {  	s15 =	simm.s32 $0x14100  }
0x20e: {  	[tilespmem:s15], [sflag:$0x3] =	stream.indirect_vreg.gather [hbm4b:s4+s2], $0x80, v3, vm0, $0xb8;
	[tilespmem:$0x18100] =	vst v63  }
0x20f: {  	s16 =	simm.s32 $0x14900  }
0x210: {  	[tilespmem:s16], [sflag:$0x3] =	stream.indirect_vreg.gather [hbm4b:s8+s2], $0x80, v3, vm0, $0xb8;
	[tilespmem:$0x18100] =	vst v63  }
0x211: {  	s7 =	simm.s32 $0x15100  }
0x212: {  	[tilespmem:s7], [sflag:$0x3] =	stream.indirect_vreg.gather [hbm4b:s10+s2], $0x80, v3, vm0, $0xb8;
	[tilespmem:$0x18100] =	vst v63  }
0x213: {  	s13 =	simm.s32 $0x15900  }
0x214: {  	[tilespmem:s13], [sflag:$0x3] =	stream.indirect_vreg.gather [hbm4b:s30+s2], $0x80, v3, vm0, $0xb8;
	[tilespmem:$0x18100] =	vst v63  }
0x215: {  	s15 =	simm.s32 $0x16100  }
0x216: {  	[tilespmem:s15], [sflag:$0x3] =	stream.indirect_vreg.gather [hbm4b:s31+s2], $0x80, v3, vm0, $0xb8;
	[tilespmem:$0x18100] =	vst v63  }
0x217: {  	s16 =	simm.s32 $0x16900  }
0x218: {  	[tilespmem:s16], [sflag:$0x3] =	stream.indirect_vreg.gather [hbm4b:s9+s2], $0x80, v3, vm0, $0xb8;
	[tilespmem:$0x18100] =	vst v63  }
0x219: {  	s7 =	simm.s32 $0x17100  }
0x21a: {  	[tilespmem:s7], [sflag:$0x3] =	stream.indirect_vreg.gather [hbm4b:s11+s2], $0x80, v3, vm0, $0xb8;
	[tilespmem:$0x18100] =	vst v63  }
0x21b: {  	s13 =	simm.s32 $0x17900  }
0x21c: {  	[tilespmem:s13], [sflag:$0x3] =	stream.indirect_vreg.gather [hbm4b:s12+s2], $0x80, v3, vm0, $0xb8;
	[tilespmem:$0x18100] =	vst v63  }
0x21d: {  	_ =	swait.ge [sflag:s1], $0x8000  }
0x21e: {  	[sflag:s1] =	ssyncset.done $0x0  }
0x21f: {  	s16 =	simm.s32 $0x100;
	s15 =	rddreg [dreg:$0xc];
	[sflag:s1] =	ssyncadd.s32 $0xFFFF8000  }
0x220: {  	[hbm4b:s15+s2] =	stream.linear.scatter [tilespmem:s16], [sflag:$0x4], $0x8000, $0x38;
	[tilespmem:$0x18100] =	vst v63  }
0x221: {  	_ =	swait.ge [sflag:s3], $0x8000  }
0x222: {  	[sflag:s3] =	ssyncset.done $0x0  }
0x223: {  	[sflag:s3] =	ssyncadd.s32 $0xFFFF8000  }
0x224: {  	v3 =	vld [tilespmem:$0xC0];
	_ =	sdelay $0x4  }
0x225: {  	v60 =	vshll.u32 v3, $0x4  }
0x226: {  	v3 =	vand.u32 $0x7, v3;
	v4 =	vand.u32 $0xFFFFFF80, v60  }
0x227: {  	v3 =	vor.u32 v3, v4  }
0x228: {  	v4 =	vperm.xlane v3, v0;
	_ =	sdelay $0x1  }
0x229: {  	v4 =	vadd.s32 v1, v4;
	_ =	sdelay $0x4  }
0x22a: {  	[tilespmem:s16], [sflag:$0x1] =	stream.indirect_vreg.gather [hbm4b:s4+s2], $0x80, v4, vm0, $0xb8;
	[tilespmem:$0x18100] =	vst v63  }
0x22b: {  	_ = 	snop  }
0x22c: {  	[tilespmem:s0], [sflag:$0x1] =	stream.indirect_vreg.gather [hbm4b:s8+s2], $0x80, v4, vm0, $0xb8;
	[tilespmem:$0x18100] =	vst v63  }
0x22d: {  	s0 =	simm.s32 $0x1100  }
0x22e: {  	[tilespmem:s0], [sflag:$0x1] =	stream.indirect_vreg.gather [hbm4b:s10+s2], $0x80, v4, vm0, $0xb8;
	[tilespmem:$0x18100] =	vst v63  }
0x22f: {  	s13 =	simm.s32 $0x1900  }
0x230: {  	[tilespmem:s13], [sflag:$0x1] =	stream.indirect_vreg.gather [hbm4b:s30+s2], $0x80, v4, vm0, $0xb8;
	[tilespmem:$0x18100] =	vst v63  }
0x231: {  	_ = 	snop  }
0x232: {  	[tilespmem:s14], [sflag:$0x1] =	stream.indirect_vreg.gather [hbm4b:s31+s2], $0x80, v4, vm0, $0xb8;
	[tilespmem:$0x18100] =	vst v63  }
0x233: {  	s15 =	simm.s32 $0x2900;
	v3 =	vperm.xlane v3, v2  }
0x234: {  	[tilespmem:s15], [sflag:$0x1] =	stream.indirect_vreg.gather [hbm4b:s9+s2], $0x80, v4, vm0, $0xb8;
	[tilespmem:$0x18100] =	vst v63  }
0x235: {  	v3 =	vadd.s32 v1, v3;
	s16 =	simm.s32 $0x3100  }
0x236: {  	[tilespmem:s16], [sflag:$0x1] =	stream.indirect_vreg.gather [hbm4b:s11+s2], $0x80, v4, vm0, $0xb8;
	[tilespmem:$0x18100] =	vst v63  }
0x237: {  	_ = 	snop  }
0x238: {  	[tilespmem:s17], [sflag:$0x1] =	stream.indirect_vreg.gather [hbm4b:s12+s2], $0x80, v4, vm0, $0xb8;
	[tilespmem:$0x18100] =	vst v63  }
0x239: {  	_ = 	snop  }
0x23a: {  	[tilespmem:s18], [sflag:$0x1] =	stream.indirect_vreg.gather [hbm4b:s4+s2], $0x80, v3, vm0, $0xb8;
	[tilespmem:$0x18100] =	vst v63  }
0x23b: {  	_ = 	snop  }
0x23c: {  	[tilespmem:s19], [sflag:$0x1] =	stream.indirect_vreg.gather [hbm4b:s8+s2], $0x80, v3, vm0, $0xb8;
	[tilespmem:$0x18100] =	vst v63  }
0x23d: {  	_ = 	snop  }
0x23e: {  	[tilespmem:s20], [sflag:$0x1] =	stream.indirect_vreg.gather [hbm4b:s10+s2], $0x80, v3, vm0, $0xb8;
	[tilespmem:$0x18100] =	vst v63  }
0x23f: {  	_ = 	snop  }
0x240: {  	[tilespmem:s21], [sflag:$0x1] =	stream.indirect_vreg.gather [hbm4b:s30+s2], $0x80, v3, vm0, $0xb8;
	[tilespmem:$0x18100] =	vst v63  }
0x241: {  	_ = 	snop  }
0x242: {  	[tilespmem:s22], [sflag:$0x1] =	stream.indirect_vreg.gather [hbm4b:s31+s2], $0x80, v3, vm0, $0xb8;
	[tilespmem:$0x18100] =	vst v63  }
0x243: {  	_ = 	snop  }
0x244: {  	[tilespmem:s23], [sflag:$0x1] =	stream.indirect_vreg.gather [hbm4b:s9+s2], $0x80, v3, vm0, $0xb8;
	[tilespmem:$0x18100] =	vst v63  }
0x245: {  	_ = 	snop  }
0x246: {  	[tilespmem:s24], [sflag:$0x1] =	stream.indirect_vreg.gather [hbm4b:s11+s2], $0x80, v3, vm0, $0xb8;
	[tilespmem:$0x18100] =	vst v63  }
0x247: {  	_ = 	snop  }
0x248: {  	[tilespmem:s25], [sflag:$0x1] =	stream.indirect_vreg.gather [hbm4b:s12+s2], $0x80, v3, vm0, $0xb8;
	[tilespmem:$0x18100] =	vst v63  }
0x249: {  	_ =	swait.ge [sflag:s6], $0x8000  }
0x24a: {  	[sflag:s6] =	ssyncset.done $0x0  }
0x24b: {  	s5 =	simm.s32 $0x8100;
	s0 =	rddreg [dreg:$0xd];
	[sflag:s6] =	ssyncadd.s32 $0xFFFF8000  }
0x24c: {  	[hbm4b:s0+s2] =	stream.linear.scatter [tilespmem:s5], [sflag:$0x5], $0x8000, $0x38;
	[tilespmem:$0x18100] =	vst v63  }
0x24d: {  	_ =	swait.ge [sflag:s26], $0x8000  }
0x24e: {  	[sflag:s26] =	ssyncset.done $0x0  }
0x24f: {  	[sflag:s26] =	ssyncadd.s32 $0xFFFF8000  }
0x250: {  	v3 =	vld [tilespmem:$0xD0];
	_ =	sdelay $0x4  }
0x251: {  	v61 =	vshll.u32 v3, $0x4  }
0x252: {  	v3 =	vand.u32 $0x7, v3;
	v4 =	vand.u32 $0xFFFFFF80, v61  }
0x253: {  	v3 =	vor.u32 v3, v4  }
0x254: {  	v4 =	vperm.xlane v3, v0;
	_ =	sdelay $0x1  }
0x255: {  	v4 =	vadd.s32 v1, v4;
	_ =	sdelay $0x4  }
0x256: {  	[tilespmem:s5], [sflag:$0x2] =	stream.indirect_vreg.gather [hbm4b:s4+s2], $0x80, v4, vm0, $0xb8;
	[tilespmem:$0x18100] =	vst v63  }
0x257: {  	s13 =	simm.s32 $0x8900  }
0x258: {  	[tilespmem:s13], [sflag:$0x2] =	stream.indirect_vreg.gather [hbm4b:s8+s2], $0x80, v4, vm0, $0xb8;
	[tilespmem:$0x18100] =	vst v63  }
0x259: {  	s13 =	simm.s32 $0x9100  }
0x25a: {  	[tilespmem:s13], [sflag:$0x2] =	stream.indirect_vreg.gather [hbm4b:s10+s2], $0x80, v4, vm0, $0xb8;
	[tilespmem:$0x18100] =	vst v63  }
0x25b: {  	s13 =	simm.s32 $0x9900  }
0x25c: {  	[tilespmem:s13], [sflag:$0x2] =	stream.indirect_vreg.gather [hbm4b:s30+s2], $0x80, v4, vm0, $0xb8;
	[tilespmem:$0x18100] =	vst v63  }
0x25d: {  	s13 =	simm.s32 $0xA100  }
0x25e: {  	[tilespmem:s13], [sflag:$0x2] =	stream.indirect_vreg.gather [hbm4b:s31+s2], $0x80, v4, vm0, $0xb8;
	[tilespmem:$0x18100] =	vst v63  }
0x25f: {  	v3 =	vperm.xlane v3, v2;
	s13 =	simm.s32 $0xA900  }
0x260: {  	[tilespmem:s13], [sflag:$0x2] =	stream.indirect_vreg.gather [hbm4b:s9+s2], $0x80, v4, vm0, $0xb8;
	[tilespmem:$0x18100] =	vst v63  }
0x261: {  	v3 =	vadd.s32 v1, v3;
	s13 =	simm.s32 $0xB100  }
0x262: {  	[tilespmem:s13], [sflag:$0x2] =	stream.indirect_vreg.gather [hbm4b:s11+s2], $0x80, v4, vm0, $0xb8;
	[tilespmem:$0x18100] =	vst v63  }
0x263: {  	s13 =	simm.s32 $0xB900  }
0x264: {  	[tilespmem:s13], [sflag:$0x2] =	stream.indirect_vreg.gather [hbm4b:s12+s2], $0x80, v4, vm0, $0xb8;
	[tilespmem:$0x18100] =	vst v63  }
0x265: {  	s13 =	simm.s32 $0xC100  }
0x266: {  	[tilespmem:s13], [sflag:$0x2] =	stream.indirect_vreg.gather [hbm4b:s4+s2], $0x80, v3, vm0, $0xb8;
	[tilespmem:$0x18100] =	vst v63  }
0x267: {  	s13 =	simm.s32 $0xC900  }
0x268: {  	[tilespmem:s13], [sflag:$0x2] =	stream.indirect_vreg.gather [hbm4b:s8+s2], $0x80, v3, vm0, $0xb8;
	[tilespmem:$0x18100] =	vst v63  }
0x269: {  	s13 =	simm.s32 $0xD100  }
0x26a: {  	[tilespmem:s13], [sflag:$0x2] =	stream.indirect_vreg.gather [hbm4b:s10+s2], $0x80, v3, vm0, $0xb8;
	[tilespmem:$0x18100] =	vst v63  }
0x26b: {  	s13 =	simm.s32 $0xD900  }
0x26c: {  	[tilespmem:s13], [sflag:$0x2] =	stream.indirect_vreg.gather [hbm4b:s30+s2], $0x80, v3, vm0, $0xb8;
	[tilespmem:$0x18100] =	vst v63  }
0x26d: {  	s13 =	simm.s32 $0xE100  }
0x26e: {  	[tilespmem:s13], [sflag:$0x2] =	stream.indirect_vreg.gather [hbm4b:s31+s2], $0x80, v3, vm0, $0xb8;
	[tilespmem:$0x18100] =	vst v63  }
0x26f: {  	s13 =	simm.s32 $0xE900  }
0x270: {  	[tilespmem:s13], [sflag:$0x2] =	stream.indirect_vreg.gather [hbm4b:s9+s2], $0x80, v3, vm0, $0xb8;
	[tilespmem:$0x18100] =	vst v63  }
0x271: {  	s13 =	simm.s32 $0xF100  }
0x272: {  	[tilespmem:s13], [sflag:$0x2] =	stream.indirect_vreg.gather [hbm4b:s11+s2], $0x80, v3, vm0, $0xb8;
	[tilespmem:$0x18100] =	vst v63  }
0x273: {  	s13 =	simm.s32 $0xF900  }
0x274: {  	[tilespmem:s13], [sflag:$0x2] =	stream.indirect_vreg.gather [hbm4b:s12+s2], $0x80, v3, vm0, $0xb8;
	[tilespmem:$0x18100] =	vst v63  }
0x275: {  	_ =	swait.ge [sflag:s28], $0x8000  }
0x276: {  	[sflag:s28] =	ssyncset.done $0x0  }
0x277: {  	s0 =	simm.s32 $0x10100;
	s13 =	rddreg [dreg:$0xe];
	[sflag:s28] =	ssyncadd.s32 $0xFFFF8000  }
0x278: {  	[hbm4b:s13+s2] =	stream.linear.scatter [tilespmem:s0], [sflag:$0x6], $0x8000, $0x38;
	[tilespmem:$0x18100] =	vst v63  }
0x279: {  	_ =	swait.ge [sflag:s29], $0x8000  }
0x27a: {  	[sflag:s29] =	ssyncset.done $0x0  }
0x27b: {  	[sflag:s29] =	ssyncadd.s32 $0xFFFF8000  }
0x27c: {  	v3 =	vld [tilespmem:$0xE0];
	_ =	sdelay $0x4  }
0x27d: {  	v62 =	vshll.u32 v3, $0x4  }
0x27e: {  	v3 =	vand.u32 $0x7, v3;
	v4 =	vand.u32 $0xFFFFFF80, v62  }
0x27f: {  	v3 =	vor.u32 v3, v4  }
0x280: {  	v4 =	vperm.xlane v3, v0;
	_ =	sdelay $0x1  }
0x281: {  	v4 =	vadd.s32 v1, v4;
	_ =	sdelay $0x4  }
0x282: {  	[tilespmem:s0], [sflag:$0x3] =	stream.indirect_vreg.gather [hbm4b:s4+s2], $0x80, v4, vm0, $0xb8;
	[tilespmem:$0x18100] =	vst v63  }
0x283: {  	s13 =	simm.s32 $0x10900  }
0x284: {  	[tilespmem:s13], [sflag:$0x3] =	stream.indirect_vreg.gather [hbm4b:s8+s2], $0x80, v4, vm0, $0xb8;
	[tilespmem:$0x18100] =	vst v63  }
0x285: {  	s13 =	simm.s32 $0x11100  }
0x286: {  	[tilespmem:s13], [sflag:$0x3] =	stream.indirect_vreg.gather [hbm4b:s10+s2], $0x80, v4, vm0, $0xb8;
	[tilespmem:$0x18100] =	vst v63  }
0x287: {  	s13 =	simm.s32 $0x11900  }
0x288: {  	[tilespmem:s13], [sflag:$0x3] =	stream.indirect_vreg.gather [hbm4b:s30+s2], $0x80, v4, vm0, $0xb8;
	[tilespmem:$0x18100] =	vst v63  }
0x289: {  	s13 =	simm.s32 $0x12100  }
0x28a: {  	[tilespmem:s13], [sflag:$0x3] =	stream.indirect_vreg.gather [hbm4b:s31+s2], $0x80, v4, vm0, $0xb8;
	[tilespmem:$0x18100] =	vst v63  }
0x28b: {  	v3 =	vperm.xlane v3, v2;
	s13 =	simm.s32 $0x12900  }
0x28c: {  	[tilespmem:s13], [sflag:$0x3] =	stream.indirect_vreg.gather [hbm4b:s9+s2], $0x80, v4, vm0, $0xb8;
	[tilespmem:$0x18100] =	vst v63  }
0x28d: {  	v3 =	vadd.s32 v1, v3;
	s13 =	simm.s32 $0x13100  }
0x28e: {  	[tilespmem:s13], [sflag:$0x3] =	stream.indirect_vreg.gather [hbm4b:s11+s2], $0x80, v4, vm0, $0xb8;
	[tilespmem:$0x18100] =	vst v63  }
0x28f: {  	s13 =	simm.s32 $0x13900  }
0x290: {  	[tilespmem:s13], [sflag:$0x3] =	stream.indirect_vreg.gather [hbm4b:s12+s2], $0x80, v4, vm0, $0xb8;
	[tilespmem:$0x18100] =	vst v63  }
0x291: {  	s13 =	simm.s32 $0x14100  }
0x292: {  	[tilespmem:s13], [sflag:$0x3] =	stream.indirect_vreg.gather [hbm4b:s4+s2], $0x80, v3, vm0, $0xb8;
	[tilespmem:$0x18100] =	vst v63  }
0x293: {  	s13 =	simm.s32 $0x14900  }
0x294: {  	[tilespmem:s13], [sflag:$0x3] =	stream.indirect_vreg.gather [hbm4b:s8+s2], $0x80, v3, vm0, $0xb8;
	[tilespmem:$0x18100] =	vst v63  }
0x295: {  	s13 =	simm.s32 $0x15100  }
0x296: {  	[tilespmem:s13], [sflag:$0x3] =	stream.indirect_vreg.gather [hbm4b:s10+s2], $0x80, v3, vm0, $0xb8;
	[tilespmem:$0x18100] =	vst v63  }
0x297: {  	s13 =	simm.s32 $0x15900  }
0x298: {  	[tilespmem:s13], [sflag:$0x3] =	stream.indirect_vreg.gather [hbm4b:s30+s2], $0x80, v3, vm0, $0xb8;
	[tilespmem:$0x18100] =	vst v63  }
0x299: {  	s13 =	simm.s32 $0x16100  }
0x29a: {  	[tilespmem:s13], [sflag:$0x3] =	stream.indirect_vreg.gather [hbm4b:s31+s2], $0x80, v3, vm0, $0xb8;
	[tilespmem:$0x18100] =	vst v63  }
0x29b: {  	s13 =	simm.s32 $0x16900  }
0x29c: {  	[tilespmem:s13], [sflag:$0x3] =	stream.indirect_vreg.gather [hbm4b:s9+s2], $0x80, v3, vm0, $0xb8;
	[tilespmem:$0x18100] =	vst v63  }
0x29d: {  	s13 =	simm.s32 $0x17100  }
0x29e: {  	[tilespmem:s13], [sflag:$0x3] =	stream.indirect_vreg.gather [hbm4b:s11+s2], $0x80, v3, vm0, $0xb8;
	[tilespmem:$0x18100] =	vst v63  }
0x29f: {  	s13 =	simm.s32 $0x17900  }
0x2a0: {  	[tilespmem:s13], [sflag:$0x3] =	stream.indirect_vreg.gather [hbm4b:s12+s2], $0x80, v3, vm0, $0xb8;
	[tilespmem:$0x18100] =	vst v63  }
0x2a1: {  	_ =	swait.ge [sflag:s1], $0x8000  }
0x2a2: {  	[sflag:s1] =	ssyncset.done $0x0  }
0x2a3: {  	s7 =	simm.s32 $0x100;
	s13 =	rddreg [dreg:$0xf];
	[sflag:s1] =	ssyncadd.s32 $0xFFFF8000  }
0x2a4: {  	[hbm4b:s13+s2] =	stream.linear.scatter [tilespmem:s7], [sflag:$0x4], $0x8000, $0x38;
	[tilespmem:$0x18100] =	vst v63  }
0x2a5: {  	_ =	swait.ge [sflag:s3], $0x8000  }
0x2a6: {  	[sflag:s3] =	ssyncset.done $0x0  }
0x2a7: {  	[sflag:s3] =	ssyncadd.s32 $0xFFFF8000  }
0x2a8: {  	v3 =	vld [tilespmem:$0xF0];
	_ =	sdelay $0x4  }
0x2a9: {  	v63 =	vshll.u32 v3, $0x4  }
0x2aa: {  	v3 =	vand.u32 $0x7, v3;
	v4 =	vand.u32 $0xFFFFFF80, v63  }
0x2ab: {  	v3 =	vor.u32 v3, v4  }
0x2ac: {  	v4 =	vperm.xlane v3, v0;
	_ =	sdelay $0x1  }
0x2ad: {  	v4 =	vadd.s32 v1, v4;
	_ =	sdelay $0x4  }
0x2ae: {  	[tilespmem:s7], [sflag:$0x1] =	stream.indirect_vreg.gather [hbm4b:s4+s2], $0x80, v4, vm0, $0xb8;
	[tilespmem:$0x18100] =	vst v63  }
0x2af: {  	s13 =	simm.s32 $0x900  }
0x2b0: {  	[tilespmem:s13], [sflag:$0x1] =	stream.indirect_vreg.gather [hbm4b:s8+s2], $0x80, v4, vm0, $0xb8;
	[tilespmem:$0x18100] =	vst v63  }
0x2b1: {  	s13 =	simm.s32 $0x1100  }
0x2b2: {  	[tilespmem:s13], [sflag:$0x1] =	stream.indirect_vreg.gather [hbm4b:s10+s2], $0x80, v4, vm0, $0xb8;
	[tilespmem:$0x18100] =	vst v63  }
0x2b3: {  	s13 =	simm.s32 $0x1900  }
0x2b4: {  	[tilespmem:s13], [sflag:$0x1] =	stream.indirect_vreg.gather [hbm4b:s30+s2], $0x80, v4, vm0, $0xb8;
	[tilespmem:$0x18100] =	vst v63  }
0x2b5: {  	s14 =	simm.s32 $0x2100  }
0x2b6: {  	[tilespmem:s14], [sflag:$0x1] =	stream.indirect_vreg.gather [hbm4b:s31+s2], $0x80, v4, vm0, $0xb8;
	[tilespmem:$0x18100] =	vst v63  }
0x2b7: {  	s15 =	simm.s32 $0x2900;
	v3 =	vperm.xlane v3, v2  }
0x2b8: {  	[tilespmem:s15], [sflag:$0x1] =	stream.indirect_vreg.gather [hbm4b:s9+s2], $0x80, v4, vm0, $0xb8;
	[tilespmem:$0x18100] =	vst v63  }
0x2b9: {  	s16 =	simm.s32 $0x3100;
	v3 =	vadd.s32 v1, v3  }
0x2ba: {  	[tilespmem:s16], [sflag:$0x1] =	stream.indirect_vreg.gather [hbm4b:s11+s2], $0x80, v4, vm0, $0xb8;
	[tilespmem:$0x18100] =	vst v63  }
0x2bb: {  	s17 =	simm.s32 $0x3900  }
0x2bc: {  	[tilespmem:s17], [sflag:$0x1] =	stream.indirect_vreg.gather [hbm4b:s12+s2], $0x80, v4, vm0, $0xb8;
	[tilespmem:$0x18100] =	vst v63  }
0x2bd: {  	s18 =	simm.s32 $0x4100  }
0x2be: {  	[tilespmem:s18], [sflag:$0x1] =	stream.indirect_vreg.gather [hbm4b:s4+s2], $0x80, v3, vm0, $0xb8;
	[tilespmem:$0x18100] =	vst v63  }
0x2bf: {  	s19 =	simm.s32 $0x4900  }
0x2c0: {  	[tilespmem:s19], [sflag:$0x1] =	stream.indirect_vreg.gather [hbm4b:s8+s2], $0x80, v3, vm0, $0xb8;
	[tilespmem:$0x18100] =	vst v63  }
0x2c1: {  	s20 =	simm.s32 $0x5100  }
0x2c2: {  	[tilespmem:s20], [sflag:$0x1] =	stream.indirect_vreg.gather [hbm4b:s10+s2], $0x80, v3, vm0, $0xb8;
	[tilespmem:$0x18100] =	vst v63  }
0x2c3: {  	s21 =	simm.s32 $0x5900  }
0x2c4: {  	[tilespmem:s21], [sflag:$0x1] =	stream.indirect_vreg.gather [hbm4b:s30+s2], $0x80, v3, vm0, $0xb8;
	[tilespmem:$0x18100] =	vst v63  }
0x2c5: {  	s22 =	simm.s32 $0x6100  }
0x2c6: {  	[tilespmem:s22], [sflag:$0x1] =	stream.indirect_vreg.gather [hbm4b:s31+s2], $0x80, v3, vm0, $0xb8;
	[tilespmem:$0x18100] =	vst v63  }
0x2c7: {  	s23 =	simm.s32 $0x6900  }
0x2c8: {  	[tilespmem:s23], [sflag:$0x1] =	stream.indirect_vreg.gather [hbm4b:s9+s2], $0x80, v3, vm0, $0xb8;
	[tilespmem:$0x18100] =	vst v63  }
0x2c9: {  	s24 =	simm.s32 $0x7100  }
0x2ca: {  	[tilespmem:s24], [sflag:$0x1] =	stream.indirect_vreg.gather [hbm4b:s11+s2], $0x80, v3, vm0, $0xb8;
	[tilespmem:$0x18100] =	vst v63  }
0x2cb: {  	s25 =	simm.s32 $0x7900  }
0x2cc: {  	[tilespmem:s25], [sflag:$0x1] =	stream.indirect_vreg.gather [hbm4b:s12+s2], $0x80, v3, vm0, $0xb8;
	[tilespmem:$0x18100] =	vst v63  }
0x2cd: {  	_ =	swait.ge [sflag:s6], $0x8000  }
0x2ce: {  	[sflag:s6] =	ssyncset.done $0x0  }
0x2cf: {  	s5 =	simm.s32 $0x8100;
	s24 =	rddreg [dreg:$0x10];
	[sflag:s6] =	ssyncadd.s32 $0xFFFF8000  }
0x2d0: {  	[hbm4b:s24+s2] =	stream.linear.scatter [tilespmem:s5], [sflag:$0x5], $0x8000, $0x38;
	[tilespmem:$0x18100] =	vst v63  }
0x2d1: {  	_ =	swait.ge [sflag:s28], $0x8000  }
0x2d2: {  	[sflag:s28] =	ssyncset.done $0x0  }
0x2d3: {  	s0 =	simm.s32 $0x10100;
	s25 =	rddreg [dreg:$0x11];
	[sflag:s28] =	ssyncadd.s32 $0xFFFF8000  }
0x2d4: {  	[hbm4b:s25+s2] =	stream.linear.scatter [tilespmem:s0], [sflag:$0x6], $0x8000, $0x38;
	[tilespmem:$0x18100] =	vst v63  }
0x2d5: {  	_ =	swait.ge [sflag:s1], $0x8000  }
0x2d6: {  	[sflag:s1] =	ssyncset.done $0x0  }
0x2d7: {  	s30 =	rddreg [dreg:$0x12];
	[sflag:s1] =	ssyncadd.s32 $0xFFFF8000  }
0x2d8: {  	[hbm4b:s30+s2] =	stream.linear.scatter [tilespmem:s7], [sflag:$0x4], $0x8000, $0x38;
	[tilespmem:$0x18100] =	vst v63  }
0x2d9: {  	s31 =	rddreg [dreg:$0x14];
	_ =	swait.ge [sflag:s26], $0x8000  }
0x2da: {  	[sflag:s26] =	ssyncset.done $0x0  }
0x2db: {  	[sflag:s26] =	ssyncadd.s32 $0xFFFF8000  }
0x2dc: {  	p0 =	sne.s32 s31, $0x1;
	_ =	swait.ge [sflag:s29], $0x8000  }
.Ltmp0:
0x2dd: {  	[sflag:s29] =	ssyncset.done $0x0;
	(pc) =	sbr.rel @p0 .LBB2_1-.Ltmp0, $4  }
0x2de: {  	[sflag:s29] =	ssyncadd.s32 $0xFFFF8000  }
0x2df: {  	_ =	swait.ge [sflag:s3], $0x8000  }
0x2e0: {  	[sflag:s3] =	ssyncset.done $0x0  }
0x2e1: {  	s0 =	sadd.s32 $0xFFFFFFFF, s31;
	[sflag:s3] =	ssyncadd.s32 $0xFFFF8000  }
0x2e2: {  	_ =	sfence.sel $0x180000  }
0x2e3: {  	[bflag:$0x0] =	sbarrier.arrive $0xFFFF  }
0x2e4: {  	_ =	strace $0x90000047  }
0x2e5: {  	s0 =	stileid.u32;
	[bflag:$0x2] =	sbarrier.arrive $0xFFFF  }
0x2e6: {  	p0 =	sne.s32 s0, $0x0;
	s0 =	rddreg [dreg:$0x2]  }
0x2e7: {  	s0 =	sadd.s32 @!p0 $0x100000, s0  }
0x2e8: {  	[sflag:s0] =	ssyncadd.tile.s32 @!p0 $0x1;
	_ =	shalt  }
.Lfunc_end2:
_tile_overlayer_lowered:
.L_overlay_start_2:
0x2e9: {  	(tag) =	ssettag $0x2  }
0x2ea: {  	s0 =	rddreg [dreg:$0x0];
	s2 =	stileid.u32  }
0x2eb: {  	s1 =	rddreg [dreg:$0x1];
	p0 =	sne.s32 s2, $0x0  }
0x2ec: {  	s3 =	rddreg [dreg:$0x2];
	[bflag:$0x3] =	sbarrier.arrive $0xFFFF;
	s2 =	simm.s32 @!p0 $0x1C07  }
0x2ed: {  	[timem:s3], [sflag:s2] =	dma.local @!p0 [hbm:s0], s1  }
0x2ee: {  	s0 =	simm.s32 @!p0 $0x7  }
0x2ef: {  	_ =	swait.ge @!p0 [sflag:s0], s1  }
0x2f0: {  	s1 =	ssub.s32 @!p0 $0x0, s1;
	[sflag:s0] =	ssyncset.done @!p0 $0x0  }
0x2f1: {  	[sflag:s0] =	ssyncadd.s32 @!p0 s1  }
0x2f2: {  	[bflag:$0x3] =	sbarrier.arrive $0xFFFF  }
0x2f3: {  	_ =	shalt  }

</sc_bundles>
